<compile_context>
chip_gen: v7x
topology: tpu7x:2x2x1
jax: 0.10.2.dev20260603
libtpu: 0.0.44.dev20260713+nightly
codegen_flags: <defaults>
</compile_context>

<pallas_src>
import functools

import jax
import jax.numpy as jnp
from jax import lax
from jax.experimental import pallas as pl
from jax.experimental.pallas import tpu as pltpu
from jax.experimental.pallas import tpu_sc as plsc

DIM = 64
BATCH = 16384
NC = 2
NS = 16
NW = NC * NS
BPW = BATCH // NW
CHUNK = 128
NCHUNK = BPW // CHUNK
GROUPS = BPW // 16
EPS = 1e-12


def _rsqrt(x):
    i = lax.bitcast_convert_type(x, jnp.int32)
    i = jnp.int32(0x5F3759DF) - lax.shift_right_arithmetic(i, jnp.int32(1))
    y = lax.bitcast_convert_type(i, jnp.float32)
    hx = 0.5 * x
    for _ in range(3):
        y = y * (1.5 - hx * y * y)
    return y


def _body(hidx_hbm, tidx_hbm, ridx_hbm, ent_hbm, rel_hbm, out_hbm,
          hidx_v, tidx_v, ridx_v, h_rows, t_rows, r_rows, scores_v, sem):
    wid = lax.axis_index("s") * NC + lax.axis_index("c")
    crow = wid * NCHUNK

    pltpu.sync_copy(hidx_hbm.at[pl.ds(crow, NCHUNK)], hidx_v)
    pltpu.sync_copy(tidx_hbm.at[pl.ds(crow, NCHUNK)], tidx_v)
    pltpu.sync_copy(ridx_hbm.at[pl.ds(crow, NCHUNK)], ridx_v)

    copies = []
    for k in range(NCHUNK):
        rows = pl.ds(k * CHUNK, CHUNK)
        copies.append(pltpu.async_copy(ent_hbm.at[hidx_v.at[k]],
                                       h_rows.at[rows], sem))
        copies.append(pltpu.async_copy(ent_hbm.at[tidx_v.at[k]],
                                       t_rows.at[rows], sem))
        copies.append(pltpu.async_copy(rel_hbm.at[ridx_v.at[k]],
                                       r_rows.at[rows], sem))
    for c in copies:
        c.wait()

    zero = jnp.zeros((16,), jnp.float32)
    lanev = lax.iota(jnp.int32, 16)

    def group(g, carry):
        rows16 = g * 16 + lanev
        shh = stt = srr = shr = sht = srt = zero
        for j in range(DIM):
            w = (lanev + j) & (DIM - 1)
            h = plsc.load_gather(h_rows, [rows16, w])
            t = plsc.load_gather(t_rows, [rows16, w])
            r = plsc.load_gather(r_rows, [rows16, w])
            shh = shh + h * h
            stt = stt + t * t
            srr = srr + r * r
            shr = shr + h * r
            sht = sht + h * t
            srt = srt + r * t
        ih = 1.0 / jnp.maximum(shh * _rsqrt(shh), EPS)
        it = 1.0 / jnp.maximum(stt * _rsqrt(stt), EPS)
        ir = 1.0 / jnp.maximum(srr * _rsqrt(srr), EPS)
        s2 = (shh * ih * ih + srr * ir * ir + stt * it * it
              + 2.0 * (shr * (ih * ir) - sht * (ih * it) - srt * (ir * it)))
        s2 = jnp.maximum(s2, 0.0)
        scores_v[pl.ds(g * 16, 16)] = -(s2 * _rsqrt(s2))
        return carry

    lax.fori_loop(0, GROUPS, group, 0)
    pltpu.sync_copy(scores_v, out_hbm.at[pl.ds(wid * BPW, BPW)])


@jax.jit
def _transe_sc(hidx, tidx, ridx, ent_used, rel_emb):
    mesh = plsc.VectorSubcoreMesh(core_axis_name="c", subcore_axis_name="s")
    f = pl.kernel(
        _body,
        out_type=jax.ShapeDtypeStruct((BATCH,), jnp.float32),
        mesh=mesh,
        compiler_params=pltpu.CompilerParams(
            needs_layout_passes=False, use_tc_tiling_on_sc=False),
        scratch_types=[
            pltpu.VMEM((NCHUNK, CHUNK), jnp.int32),
            pltpu.VMEM((NCHUNK, CHUNK), jnp.int32),
            pltpu.VMEM((NCHUNK, CHUNK), jnp.int32),
            pltpu.VMEM((BPW, DIM), jnp.float32),
            pltpu.VMEM((BPW, DIM), jnp.float32),
            pltpu.VMEM((BPW, DIM), jnp.float32),
            pltpu.VMEM((BPW,), jnp.float32),
            pltpu.SemaphoreType.DMA,
        ],
    )
    return f(hidx, tidx, ridx, ent_used, rel_emb)


def kernel(batch, ent_emb, rel_emb):
    b = batch.astype(jnp.int32)
    shape2 = (NW * NCHUNK, CHUNK)
    hidx = b[:, 0].reshape(shape2)
    tidx = b[:, 1].reshape(shape2)
    ridx = b[:, 2].reshape(shape2)
    n_used = rel_emb.shape[0]
    return _transe_sc(hidx, tidx, ridx, ent_emb[:n_used], rel_emb)

# --- scband reference (transcript-rebuilt; emitter-appended) ---
"""Pipeline reference for scband-trans-e-type-3813930959151 (READ-ONLY COPY).

The authoritative reference and input builder live on the scoring server;
editing this copy changes nothing except your own understanding.
"""

import jax, jax.numpy as jnp
import numpy as np

NUM_ENT = 1000000
NUM_REL = 100000
DIM = 64
P_NORM = 2
BATCH = 16384


def _normalize(x, p, eps=1e-12):
    # faithful to torch.nn.functional.normalize(x, p, dim=-1)
    if p == 2:
        n = jnp.sqrt(jnp.sum(x * x, axis=-1, keepdims=True))
    else:
        n = jnp.sum(jnp.abs(x) ** p, axis=-1, keepdims=True) ** (1.0 / p)
    return x / jnp.maximum(n, eps)


def setup_inputs(seed: int = 0) -> dict:
    key = jax.random.key(seed)
    k1, k2, k3 = jax.random.split(key, 3)
    init_range = 6.0 / np.sqrt(DIM)
    ent_emb = jax.random.uniform(k1, (NUM_ENT, DIM), minval=-init_range, maxval=init_range, dtype=jnp.float32)
    rel_emb = jax.random.uniform(k2, (NUM_REL, DIM), minval=-init_range, maxval=init_range, dtype=jnp.float32)
    batch = jax.random.randint(k3, (BATCH, 3), 0, NUM_REL)
    return {"batch": batch, "ent_emb": ent_emb, "rel_emb": rel_emb}


def reference(batch, ent_emb, rel_emb):
    h = jnp.take(ent_emb, batch[:, 0], axis=0)
    t = jnp.take(ent_emb, batch[:, 1], axis=0)
    r = jnp.take(rel_emb, batch[:, 2], axis=0)
    h = _normalize(h, P_NORM)
    t = _normalize(t, P_NORM)
    r = _normalize(r, P_NORM)
    res = h + r - t
    if P_NORM == 2:
        score = jnp.sqrt(jnp.sum(res * res, axis=-1))
    else:
        score = jnp.sum(jnp.abs(res) ** P_NORM, axis=-1) ** (1.0 / P_NORM)
    return -score

if __name__ == "__main__":
    import jax
    _d = setup_inputs()
    print(jax.jit(kernel)(*tuple(_d.values())))

</pallas_src>

<mosaic_0001>
#map = affine_map<(d0, d1) -> (0, 0)>
#map1 = affine_map<(d0, d1) -> (0)>
module attributes {stable_mosaic.version = 14 : i64} {
  func.func @_body(%arg0: i32, %arg1: i32, %arg2: memref<128x128xi32, #tpu.memory_space<hbm>>, %arg3: memref<128x128xi32, #tpu.memory_space<hbm>>, %arg4: memref<128x128xi32, #tpu.memory_space<hbm>>, %arg5: memref<100000x64xf32, #tpu.memory_space<hbm>>, %arg6: memref<100000x64xf32, #tpu.memory_space<hbm>>, %arg7: memref<16384xf32, #tpu.memory_space<hbm>>, %arg8: memref<4x128xi32, #tpu.memory_space<vmem>>, %arg9: memref<4x128xi32, #tpu.memory_space<vmem>>, %arg10: memref<4x128xi32, #tpu.memory_space<vmem>>, %arg11: memref<512x64xf32, #tpu.memory_space<vmem>>, %arg12: memref<512x64xf32, #tpu.memory_space<vmem>>, %arg13: memref<512x64xf32, #tpu.memory_space<vmem>>, %arg14: memref<512xf32, #tpu.memory_space<vmem>>, %arg15: memref<!tpu.dma_semaphore, #tpu.memory_space<semaphore_mem>>) attributes {dimension_semantics = [#tpu.dimension_semantics<core_parallel>, #tpu.dimension_semantics<subcore_parallel>], iteration_bounds = array<i64: 2, 16>, scalar_prefetch = 0 : i64, scratch_operands = 8 : i64, tpu.core_type = #tpu.core_type<sc_vector_subcore>, window_params = [{transform_indices = #map}, {transform_indices = #map}, {transform_indices = #map}, {transform_indices = #map}, {transform_indices = #map}, {transform_indices = #map1}]} {
    %mul3A = arith.constant 2 : i32
    %mul3A_0 = arith.muli %arg1, %mul3A : i32
    %add3A = arith.addi %mul3A_0, %arg0 : i32
    %mul3A_1 = arith.constant 4 : i32
    %mul3A_2 = arith.muli %add3A, %mul3A_1 : i32
    "tpu.region"() ({
      %run_scoped3A = tpu.sem_alloc : memref<!tpu.dma_semaphore, #tpu.memory_space<semaphore_mem>>
      %dma_start3A_249 = arith.constant 0 : i32
      %dma_start3A_250 = tpu.memref_slice %arg2[%mul3A_2, %dma_start3A_249] : memref<128x128xi32, #tpu.memory_space<hbm>> -> memref<4x128xi32, #tpu.memory_space<hbm>>
      %dma_start3A_251 = arith.constant 0 : i32
      %dma_start3A_252 = tpu.memref_slice %arg2[%mul3A_2, %dma_start3A_251] : memref<128x128xi32, #tpu.memory_space<hbm>> -> memref<4x128xi32, #tpu.memory_space<hbm>>
      tpu.enqueue_dma source(%dma_start3A_252 : memref<4x128xi32, #tpu.memory_space<hbm>>) target(%arg8 : memref<4x128xi32, #tpu.memory_space<vmem>>) target_semaphore(%run_scoped3A : memref<!tpu.dma_semaphore, #tpu.memory_space<semaphore_mem>>)
      %dma_wait3A_253 = arith.constant 0 : i32
      %dma_wait3A_254 = tpu.memref_slice %arg2[%mul3A_2, %dma_wait3A_253] : memref<128x128xi32, #tpu.memory_space<hbm>> -> memref<4x128xi32, #tpu.memory_space<hbm>>
      %dma_wait3A_255 = arith.constant 0 : i32
      %dma_wait3A_256 = tpu.memref_slice %arg2[%mul3A_2, %dma_wait3A_255] : memref<128x128xi32, #tpu.memory_space<hbm>> -> memref<4x128xi32, #tpu.memory_space<hbm>>
      tpu.wait_dma2 semaphore(%run_scoped3A : memref<!tpu.dma_semaphore, #tpu.memory_space<semaphore_mem>>) src(%dma_wait3A_256 : memref<4x128xi32, #tpu.memory_space<hbm>>) dst(%arg8 : memref<4x128xi32, #tpu.memory_space<vmem>>)
      tpu.yield
    }) : () -> ()
    "tpu.region"() ({
      %run_scoped3A = tpu.sem_alloc : memref<!tpu.dma_semaphore, #tpu.memory_space<semaphore_mem>>
      %dma_start3A_249 = arith.constant 0 : i32
      %dma_start3A_250 = tpu.memref_slice %arg3[%mul3A_2, %dma_start3A_249] : memref<128x128xi32, #tpu.memory_space<hbm>> -> memref<4x128xi32, #tpu.memory_space<hbm>>
      %dma_start3A_251 = arith.constant 0 : i32
      %dma_start3A_252 = tpu.memref_slice %arg3[%mul3A_2, %dma_start3A_251] : memref<128x128xi32, #tpu.memory_space<hbm>> -> memref<4x128xi32, #tpu.memory_space<hbm>>
      tpu.enqueue_dma source(%dma_start3A_252 : memref<4x128xi32, #tpu.memory_space<hbm>>) target(%arg9 : memref<4x128xi32, #tpu.memory_space<vmem>>) target_semaphore(%run_scoped3A : memref<!tpu.dma_semaphore, #tpu.memory_space<semaphore_mem>>)
      %dma_wait3A_253 = arith.constant 0 : i32
      %dma_wait3A_254 = tpu.memref_slice %arg3[%mul3A_2, %dma_wait3A_253] : memref<128x128xi32, #tpu.memory_space<hbm>> -> memref<4x128xi32, #tpu.memory_space<hbm>>
      %dma_wait3A_255 = arith.constant 0 : i32
      %dma_wait3A_256 = tpu.memref_slice %arg3[%mul3A_2, %dma_wait3A_255] : memref<128x128xi32, #tpu.memory_space<hbm>> -> memref<4x128xi32, #tpu.memory_space<hbm>>
      tpu.wait_dma2 semaphore(%run_scoped3A : memref<!tpu.dma_semaphore, #tpu.memory_space<semaphore_mem>>) src(%dma_wait3A_256 : memref<4x128xi32, #tpu.memory_space<hbm>>) dst(%arg9 : memref<4x128xi32, #tpu.memory_space<vmem>>)
      tpu.yield
    }) : () -> ()
    "tpu.region"() ({
      %run_scoped3A = tpu.sem_alloc : memref<!tpu.dma_semaphore, #tpu.memory_space<semaphore_mem>>
      %dma_start3A_249 = arith.constant 0 : i32
      %dma_start3A_250 = tpu.memref_slice %arg4[%mul3A_2, %dma_start3A_249] : memref<128x128xi32, #tpu.memory_space<hbm>> -> memref<4x128xi32, #tpu.memory_space<hbm>>
      %dma_start3A_251 = arith.constant 0 : i32
      %dma_start3A_252 = tpu.memref_slice %arg4[%mul3A_2, %dma_start3A_251] : memref<128x128xi32, #tpu.memory_space<hbm>> -> memref<4x128xi32, #tpu.memory_space<hbm>>
      tpu.enqueue_dma source(%dma_start3A_252 : memref<4x128xi32, #tpu.memory_space<hbm>>) target(%arg10 : memref<4x128xi32, #tpu.memory_space<vmem>>) target_semaphore(%run_scoped3A : memref<!tpu.dma_semaphore, #tpu.memory_space<semaphore_mem>>)
      %dma_wait3A_253 = arith.constant 0 : i32
      %dma_wait3A_254 = tpu.memref_slice %arg4[%mul3A_2, %dma_wait3A_253] : memref<128x128xi32, #tpu.memory_space<hbm>> -> memref<4x128xi32, #tpu.memory_space<hbm>>
      %dma_wait3A_255 = arith.constant 0 : i32
      %dma_wait3A_256 = tpu.memref_slice %arg4[%mul3A_2, %dma_wait3A_255] : memref<128x128xi32, #tpu.memory_space<hbm>> -> memref<4x128xi32, #tpu.memory_space<hbm>>
      tpu.wait_dma2 semaphore(%run_scoped3A : memref<!tpu.dma_semaphore, #tpu.memory_space<semaphore_mem>>) src(%dma_wait3A_256 : memref<4x128xi32, #tpu.memory_space<hbm>>) dst(%arg10 : memref<4x128xi32, #tpu.memory_space<vmem>>)
      tpu.yield
    }) : () -> ()
    %dma_start3A = arith.constant 0 : i32
    %dma_start3A_3 = arith.constant 0 : i32
    %dma_start3A_4 = arith.constant 0 : i32
    %dma_start3A_5 = tpu.memref_slice %arg11[%dma_start3A_3, %dma_start3A_4] : memref<512x64xf32, #tpu.memory_space<vmem>> -> memref<128x64xf32, #tpu.memory_space<vmem>>
    %dma_start3A_6 = arith.constant 0 : i32
    %dma_start3A_7 = tpu.memref_slice %arg8[%dma_start3A, %dma_start3A_6] : memref<4x128xi32, #tpu.memory_space<vmem>> -> memref<1x128xi32, #tpu.memory_space<vmem>>
    %dma_start3A_8 = tpu.memref_squeeze %dma_start3A_7 : memref<1x128xi32, #tpu.memory_space<vmem>> -> memref<128xi32, #tpu.memory_space<vmem>>
    %dma_start3A_9 = arith.constant 0 : i32
    %dma_start3A_10 = arith.constant 0 : i32
    %dma_start3A_11 = tpu.memref_slice %arg5[%dma_start3A_9, %dma_start3A_10] : memref<100000x64xf32, #tpu.memory_space<hbm>> -> memref<100000x64xf32, #tpu.memory_space<hbm>>
    tpu.enqueue_indirect_dma source(%dma_start3A_11 : memref<100000x64xf32, #tpu.memory_space<hbm>>) target(%dma_start3A_5 : memref<128x64xf32, #tpu.memory_space<vmem>>) offsets(%dma_start3A_8 : memref<128xi32, #tpu.memory_space<vmem>>) semaphore(%arg15 : memref<!tpu.dma_semaphore, #tpu.memory_space<semaphore_mem>>)
    %dma_start3A_12 = arith.constant 0 : i32
    %dma_start3A_13 = arith.constant 0 : i32
    %dma_start3A_14 = arith.constant 0 : i32
    %dma_start3A_15 = tpu.memref_slice %arg12[%dma_start3A_13, %dma_start3A_14] : memref<512x64xf32, #tpu.memory_space<vmem>> -> memref<128x64xf32, #tpu.memory_space<vmem>>
    %dma_start3A_16 = arith.constant 0 : i32
    %dma_start3A_17 = tpu.memref_slice %arg9[%dma_start3A_12, %dma_start3A_16] : memref<4x128xi32, #tpu.memory_space<vmem>> -> memref<1x128xi32, #tpu.memory_space<vmem>>
    %dma_start3A_18 = tpu.memref_squeeze %dma_start3A_17 : memref<1x128xi32, #tpu.memory_space<vmem>> -> memref<128xi32, #tpu.memory_space<vmem>>
    %dma_start3A_19 = arith.constant 0 : i32
    %dma_start3A_20 = arith.constant 0 : i32
    %dma_start3A_21 = tpu.memref_slice %arg5[%dma_start3A_19, %dma_start3A_20] : memref<100000x64xf32, #tpu.memory_space<hbm>> -> memref<100000x64xf32, #tpu.memory_space<hbm>>
    tpu.enqueue_indirect_dma source(%dma_start3A_21 : memref<100000x64xf32, #tpu.memory_space<hbm>>) target(%dma_start3A_15 : memref<128x64xf32, #tpu.memory_space<vmem>>) offsets(%dma_start3A_18 : memref<128xi32, #tpu.memory_space<vmem>>) semaphore(%arg15 : memref<!tpu.dma_semaphore, #tpu.memory_space<semaphore_mem>>)
    %dma_start3A_22 = arith.constant 0 : i32
    %dma_start3A_23 = arith.constant 0 : i32
    %dma_start3A_24 = arith.constant 0 : i32
    %dma_start3A_25 = tpu.memref_slice %arg13[%dma_start3A_23, %dma_start3A_24] : memref<512x64xf32, #tpu.memory_space<vmem>> -> memref<128x64xf32, #tpu.memory_space<vmem>>
    %dma_start3A_26 = arith.constant 0 : i32
    %dma_start3A_27 = tpu.memref_slice %arg10[%dma_start3A_22, %dma_start3A_26] : memref<4x128xi32, #tpu.memory_space<vmem>> -> memref<1x128xi32, #tpu.memory_space<vmem>>
    %dma_start3A_28 = tpu.memref_squeeze %dma_start3A_27 : memref<1x128xi32, #tpu.memory_space<vmem>> -> memref<128xi32, #tpu.memory_space<vmem>>
    %dma_start3A_29 = arith.constant 0 : i32
    %dma_start3A_30 = arith.constant 0 : i32
    %dma_start3A_31 = tpu.memref_slice %arg6[%dma_start3A_29, %dma_start3A_30] : memref<100000x64xf32, #tpu.memory_space<hbm>> -> memref<100000x64xf32, #tpu.memory_space<hbm>>
    tpu.enqueue_indirect_dma source(%dma_start3A_31 : memref<100000x64xf32, #tpu.memory_space<hbm>>) target(%dma_start3A_25 : memref<128x64xf32, #tpu.memory_space<vmem>>) offsets(%dma_start3A_28 : memref<128xi32, #tpu.memory_space<vmem>>) semaphore(%arg15 : memref<!tpu.dma_semaphore, #tpu.memory_space<semaphore_mem>>)
    %dma_start3A_32 = arith.constant 1 : i32
    %dma_start3A_33 = arith.constant 128 : i32
    %dma_start3A_34 = arith.constant 0 : i32
    %dma_start3A_35 = tpu.memref_slice %arg11[%dma_start3A_33, %dma_start3A_34] : memref<512x64xf32, #tpu.memory_space<vmem>> -> memref<128x64xf32, #tpu.memory_space<vmem>>
    %dma_start3A_36 = arith.constant 0 : i32
    %dma_start3A_37 = tpu.memref_slice %arg8[%dma_start3A_32, %dma_start3A_36] : memref<4x128xi32, #tpu.memory_space<vmem>> -> memref<1x128xi32, #tpu.memory_space<vmem>>
    %dma_start3A_38 = tpu.memref_squeeze %dma_start3A_37 : memref<1x128xi32, #tpu.memory_space<vmem>> -> memref<128xi32, #tpu.memory_space<vmem>>
    %dma_start3A_39 = arith.constant 0 : i32
    %dma_start3A_40 = arith.constant 0 : i32
    %dma_start3A_41 = tpu.memref_slice %arg5[%dma_start3A_39, %dma_start3A_40] : memref<100000x64xf32, #tpu.memory_space<hbm>> -> memref<100000x64xf32, #tpu.memory_space<hbm>>
    tpu.enqueue_indirect_dma source(%dma_start3A_41 : memref<100000x64xf32, #tpu.memory_space<hbm>>) target(%dma_start3A_35 : memref<128x64xf32, #tpu.memory_space<vmem>>) offsets(%dma_start3A_38 : memref<128xi32, #tpu.memory_space<vmem>>) semaphore(%arg15 : memref<!tpu.dma_semaphore, #tpu.memory_space<semaphore_mem>>)
    %dma_start3A_42 = arith.constant 1 : i32
    %dma_start3A_43 = arith.constant 128 : i32
    %dma_start3A_44 = arith.constant 0 : i32
    %dma_start3A_45 = tpu.memref_slice %arg12[%dma_start3A_43, %dma_start3A_44] : memref<512x64xf32, #tpu.memory_space<vmem>> -> memref<128x64xf32, #tpu.memory_space<vmem>>
    %dma_start3A_46 = arith.constant 0 : i32
    %dma_start3A_47 = tpu.memref_slice %arg9[%dma_start3A_42, %dma_start3A_46] : memref<4x128xi32, #tpu.memory_space<vmem>> -> memref<1x128xi32, #tpu.memory_space<vmem>>
    %dma_start3A_48 = tpu.memref_squeeze %dma_start3A_47 : memref<1x128xi32, #tpu.memory_space<vmem>> -> memref<128xi32, #tpu.memory_space<vmem>>
    %dma_start3A_49 = arith.constant 0 : i32
    %dma_start3A_50 = arith.constant 0 : i32
    %dma_start3A_51 = tpu.memref_slice %arg5[%dma_start3A_49, %dma_start3A_50] : memref<100000x64xf32, #tpu.memory_space<hbm>> -> memref<100000x64xf32, #tpu.memory_space<hbm>>
    tpu.enqueue_indirect_dma source(%dma_start3A_51 : memref<100000x64xf32, #tpu.memory_space<hbm>>) target(%dma_start3A_45 : memref<128x64xf32, #tpu.memory_space<vmem>>) offsets(%dma_start3A_48 : memref<128xi32, #tpu.memory_space<vmem>>) semaphore(%arg15 : memref<!tpu.dma_semaphore, #tpu.memory_space<semaphore_mem>>)
    %dma_start3A_52 = arith.constant 1 : i32
    %dma_start3A_53 = arith.constant 128 : i32
    %dma_start3A_54 = arith.constant 0 : i32
    %dma_start3A_55 = tpu.memref_slice %arg13[%dma_start3A_53, %dma_start3A_54] : memref<512x64xf32, #tpu.memory_space<vmem>> -> memref<128x64xf32, #tpu.memory_space<vmem>>
    %dma_start3A_56 = arith.constant 0 : i32
    %dma_start3A_57 = tpu.memref_slice %arg10[%dma_start3A_52, %dma_start3A_56] : memref<4x128xi32, #tpu.memory_space<vmem>> -> memref<1x128xi32, #tpu.memory_space<vmem>>
    %dma_start3A_58 = tpu.memref_squeeze %dma_start3A_57 : memref<1x128xi32, #tpu.memory_space<vmem>> -> memref<128xi32, #tpu.memory_space<vmem>>
    %dma_start3A_59 = arith.constant 0 : i32
    %dma_start3A_60 = arith.constant 0 : i32
    %dma_start3A_61 = tpu.memref_slice %arg6[%dma_start3A_59, %dma_start3A_60] : memref<100000x64xf32, #tpu.memory_space<hbm>> -> memref<100000x64xf32, #tpu.memory_space<hbm>>
    tpu.enqueue_indirect_dma source(%dma_start3A_61 : memref<100000x64xf32, #tpu.memory_space<hbm>>) target(%dma_start3A_55 : memref<128x64xf32, #tpu.memory_space<vmem>>) offsets(%dma_start3A_58 : memref<128xi32, #tpu.memory_space<vmem>>) semaphore(%arg15 : memref<!tpu.dma_semaphore, #tpu.memory_space<semaphore_mem>>)
    %dma_start3A_62 = arith.constant 2 : i32
    %dma_start3A_63 = arith.constant 256 : i32
    %dma_start3A_64 = arith.constant 0 : i32
    %dma_start3A_65 = tpu.memref_slice %arg11[%dma_start3A_63, %dma_start3A_64] : memref<512x64xf32, #tpu.memory_space<vmem>> -> memref<128x64xf32, #tpu.memory_space<vmem>>
    %dma_start3A_66 = arith.constant 0 : i32
    %dma_start3A_67 = tpu.memref_slice %arg8[%dma_start3A_62, %dma_start3A_66] : memref<4x128xi32, #tpu.memory_space<vmem>> -> memref<1x128xi32, #tpu.memory_space<vmem>>
    %dma_start3A_68 = tpu.memref_squeeze %dma_start3A_67 : memref<1x128xi32, #tpu.memory_space<vmem>> -> memref<128xi32, #tpu.memory_space<vmem>>
    %dma_start3A_69 = arith.constant 0 : i32
    %dma_start3A_70 = arith.constant 0 : i32
    %dma_start3A_71 = tpu.memref_slice %arg5[%dma_start3A_69, %dma_start3A_70] : memref<100000x64xf32, #tpu.memory_space<hbm>> -> memref<100000x64xf32, #tpu.memory_space<hbm>>
    tpu.enqueue_indirect_dma source(%dma_start3A_71 : memref<100000x64xf32, #tpu.memory_space<hbm>>) target(%dma_start3A_65 : memref<128x64xf32, #tpu.memory_space<vmem>>) offsets(%dma_start3A_68 : memref<128xi32, #tpu.memory_space<vmem>>) semaphore(%arg15 : memref<!tpu.dma_semaphore, #tpu.memory_space<semaphore_mem>>)
    %dma_start3A_72 = arith.constant 2 : i32
    %dma_start3A_73 = arith.constant 256 : i32
    %dma_start3A_74 = arith.constant 0 : i32
    %dma_start3A_75 = tpu.memref_slice %arg12[%dma_start3A_73, %dma_start3A_74] : memref<512x64xf32, #tpu.memory_space<vmem>> -> memref<128x64xf32, #tpu.memory_space<vmem>>
    %dma_start3A_76 = arith.constant 0 : i32
    %dma_start3A_77 = tpu.memref_slice %arg9[%dma_start3A_72, %dma_start3A_76] : memref<4x128xi32, #tpu.memory_space<vmem>> -> memref<1x128xi32, #tpu.memory_space<vmem>>
    %dma_start3A_78 = tpu.memref_squeeze %dma_start3A_77 : memref<1x128xi32, #tpu.memory_space<vmem>> -> memref<128xi32, #tpu.memory_space<vmem>>
    %dma_start3A_79 = arith.constant 0 : i32
    %dma_start3A_80 = arith.constant 0 : i32
    %dma_start3A_81 = tpu.memref_slice %arg5[%dma_start3A_79, %dma_start3A_80] : memref<100000x64xf32, #tpu.memory_space<hbm>> -> memref<100000x64xf32, #tpu.memory_space<hbm>>
    tpu.enqueue_indirect_dma source(%dma_start3A_81 : memref<100000x64xf32, #tpu.memory_space<hbm>>) target(%dma_start3A_75 : memref<128x64xf32, #tpu.memory_space<vmem>>) offsets(%dma_start3A_78 : memref<128xi32, #tpu.memory_space<vmem>>) semaphore(%arg15 : memref<!tpu.dma_semaphore, #tpu.memory_space<semaphore_mem>>)
    %dma_start3A_82 = arith.constant 2 : i32
    %dma_start3A_83 = arith.constant 256 : i32
    %dma_start3A_84 = arith.constant 0 : i32
    %dma_start3A_85 = tpu.memref_slice %arg13[%dma_start3A_83, %dma_start3A_84] : memref<512x64xf32, #tpu.memory_space<vmem>> -> memref<128x64xf32, #tpu.memory_space<vmem>>
    %dma_start3A_86 = arith.constant 0 : i32
    %dma_start3A_87 = tpu.memref_slice %arg10[%dma_start3A_82, %dma_start3A_86] : memref<4x128xi32, #tpu.memory_space<vmem>> -> memref<1x128xi32, #tpu.memory_space<vmem>>
    %dma_start3A_88 = tpu.memref_squeeze %dma_start3A_87 : memref<1x128xi32, #tpu.memory_space<vmem>> -> memref<128xi32, #tpu.memory_space<vmem>>
    %dma_start3A_89 = arith.constant 0 : i32
    %dma_start3A_90 = arith.constant 0 : i32
    %dma_start3A_91 = tpu.memref_slice %arg6[%dma_start3A_89, %dma_start3A_90] : memref<100000x64xf32, #tpu.memory_space<hbm>> -> memref<100000x64xf32, #tpu.memory_space<hbm>>
    tpu.enqueue_indirect_dma source(%dma_start3A_91 : memref<100000x64xf32, #tpu.memory_space<hbm>>) target(%dma_start3A_85 : memref<128x64xf32, #tpu.memory_space<vmem>>) offsets(%dma_start3A_88 : memref<128xi32, #tpu.memory_space<vmem>>) semaphore(%arg15 : memref<!tpu.dma_semaphore, #tpu.memory_space<semaphore_mem>>)
    %dma_start3A_92 = arith.constant 3 : i32
    %dma_start3A_93 = arith.constant 384 : i32
    %dma_start3A_94 = arith.constant 0 : i32
    %dma_start3A_95 = tpu.memref_slice %arg11[%dma_start3A_93, %dma_start3A_94] : memref<512x64xf32, #tpu.memory_space<vmem>> -> memref<128x64xf32, #tpu.memory_space<vmem>>
    %dma_start3A_96 = arith.constant 0 : i32
    %dma_start3A_97 = tpu.memref_slice %arg8[%dma_start3A_92, %dma_start3A_96] : memref<4x128xi32, #tpu.memory_space<vmem>> -> memref<1x128xi32, #tpu.memory_space<vmem>>
    %dma_start3A_98 = tpu.memref_squeeze %dma_start3A_97 : memref<1x128xi32, #tpu.memory_space<vmem>> -> memref<128xi32, #tpu.memory_space<vmem>>
    %dma_start3A_99 = arith.constant 0 : i32
    %dma_start3A_100 = arith.constant 0 : i32
    %dma_start3A_101 = tpu.memref_slice %arg5[%dma_start3A_99, %dma_start3A_100] : memref<100000x64xf32, #tpu.memory_space<hbm>> -> memref<100000x64xf32, #tpu.memory_space<hbm>>
    tpu.enqueue_indirect_dma source(%dma_start3A_101 : memref<100000x64xf32, #tpu.memory_space<hbm>>) target(%dma_start3A_95 : memref<128x64xf32, #tpu.memory_space<vmem>>) offsets(%dma_start3A_98 : memref<128xi32, #tpu.memory_space<vmem>>) semaphore(%arg15 : memref<!tpu.dma_semaphore, #tpu.memory_space<semaphore_mem>>)
    %dma_start3A_102 = arith.constant 3 : i32
    %dma_start3A_103 = arith.constant 384 : i32
    %dma_start3A_104 = arith.constant 0 : i32
    %dma_start3A_105 = tpu.memref_slice %arg12[%dma_start3A_103, %dma_start3A_104] : memref<512x64xf32, #tpu.memory_space<vmem>> -> memref<128x64xf32, #tpu.memory_space<vmem>>
    %dma_start3A_106 = arith.constant 0 : i32
    %dma_start3A_107 = tpu.memref_slice %arg9[%dma_start3A_102, %dma_start3A_106] : memref<4x128xi32, #tpu.memory_space<vmem>> -> memref<1x128xi32, #tpu.memory_space<vmem>>
    %dma_start3A_108 = tpu.memref_squeeze %dma_start3A_107 : memref<1x128xi32, #tpu.memory_space<vmem>> -> memref<128xi32, #tpu.memory_space<vmem>>
    %dma_start3A_109 = arith.constant 0 : i32
    %dma_start3A_110 = arith.constant 0 : i32
    %dma_start3A_111 = tpu.memref_slice %arg5[%dma_start3A_109, %dma_start3A_110] : memref<100000x64xf32, #tpu.memory_space<hbm>> -> memref<100000x64xf32, #tpu.memory_space<hbm>>
    tpu.enqueue_indirect_dma source(%dma_start3A_111 : memref<100000x64xf32, #tpu.memory_space<hbm>>) target(%dma_start3A_105 : memref<128x64xf32, #tpu.memory_space<vmem>>) offsets(%dma_start3A_108 : memref<128xi32, #tpu.memory_space<vmem>>) semaphore(%arg15 : memref<!tpu.dma_semaphore, #tpu.memory_space<semaphore_mem>>)
    %dma_start3A_112 = arith.constant 3 : i32
    %dma_start3A_113 = arith.constant 384 : i32
    %dma_start3A_114 = arith.constant 0 : i32
    %dma_start3A_115 = tpu.memref_slice %arg13[%dma_start3A_113, %dma_start3A_114] : memref<512x64xf32, #tpu.memory_space<vmem>> -> memref<128x64xf32, #tpu.memory_space<vmem>>
    %dma_start3A_116 = arith.constant 0 : i32
    %dma_start3A_117 = tpu.memref_slice %arg10[%dma_start3A_112, %dma_start3A_116] : memref<4x128xi32, #tpu.memory_space<vmem>> -> memref<1x128xi32, #tpu.memory_space<vmem>>
    %dma_start3A_118 = tpu.memref_squeeze %dma_start3A_117 : memref<1x128xi32, #tpu.memory_space<vmem>> -> memref<128xi32, #tpu.memory_space<vmem>>
    %dma_start3A_119 = arith.constant 0 : i32
    %dma_start3A_120 = arith.constant 0 : i32
    %dma_start3A_121 = tpu.memref_slice %arg6[%dma_start3A_119, %dma_start3A_120] : memref<100000x64xf32, #tpu.memory_space<hbm>> -> memref<100000x64xf32, #tpu.memory_space<hbm>>
    tpu.enqueue_indirect_dma source(%dma_start3A_121 : memref<100000x64xf32, #tpu.memory_space<hbm>>) target(%dma_start3A_115 : memref<128x64xf32, #tpu.memory_space<vmem>>) offsets(%dma_start3A_118 : memref<128xi32, #tpu.memory_space<vmem>>) semaphore(%arg15 : memref<!tpu.dma_semaphore, #tpu.memory_space<semaphore_mem>>)
    %dma_wait3A = arith.constant 0 : i32
    %dma_wait3A_122 = arith.constant 0 : i32
    %dma_wait3A_123 = arith.constant 0 : i32
    %dma_wait3A_124 = tpu.memref_slice %arg11[%dma_wait3A_122, %dma_wait3A_123] : memref<512x64xf32, #tpu.memory_space<vmem>> -> memref<128x64xf32, #tpu.memory_space<vmem>>
    %dma_wait3A_125 = arith.constant 0 : i32
    %dma_wait3A_126 = tpu.memref_slice %arg8[%dma_wait3A, %dma_wait3A_125] : memref<4x128xi32, #tpu.memory_space<vmem>> -> memref<1x128xi32, #tpu.memory_space<vmem>>
    %dma_wait3A_127 = tpu.memref_squeeze %dma_wait3A_126 : memref<1x128xi32, #tpu.memory_space<vmem>> -> memref<128xi32, #tpu.memory_space<vmem>>
    %dma_wait3A_128 = arith.constant 0 : i32
    %dma_wait3A_129 = arith.constant 0 : i32
    %dma_wait3A_130 = tpu.memref_slice %arg5[%dma_wait3A_128, %dma_wait3A_129] : memref<100000x64xf32, #tpu.memory_space<hbm>> -> memref<100000x64xf32, #tpu.memory_space<hbm>>
    tpu.wait_indirect_dma semaphore(%arg15 : memref<!tpu.dma_semaphore, #tpu.memory_space<semaphore_mem>>) src(%dma_wait3A_130 : memref<100000x64xf32, #tpu.memory_space<hbm>>) dst(%dma_wait3A_124 : memref<128x64xf32, #tpu.memory_space<vmem>>)
    %dma_wait3A_131 = arith.constant 0 : i32
    %dma_wait3A_132 = arith.constant 0 : i32
    %dma_wait3A_133 = arith.constant 0 : i32
    %dma_wait3A_134 = tpu.memref_slice %arg12[%dma_wait3A_132, %dma_wait3A_133] : memref<512x64xf32, #tpu.memory_space<vmem>> -> memref<128x64xf32, #tpu.memory_space<vmem>>
    %dma_wait3A_135 = arith.constant 0 : i32
    %dma_wait3A_136 = tpu.memref_slice %arg9[%dma_wait3A_131, %dma_wait3A_135] : memref<4x128xi32, #tpu.memory_space<vmem>> -> memref<1x128xi32, #tpu.memory_space<vmem>>
    %dma_wait3A_137 = tpu.memref_squeeze %dma_wait3A_136 : memref<1x128xi32, #tpu.memory_space<vmem>> -> memref<128xi32, #tpu.memory_space<vmem>>
    %dma_wait3A_138 = arith.constant 0 : i32
    %dma_wait3A_139 = arith.constant 0 : i32
    %dma_wait3A_140 = tpu.memref_slice %arg5[%dma_wait3A_138, %dma_wait3A_139] : memref<100000x64xf32, #tpu.memory_space<hbm>> -> memref<100000x64xf32, #tpu.memory_space<hbm>>
    tpu.wait_indirect_dma semaphore(%arg15 : memref<!tpu.dma_semaphore, #tpu.memory_space<semaphore_mem>>) src(%dma_wait3A_140 : memref<100000x64xf32, #tpu.memory_space<hbm>>) dst(%dma_wait3A_134 : memref<128x64xf32, #tpu.memory_space<vmem>>)
    %dma_wait3A_141 = arith.constant 0 : i32
    %dma_wait3A_142 = arith.constant 0 : i32
    %dma_wait3A_143 = arith.constant 0 : i32
    %dma_wait3A_144 = tpu.memref_slice %arg13[%dma_wait3A_142, %dma_wait3A_143] : memref<512x64xf32, #tpu.memory_space<vmem>> -> memref<128x64xf32, #tpu.memory_space<vmem>>
    %dma_wait3A_145 = arith.constant 0 : i32
    %dma_wait3A_146 = tpu.memref_slice %arg10[%dma_wait3A_141, %dma_wait3A_145] : memref<4x128xi32, #tpu.memory_space<vmem>> -> memref<1x128xi32, #tpu.memory_space<vmem>>
    %dma_wait3A_147 = tpu.memref_squeeze %dma_wait3A_146 : memref<1x128xi32, #tpu.memory_space<vmem>> -> memref<128xi32, #tpu.memory_space<vmem>>
    %dma_wait3A_148 = arith.constant 0 : i32
    %dma_wait3A_149 = arith.constant 0 : i32
    %dma_wait3A_150 = tpu.memref_slice %arg6[%dma_wait3A_148, %dma_wait3A_149] : memref<100000x64xf32, #tpu.memory_space<hbm>> -> memref<100000x64xf32, #tpu.memory_space<hbm>>
    tpu.wait_indirect_dma semaphore(%arg15 : memref<!tpu.dma_semaphore, #tpu.memory_space<semaphore_mem>>) src(%dma_wait3A_150 : memref<100000x64xf32, #tpu.memory_space<hbm>>) dst(%dma_wait3A_144 : memref<128x64xf32, #tpu.memory_space<vmem>>)
    %dma_wait3A_151 = arith.constant 1 : i32
    %dma_wait3A_152 = arith.constant 128 : i32
    %dma_wait3A_153 = arith.constant 0 : i32
    %dma_wait3A_154 = tpu.memref_slice %arg11[%dma_wait3A_152, %dma_wait3A_153] : memref<512x64xf32, #tpu.memory_space<vmem>> -> memref<128x64xf32, #tpu.memory_space<vmem>>
    %dma_wait3A_155 = arith.constant 0 : i32
    %dma_wait3A_156 = tpu.memref_slice %arg8[%dma_wait3A_151, %dma_wait3A_155] : memref<4x128xi32, #tpu.memory_space<vmem>> -> memref<1x128xi32, #tpu.memory_space<vmem>>
    %dma_wait3A_157 = tpu.memref_squeeze %dma_wait3A_156 : memref<1x128xi32, #tpu.memory_space<vmem>> -> memref<128xi32, #tpu.memory_space<vmem>>
    %dma_wait3A_158 = arith.constant 0 : i32
    %dma_wait3A_159 = arith.constant 0 : i32
    %dma_wait3A_160 = tpu.memref_slice %arg5[%dma_wait3A_158, %dma_wait3A_159] : memref<100000x64xf32, #tpu.memory_space<hbm>> -> memref<100000x64xf32, #tpu.memory_space<hbm>>
    tpu.wait_indirect_dma semaphore(%arg15 : memref<!tpu.dma_semaphore, #tpu.memory_space<semaphore_mem>>) src(%dma_wait3A_160 : memref<100000x64xf32, #tpu.memory_space<hbm>>) dst(%dma_wait3A_154 : memref<128x64xf32, #tpu.memory_space<vmem>>)
    %dma_wait3A_161 = arith.constant 1 : i32
    %dma_wait3A_162 = arith.constant 128 : i32
    %dma_wait3A_163 = arith.constant 0 : i32
    %dma_wait3A_164 = tpu.memref_slice %arg12[%dma_wait3A_162, %dma_wait3A_163] : memref<512x64xf32, #tpu.memory_space<vmem>> -> memref<128x64xf32, #tpu.memory_space<vmem>>
    %dma_wait3A_165 = arith.constant 0 : i32
    %dma_wait3A_166 = tpu.memref_slice %arg9[%dma_wait3A_161, %dma_wait3A_165] : memref<4x128xi32, #tpu.memory_space<vmem>> -> memref<1x128xi32, #tpu.memory_space<vmem>>
    %dma_wait3A_167 = tpu.memref_squeeze %dma_wait3A_166 : memref<1x128xi32, #tpu.memory_space<vmem>> -> memref<128xi32, #tpu.memory_space<vmem>>
    %dma_wait3A_168 = arith.constant 0 : i32
    %dma_wait3A_169 = arith.constant 0 : i32
    %dma_wait3A_170 = tpu.memref_slice %arg5[%dma_wait3A_168, %dma_wait3A_169] : memref<100000x64xf32, #tpu.memory_space<hbm>> -> memref<100000x64xf32, #tpu.memory_space<hbm>>
    tpu.wait_indirect_dma semaphore(%arg15 : memref<!tpu.dma_semaphore, #tpu.memory_space<semaphore_mem>>) src(%dma_wait3A_170 : memref<100000x64xf32, #tpu.memory_space<hbm>>) dst(%dma_wait3A_164 : memref<128x64xf32, #tpu.memory_space<vmem>>)
    %dma_wait3A_171 = arith.constant 1 : i32
    %dma_wait3A_172 = arith.constant 128 : i32
    %dma_wait3A_173 = arith.constant 0 : i32
    %dma_wait3A_174 = tpu.memref_slice %arg13[%dma_wait3A_172, %dma_wait3A_173] : memref<512x64xf32, #tpu.memory_space<vmem>> -> memref<128x64xf32, #tpu.memory_space<vmem>>
    %dma_wait3A_175 = arith.constant 0 : i32
    %dma_wait3A_176 = tpu.memref_slice %arg10[%dma_wait3A_171, %dma_wait3A_175] : memref<4x128xi32, #tpu.memory_space<vmem>> -> memref<1x128xi32, #tpu.memory_space<vmem>>
    %dma_wait3A_177 = tpu.memref_squeeze %dma_wait3A_176 : memref<1x128xi32, #tpu.memory_space<vmem>> -> memref<128xi32, #tpu.memory_space<vmem>>
    %dma_wait3A_178 = arith.constant 0 : i32
    %dma_wait3A_179 = arith.constant 0 : i32
    %dma_wait3A_180 = tpu.memref_slice %arg6[%dma_wait3A_178, %dma_wait3A_179] : memref<100000x64xf32, #tpu.memory_space<hbm>> -> memref<100000x64xf32, #tpu.memory_space<hbm>>
    tpu.wait_indirect_dma semaphore(%arg15 : memref<!tpu.dma_semaphore, #tpu.memory_space<semaphore_mem>>) src(%dma_wait3A_180 : memref<100000x64xf32, #tpu.memory_space<hbm>>) dst(%dma_wait3A_174 : memref<128x64xf32, #tpu.memory_space<vmem>>)
    %dma_wait3A_181 = arith.constant 2 : i32
    %dma_wait3A_182 = arith.constant 256 : i32
    %dma_wait3A_183 = arith.constant 0 : i32
    %dma_wait3A_184 = tpu.memref_slice %arg11[%dma_wait3A_182, %dma_wait3A_183] : memref<512x64xf32, #tpu.memory_space<vmem>> -> memref<128x64xf32, #tpu.memory_space<vmem>>
    %dma_wait3A_185 = arith.constant 0 : i32
    %dma_wait3A_186 = tpu.memref_slice %arg8[%dma_wait3A_181, %dma_wait3A_185] : memref<4x128xi32, #tpu.memory_space<vmem>> -> memref<1x128xi32, #tpu.memory_space<vmem>>
    %dma_wait3A_187 = tpu.memref_squeeze %dma_wait3A_186 : memref<1x128xi32, #tpu.memory_space<vmem>> -> memref<128xi32, #tpu.memory_space<vmem>>
    %dma_wait3A_188 = arith.constant 0 : i32
    %dma_wait3A_189 = arith.constant 0 : i32
    %dma_wait3A_190 = tpu.memref_slice %arg5[%dma_wait3A_188, %dma_wait3A_189] : memref<100000x64xf32, #tpu.memory_space<hbm>> -> memref<100000x64xf32, #tpu.memory_space<hbm>>
    tpu.wait_indirect_dma semaphore(%arg15 : memref<!tpu.dma_semaphore, #tpu.memory_space<semaphore_mem>>) src(%dma_wait3A_190 : memref<100000x64xf32, #tpu.memory_space<hbm>>) dst(%dma_wait3A_184 : memref<128x64xf32, #tpu.memory_space<vmem>>)
    %dma_wait3A_191 = arith.constant 2 : i32
    %dma_wait3A_192 = arith.constant 256 : i32
    %dma_wait3A_193 = arith.constant 0 : i32
    %dma_wait3A_194 = tpu.memref_slice %arg12[%dma_wait3A_192, %dma_wait3A_193] : memref<512x64xf32, #tpu.memory_space<vmem>> -> memref<128x64xf32, #tpu.memory_space<vmem>>
    %dma_wait3A_195 = arith.constant 0 : i32
    %dma_wait3A_196 = tpu.memref_slice %arg9[%dma_wait3A_191, %dma_wait3A_195] : memref<4x128xi32, #tpu.memory_space<vmem>> -> memref<1x128xi32, #tpu.memory_space<vmem>>
    %dma_wait3A_197 = tpu.memref_squeeze %dma_wait3A_196 : memref<1x128xi32, #tpu.memory_space<vmem>> -> memref<128xi32, #tpu.memory_space<vmem>>
    %dma_wait3A_198 = arith.constant 0 : i32
    %dma_wait3A_199 = arith.constant 0 : i32
    %dma_wait3A_200 = tpu.memref_slice %arg5[%dma_wait3A_198, %dma_wait3A_199] : memref<100000x64xf32, #tpu.memory_space<hbm>> -> memref<100000x64xf32, #tpu.memory_space<hbm>>
    tpu.wait_indirect_dma semaphore(%arg15 : memref<!tpu.dma_semaphore, #tpu.memory_space<semaphore_mem>>) src(%dma_wait3A_200 : memref<100000x64xf32, #tpu.memory_space<hbm>>) dst(%dma_wait3A_194 : memref<128x64xf32, #tpu.memory_space<vmem>>)
    %dma_wait3A_201 = arith.constant 2 : i32
    %dma_wait3A_202 = arith.constant 256 : i32
    %dma_wait3A_203 = arith.constant 0 : i32
    %dma_wait3A_204 = tpu.memref_slice %arg13[%dma_wait3A_202, %dma_wait3A_203] : memref<512x64xf32, #tpu.memory_space<vmem>> -> memref<128x64xf32, #tpu.memory_space<vmem>>
    %dma_wait3A_205 = arith.constant 0 : i32
    %dma_wait3A_206 = tpu.memref_slice %arg10[%dma_wait3A_201, %dma_wait3A_205] : memref<4x128xi32, #tpu.memory_space<vmem>> -> memref<1x128xi32, #tpu.memory_space<vmem>>
    %dma_wait3A_207 = tpu.memref_squeeze %dma_wait3A_206 : memref<1x128xi32, #tpu.memory_space<vmem>> -> memref<128xi32, #tpu.memory_space<vmem>>
    %dma_wait3A_208 = arith.constant 0 : i32
    %dma_wait3A_209 = arith.constant 0 : i32
    %dma_wait3A_210 = tpu.memref_slice %arg6[%dma_wait3A_208, %dma_wait3A_209] : memref<100000x64xf32, #tpu.memory_space<hbm>> -> memref<100000x64xf32, #tpu.memory_space<hbm>>
    tpu.wait_indirect_dma semaphore(%arg15 : memref<!tpu.dma_semaphore, #tpu.memory_space<semaphore_mem>>) src(%dma_wait3A_210 : memref<100000x64xf32, #tpu.memory_space<hbm>>) dst(%dma_wait3A_204 : memref<128x64xf32, #tpu.memory_space<vmem>>)
    %dma_wait3A_211 = arith.constant 3 : i32
    %dma_wait3A_212 = arith.constant 384 : i32
    %dma_wait3A_213 = arith.constant 0 : i32
    %dma_wait3A_214 = tpu.memref_slice %arg11[%dma_wait3A_212, %dma_wait3A_213] : memref<512x64xf32, #tpu.memory_space<vmem>> -> memref<128x64xf32, #tpu.memory_space<vmem>>
    %dma_wait3A_215 = arith.constant 0 : i32
    %dma_wait3A_216 = tpu.memref_slice %arg8[%dma_wait3A_211, %dma_wait3A_215] : memref<4x128xi32, #tpu.memory_space<vmem>> -> memref<1x128xi32, #tpu.memory_space<vmem>>
    %dma_wait3A_217 = tpu.memref_squeeze %dma_wait3A_216 : memref<1x128xi32, #tpu.memory_space<vmem>> -> memref<128xi32, #tpu.memory_space<vmem>>
    %dma_wait3A_218 = arith.constant 0 : i32
    %dma_wait3A_219 = arith.constant 0 : i32
    %dma_wait3A_220 = tpu.memref_slice %arg5[%dma_wait3A_218, %dma_wait3A_219] : memref<100000x64xf32, #tpu.memory_space<hbm>> -> memref<100000x64xf32, #tpu.memory_space<hbm>>
    tpu.wait_indirect_dma semaphore(%arg15 : memref<!tpu.dma_semaphore, #tpu.memory_space<semaphore_mem>>) src(%dma_wait3A_220 : memref<100000x64xf32, #tpu.memory_space<hbm>>) dst(%dma_wait3A_214 : memref<128x64xf32, #tpu.memory_space<vmem>>)
    %dma_wait3A_221 = arith.constant 3 : i32
    %dma_wait3A_222 = arith.constant 384 : i32
    %dma_wait3A_223 = arith.constant 0 : i32
    %dma_wait3A_224 = tpu.memref_slice %arg12[%dma_wait3A_222, %dma_wait3A_223] : memref<512x64xf32, #tpu.memory_space<vmem>> -> memref<128x64xf32, #tpu.memory_space<vmem>>
    %dma_wait3A_225 = arith.constant 0 : i32
    %dma_wait3A_226 = tpu.memref_slice %arg9[%dma_wait3A_221, %dma_wait3A_225] : memref<4x128xi32, #tpu.memory_space<vmem>> -> memref<1x128xi32, #tpu.memory_space<vmem>>
    %dma_wait3A_227 = tpu.memref_squeeze %dma_wait3A_226 : memref<1x128xi32, #tpu.memory_space<vmem>> -> memref<128xi32, #tpu.memory_space<vmem>>
    %dma_wait3A_228 = arith.constant 0 : i32
    %dma_wait3A_229 = arith.constant 0 : i32
    %dma_wait3A_230 = tpu.memref_slice %arg5[%dma_wait3A_228, %dma_wait3A_229] : memref<100000x64xf32, #tpu.memory_space<hbm>> -> memref<100000x64xf32, #tpu.memory_space<hbm>>
    tpu.wait_indirect_dma semaphore(%arg15 : memref<!tpu.dma_semaphore, #tpu.memory_space<semaphore_mem>>) src(%dma_wait3A_230 : memref<100000x64xf32, #tpu.memory_space<hbm>>) dst(%dma_wait3A_224 : memref<128x64xf32, #tpu.memory_space<vmem>>)
    %dma_wait3A_231 = arith.constant 3 : i32
    %dma_wait3A_232 = arith.constant 384 : i32
    %dma_wait3A_233 = arith.constant 0 : i32
    %dma_wait3A_234 = tpu.memref_slice %arg13[%dma_wait3A_232, %dma_wait3A_233] : memref<512x64xf32, #tpu.memory_space<vmem>> -> memref<128x64xf32, #tpu.memory_space<vmem>>
    %dma_wait3A_235 = arith.constant 0 : i32
    %dma_wait3A_236 = tpu.memref_slice %arg10[%dma_wait3A_231, %dma_wait3A_235] : memref<4x128xi32, #tpu.memory_space<vmem>> -> memref<1x128xi32, #tpu.memory_space<vmem>>
    %dma_wait3A_237 = tpu.memref_squeeze %dma_wait3A_236 : memref<1x128xi32, #tpu.memory_space<vmem>> -> memref<128xi32, #tpu.memory_space<vmem>>
    %dma_wait3A_238 = arith.constant 0 : i32
    %dma_wait3A_239 = arith.constant 0 : i32
    %dma_wait3A_240 = tpu.memref_slice %arg6[%dma_wait3A_238, %dma_wait3A_239] : memref<100000x64xf32, #tpu.memory_space<hbm>> -> memref<100000x64xf32, #tpu.memory_space<hbm>>
    tpu.wait_indirect_dma semaphore(%arg15 : memref<!tpu.dma_semaphore, #tpu.memory_space<semaphore_mem>>) src(%dma_wait3A_240 : memref<100000x64xf32, #tpu.memory_space<hbm>>) dst(%dma_wait3A_234 : memref<128x64xf32, #tpu.memory_space<vmem>>)
    %broadcast_in_dim3A = arith.constant 0.000000e+00 : f32
    %broadcast_in_dim3A_241 = vector.broadcast %broadcast_in_dim3A : f32 to vector<16xf32>
    %iota3A = tpu.iota {dimensions = array<i32: 0>} : vector<16xi32>
    %scan3A = arith.constant 0 : i32
    %scan3A_242 = arith.constant 0 : i32
    %scan3A_243 = arith.constant 32 : i32
    %scan3A_244 = arith.addi %scan3A_242, %scan3A_243 : i32
    %scan3A_245 = arith.constant 1 : i32
    scf.for %scan3A_249 = %scan3A_242 to %scan3A_244 step %scan3A_245  : i32 {
      %mul3A_250 = arith.constant 16 : i32
      %mul3A_251 = arith.muli %scan3A_249, %mul3A_250 : i32
      %add3A_252 = vector.broadcast %mul3A_251 : i32 to vector<16xi32>
      %add3A_253 = arith.addi %add3A_252, %iota3A : vector<16xi32>
      %add3A_254 = arith.constant 0 : i32
      %add3A_255 = vector.broadcast %add3A_254 : i32 to vector<16xi32>
      %add3A_256 = arith.addi %iota3A, %add3A_255 : vector<16xi32>
      %and3A = arith.constant 63 : i32
      %and3A_257 = vector.broadcast %and3A : i32 to vector<16xi32>
      %and3A_258 = arith.andi %add3A_256, %and3A_257 : vector<16xi32>
      %gather3A = tpu.vector_load_idx %arg11[%add3A_253, %and3A_258] : memref<512x64xf32, #tpu.memory_space<vmem>>[vector<16xi32>, vector<16xi32>], vector<16xf32>,
      %gather3A_259 = tpu.vector_load_idx %arg12[%add3A_253, %and3A_258] : memref<512x64xf32, #tpu.memory_space<vmem>>[vector<16xi32>, vector<16xi32>], vector<16xf32>,
      %gather3A_260 = tpu.vector_load_idx %arg13[%add3A_253, %and3A_258] : memref<512x64xf32, #tpu.memory_space<vmem>>[vector<16xi32>, vector<16xi32>], vector<16xf32>,
      %mul3A_261 = arith.mulf %gather3A, %gather3A : vector<16xf32>
      %add3A_262 = arith.addf %broadcast_in_dim3A_241, %mul3A_261 : vector<16xf32>
      %mul3A_263 = arith.mulf %gather3A_259, %gather3A_259 : vector<16xf32>
      %add3A_264 = arith.addf %broadcast_in_dim3A_241, %mul3A_263 : vector<16xf32>
      %mul3A_265 = arith.mulf %gather3A_260, %gather3A_260 : vector<16xf32>
      %add3A_266 = arith.addf %broadcast_in_dim3A_241, %mul3A_265 : vector<16xf32>
      %mul3A_267 = arith.mulf %gather3A, %gather3A_260 : vector<16xf32>
      %add3A_268 = arith.addf %broadcast_in_dim3A_241, %mul3A_267 : vector<16xf32>
      %mul3A_269 = arith.mulf %gather3A, %gather3A_259 : vector<16xf32>
      %add3A_270 = arith.addf %broadcast_in_dim3A_241, %mul3A_269 : vector<16xf32>
      %mul3A_271 = arith.mulf %gather3A_260, %gather3A_259 : vector<16xf32>
      %add3A_272 = arith.addf %broadcast_in_dim3A_241, %mul3A_271 : vector<16xf32>
      %add3A_273 = arith.constant 1 : i32
      %add3A_274 = vector.broadcast %add3A_273 : i32 to vector<16xi32>
      %add3A_275 = arith.addi %iota3A, %add3A_274 : vector<16xi32>
      %and3A_276 = arith.constant 63 : i32
      %and3A_277 = vector.broadcast %and3A_276 : i32 to vector<16xi32>
      %and3A_278 = arith.andi %add3A_275, %and3A_277 : vector<16xi32>
      %gather3A_279 = tpu.vector_load_idx %arg11[%add3A_253, %and3A_278] : memref<512x64xf32, #tpu.memory_space<vmem>>[vector<16xi32>, vector<16xi32>], vector<16xf32>,
      %gather3A_280 = tpu.vector_load_idx %arg12[%add3A_253, %and3A_278] : memref<512x64xf32, #tpu.memory_space<vmem>>[vector<16xi32>, vector<16xi32>], vector<16xf32>,
      %gather3A_281 = tpu.vector_load_idx %arg13[%add3A_253, %and3A_278] : memref<512x64xf32, #tpu.memory_space<vmem>>[vector<16xi32>, vector<16xi32>], vector<16xf32>,
      %mul3A_282 = arith.mulf %gather3A_279, %gather3A_279 : vector<16xf32>
      %add3A_283 = arith.addf %add3A_262, %mul3A_282 : vector<16xf32>
      %mul3A_284 = arith.mulf %gather3A_280, %gather3A_280 : vector<16xf32>
      %add3A_285 = arith.addf %add3A_264, %mul3A_284 : vector<16xf32>
      %mul3A_286 = arith.mulf %gather3A_281, %gather3A_281 : vector<16xf32>
      %add3A_287 = arith.addf %add3A_266, %mul3A_286 : vector<16xf32>
      %mul3A_288 = arith.mulf %gather3A_279, %gather3A_281 : vector<16xf32>
      %add3A_289 = arith.addf %add3A_268, %mul3A_288 : vector<16xf32>
      %mul3A_290 = arith.mulf %gather3A_279, %gather3A_280 : vector<16xf32>
      %add3A_291 = arith.addf %add3A_270, %mul3A_290 : vector<16xf32>
      %mul3A_292 = arith.mulf %gather3A_281, %gather3A_280 : vector<16xf32>
      %add3A_293 = arith.addf %add3A_272, %mul3A_292 : vector<16xf32>
      %add3A_294 = arith.constant 2 : i32
      %add3A_295 = vector.broadcast %add3A_294 : i32 to vector<16xi32>
      %add3A_296 = arith.addi %iota3A, %add3A_295 : vector<16xi32>
      %and3A_297 = arith.constant 63 : i32
      %and3A_298 = vector.broadcast %and3A_297 : i32 to vector<16xi32>
      %and3A_299 = arith.andi %add3A_296, %and3A_298 : vector<16xi32>
      %gather3A_300 = tpu.vector_load_idx %arg11[%add3A_253, %and3A_299] : memref<512x64xf32, #tpu.memory_space<vmem>>[vector<16xi32>, vector<16xi32>], vector<16xf32>,
      %gather3A_301 = tpu.vector_load_idx %arg12[%add3A_253, %and3A_299] : memref<512x64xf32, #tpu.memory_space<vmem>>[vector<16xi32>, vector<16xi32>], vector<16xf32>,
      %gather3A_302 = tpu.vector_load_idx %arg13[%add3A_253, %and3A_299] : memref<512x64xf32, #tpu.memory_space<vmem>>[vector<16xi32>, vector<16xi32>], vector<16xf32>,
      %mul3A_303 = arith.mulf %gather3A_300, %gather3A_300 : vector<16xf32>
      %add3A_304 = arith.addf %add3A_283, %mul3A_303 : vector<16xf32>
      %mul3A_305 = arith.mulf %gather3A_301, %gather3A_301 : vector<16xf32>
      %add3A_306 = arith.addf %add3A_285, %mul3A_305 : vector<16xf32>
      %mul3A_307 = arith.mulf %gather3A_302, %gather3A_302 : vector<16xf32>
      %add3A_308 = arith.addf %add3A_287, %mul3A_307 : vector<16xf32>
      %mul3A_309 = arith.mulf %gather3A_300, %gather3A_302 : vector<16xf32>
      %add3A_310 = arith.addf %add3A_289, %mul3A_309 : vector<16xf32>
      %mul3A_311 = arith.mulf %gather3A_300, %gather3A_301 : vector<16xf32>
      %add3A_312 = arith.addf %add3A_291, %mul3A_311 : vector<16xf32>
      %mul3A_313 = arith.mulf %gather3A_302, %gather3A_301 : vector<16xf32>
      %add3A_314 = arith.addf %add3A_293, %mul3A_313 : vector<16xf32>
      %add3A_315 = arith.constant 3 : i32
      %add3A_316 = vector.broadcast %add3A_315 : i32 to vector<16xi32>
      %add3A_317 = arith.addi %iota3A, %add3A_316 : vector<16xi32>
      %and3A_318 = arith.constant 63 : i32
      %and3A_319 = vector.broadcast %and3A_318 : i32 to vector<16xi32>
      %and3A_320 = arith.andi %add3A_317, %and3A_319 : vector<16xi32>
      %gather3A_321 = tpu.vector_load_idx %arg11[%add3A_253, %and3A_320] : memref<512x64xf32, #tpu.memory_space<vmem>>[vector<16xi32>, vector<16xi32>], vector<16xf32>,
      %gather3A_322 = tpu.vector_load_idx %arg12[%add3A_253, %and3A_320] : memref<512x64xf32, #tpu.memory_space<vmem>>[vector<16xi32>, vector<16xi32>], vector<16xf32>,
      %gather3A_323 = tpu.vector_load_idx %arg13[%add3A_253, %and3A_320] : memref<512x64xf32, #tpu.memory_space<vmem>>[vector<16xi32>, vector<16xi32>], vector<16xf32>,
      %mul3A_324 = arith.mulf %gather3A_321, %gather3A_321 : vector<16xf32>
      %add3A_325 = arith.addf %add3A_304, %mul3A_324 : vector<16xf32>
      %mul3A_326 = arith.mulf %gather3A_322, %gather3A_322 : vector<16xf32>
      %add3A_327 = arith.addf %add3A_306, %mul3A_326 : vector<16xf32>
      %mul3A_328 = arith.mulf %gather3A_323, %gather3A_323 : vector<16xf32>
      %add3A_329 = arith.addf %add3A_308, %mul3A_328 : vector<16xf32>
      %mul3A_330 = arith.mulf %gather3A_321, %gather3A_323 : vector<16xf32>
      %add3A_331 = arith.addf %add3A_310, %mul3A_330 : vector<16xf32>
      %mul3A_332 = arith.mulf %gather3A_321, %gather3A_322 : vector<16xf32>
      %add3A_333 = arith.addf %add3A_312, %mul3A_332 : vector<16xf32>
      %mul3A_334 = arith.mulf %gather3A_323, %gather3A_322 : vector<16xf32>
      %add3A_335 = arith.addf %add3A_314, %mul3A_334 : vector<16xf32>
      %add3A_336 = arith.constant 4 : i32
      %add3A_337 = vector.broadcast %add3A_336 : i32 to vector<16xi32>
      %add3A_338 = arith.addi %iota3A, %add3A_337 : vector<16xi32>
      %and3A_339 = arith.constant 63 : i32
      %and3A_340 = vector.broadcast %and3A_339 : i32 to vector<16xi32>
      %and3A_341 = arith.andi %add3A_338, %and3A_340 : vector<16xi32>
      %gather3A_342 = tpu.vector_load_idx %arg11[%add3A_253, %and3A_341] : memref<512x64xf32, #tpu.memory_space<vmem>>[vector<16xi32>, vector<16xi32>], vector<16xf32>,
      %gather3A_343 = tpu.vector_load_idx %arg12[%add3A_253, %and3A_341] : memref<512x64xf32, #tpu.memory_space<vmem>>[vector<16xi32>, vector<16xi32>], vector<16xf32>,
      %gather3A_344 = tpu.vector_load_idx %arg13[%add3A_253, %and3A_341] : memref<512x64xf32, #tpu.memory_space<vmem>>[vector<16xi32>, vector<16xi32>], vector<16xf32>,
      %mul3A_345 = arith.mulf %gather3A_342, %gather3A_342 : vector<16xf32>
      %add3A_346 = arith.addf %add3A_325, %mul3A_345 : vector<16xf32>
      %mul3A_347 = arith.mulf %gather3A_343, %gather3A_343 : vector<16xf32>
      %add3A_348 = arith.addf %add3A_327, %mul3A_347 : vector<16xf32>
      %mul3A_349 = arith.mulf %gather3A_344, %gather3A_344 : vector<16xf32>
      %add3A_350 = arith.addf %add3A_329, %mul3A_349 : vector<16xf32>
      %mul3A_351 = arith.mulf %gather3A_342, %gather3A_344 : vector<16xf32>
      %add3A_352 = arith.addf %add3A_331, %mul3A_351 : vector<16xf32>
      %mul3A_353 = arith.mulf %gather3A_342, %gather3A_343 : vector<16xf32>
      %add3A_354 = arith.addf %add3A_333, %mul3A_353 : vector<16xf32>
      %mul3A_355 = arith.mulf %gather3A_344, %gather3A_343 : vector<16xf32>
      %add3A_356 = arith.addf %add3A_335, %mul3A_355 : vector<16xf32>
      %add3A_357 = arith.constant 5 : i32
      %add3A_358 = vector.broadcast %add3A_357 : i32 to vector<16xi32>
      %add3A_359 = arith.addi %iota3A, %add3A_358 : vector<16xi32>
      %and3A_360 = arith.constant 63 : i32
      %and3A_361 = vector.broadcast %and3A_360 : i32 to vector<16xi32>
      %and3A_362 = arith.andi %add3A_359, %and3A_361 : vector<16xi32>
      %gather3A_363 = tpu.vector_load_idx %arg11[%add3A_253, %and3A_362] : memref<512x64xf32, #tpu.memory_space<vmem>>[vector<16xi32>, vector<16xi32>], vector<16xf32>,
      %gather3A_364 = tpu.vector_load_idx %arg12[%add3A_253, %and3A_362] : memref<512x64xf32, #tpu.memory_space<vmem>>[vector<16xi32>, vector<16xi32>], vector<16xf32>,
      %gather3A_365 = tpu.vector_load_idx %arg13[%add3A_253, %and3A_362] : memref<512x64xf32, #tpu.memory_space<vmem>>[vector<16xi32>, vector<16xi32>], vector<16xf32>,
      %mul3A_366 = arith.mulf %gather3A_363, %gather3A_363 : vector<16xf32>
      %add3A_367 = arith.addf %add3A_346, %mul3A_366 : vector<16xf32>
      %mul3A_368 = arith.mulf %gather3A_364, %gather3A_364 : vector<16xf32>
      %add3A_369 = arith.addf %add3A_348, %mul3A_368 : vector<16xf32>
      %mul3A_370 = arith.mulf %gather3A_365, %gather3A_365 : vector<16xf32>
      %add3A_371 = arith.addf %add3A_350, %mul3A_370 : vector<16xf32>
      %mul3A_372 = arith.mulf %gather3A_363, %gather3A_365 : vector<16xf32>
      %add3A_373 = arith.addf %add3A_352, %mul3A_372 : vector<16xf32>
      %mul3A_374 = arith.mulf %gather3A_363, %gather3A_364 : vector<16xf32>
      %add3A_375 = arith.addf %add3A_354, %mul3A_374 : vector<16xf32>
      %mul3A_376 = arith.mulf %gather3A_365, %gather3A_364 : vector<16xf32>
      %add3A_377 = arith.addf %add3A_356, %mul3A_376 : vector<16xf32>
      %add3A_378 = arith.constant 6 : i32
      %add3A_379 = vector.broadcast %add3A_378 : i32 to vector<16xi32>
      %add3A_380 = arith.addi %iota3A, %add3A_379 : vector<16xi32>
      %and3A_381 = arith.constant 63 : i32
      %and3A_382 = vector.broadcast %and3A_381 : i32 to vector<16xi32>
      %and3A_383 = arith.andi %add3A_380, %and3A_382 : vector<16xi32>
      %gather3A_384 = tpu.vector_load_idx %arg11[%add3A_253, %and3A_383] : memref<512x64xf32, #tpu.memory_space<vmem>>[vector<16xi32>, vector<16xi32>], vector<16xf32>,
      %gather3A_385 = tpu.vector_load_idx %arg12[%add3A_253, %and3A_383] : memref<512x64xf32, #tpu.memory_space<vmem>>[vector<16xi32>, vector<16xi32>], vector<16xf32>,
      %gather3A_386 = tpu.vector_load_idx %arg13[%add3A_253, %and3A_383] : memref<512x64xf32, #tpu.memory_space<vmem>>[vector<16xi32>, vector<16xi32>], vector<16xf32>,
      %mul3A_387 = arith.mulf %gather3A_384, %gather3A_384 : vector<16xf32>
      %add3A_388 = arith.addf %add3A_367, %mul3A_387 : vector<16xf32>
      %mul3A_389 = arith.mulf %gather3A_385, %gather3A_385 : vector<16xf32>
      %add3A_390 = arith.addf %add3A_369, %mul3A_389 : vector<16xf32>
      %mul3A_391 = arith.mulf %gather3A_386, %gather3A_386 : vector<16xf32>
      %add3A_392 = arith.addf %add3A_371, %mul3A_391 : vector<16xf32>
      %mul3A_393 = arith.mulf %gather3A_384, %gather3A_386 : vector<16xf32>
      %add3A_394 = arith.addf %add3A_373, %mul3A_393 : vector<16xf32>
      %mul3A_395 = arith.mulf %gather3A_384, %gather3A_385 : vector<16xf32>
      %add3A_396 = arith.addf %add3A_375, %mul3A_395 : vector<16xf32>
      %mul3A_397 = arith.mulf %gather3A_386, %gather3A_385 : vector<16xf32>
      %add3A_398 = arith.addf %add3A_377, %mul3A_397 : vector<16xf32>
      %add3A_399 = arith.constant 7 : i32
      %add3A_400 = vector.broadcast %add3A_399 : i32 to vector<16xi32>
      %add3A_401 = arith.addi %iota3A, %add3A_400 : vector<16xi32>
      %and3A_402 = arith.constant 63 : i32
      %and3A_403 = vector.broadcast %and3A_402 : i32 to vector<16xi32>
      %and3A_404 = arith.andi %add3A_401, %and3A_403 : vector<16xi32>
      %gather3A_405 = tpu.vector_load_idx %arg11[%add3A_253, %and3A_404] : memref<512x64xf32, #tpu.memory_space<vmem>>[vector<16xi32>, vector<16xi32>], vector<16xf32>,
      %gather3A_406 = tpu.vector_load_idx %arg12[%add3A_253, %and3A_404] : memref<512x64xf32, #tpu.memory_space<vmem>>[vector<16xi32>, vector<16xi32>], vector<16xf32>,
      %gather3A_407 = tpu.vector_load_idx %arg13[%add3A_253, %and3A_404] : memref<512x64xf32, #tpu.memory_space<vmem>>[vector<16xi32>, vector<16xi32>], vector<16xf32>,
      %mul3A_408 = arith.mulf %gather3A_405, %gather3A_405 : vector<16xf32>
      %add3A_409 = arith.addf %add3A_388, %mul3A_408 : vector<16xf32>
      %mul3A_410 = arith.mulf %gather3A_406, %gather3A_406 : vector<16xf32>
      %add3A_411 = arith.addf %add3A_390, %mul3A_410 : vector<16xf32>
      %mul3A_412 = arith.mulf %gather3A_407, %gather3A_407 : vector<16xf32>
      %add3A_413 = arith.addf %add3A_392, %mul3A_412 : vector<16xf32>
      %mul3A_414 = arith.mulf %gather3A_405, %gather3A_407 : vector<16xf32>
      %add3A_415 = arith.addf %add3A_394, %mul3A_414 : vector<16xf32>
      %mul3A_416 = arith.mulf %gather3A_405, %gather3A_406 : vector<16xf32>
      %add3A_417 = arith.addf %add3A_396, %mul3A_416 : vector<16xf32>
      %mul3A_418 = arith.mulf %gather3A_407, %gather3A_406 : vector<16xf32>
      %add3A_419 = arith.addf %add3A_398, %mul3A_418 : vector<16xf32>
      %add3A_420 = arith.constant 8 : i32
      %add3A_421 = vector.broadcast %add3A_420 : i32 to vector<16xi32>
      %add3A_422 = arith.addi %iota3A, %add3A_421 : vector<16xi32>
      %and3A_423 = arith.constant 63 : i32
      %and3A_424 = vector.broadcast %and3A_423 : i32 to vector<16xi32>
      %and3A_425 = arith.andi %add3A_422, %and3A_424 : vector<16xi32>
      %gather3A_426 = tpu.vector_load_idx %arg11[%add3A_253, %and3A_425] : memref<512x64xf32, #tpu.memory_space<vmem>>[vector<16xi32>, vector<16xi32>], vector<16xf32>,
      %gather3A_427 = tpu.vector_load_idx %arg12[%add3A_253, %and3A_425] : memref<512x64xf32, #tpu.memory_space<vmem>>[vector<16xi32>, vector<16xi32>], vector<16xf32>,
      %gather3A_428 = tpu.vector_load_idx %arg13[%add3A_253, %and3A_425] : memref<512x64xf32, #tpu.memory_space<vmem>>[vector<16xi32>, vector<16xi32>], vector<16xf32>,
      %mul3A_429 = arith.mulf %gather3A_426, %gather3A_426 : vector<16xf32>
      %add3A_430 = arith.addf %add3A_409, %mul3A_429 : vector<16xf32>
      %mul3A_431 = arith.mulf %gather3A_427, %gather3A_427 : vector<16xf32>
      %add3A_432 = arith.addf %add3A_411, %mul3A_431 : vector<16xf32>
      %mul3A_433 = arith.mulf %gather3A_428, %gather3A_428 : vector<16xf32>
      %add3A_434 = arith.addf %add3A_413, %mul3A_433 : vector<16xf32>
      %mul3A_435 = arith.mulf %gather3A_426, %gather3A_428 : vector<16xf32>
      %add3A_436 = arith.addf %add3A_415, %mul3A_435 : vector<16xf32>
      %mul3A_437 = arith.mulf %gather3A_426, %gather3A_427 : vector<16xf32>
      %add3A_438 = arith.addf %add3A_417, %mul3A_437 : vector<16xf32>
      %mul3A_439 = arith.mulf %gather3A_428, %gather3A_427 : vector<16xf32>
      %add3A_440 = arith.addf %add3A_419, %mul3A_439 : vector<16xf32>
      %add3A_441 = arith.constant 9 : i32
      %add3A_442 = vector.broadcast %add3A_441 : i32 to vector<16xi32>
      %add3A_443 = arith.addi %iota3A, %add3A_442 : vector<16xi32>
      %and3A_444 = arith.constant 63 : i32
      %and3A_445 = vector.broadcast %and3A_444 : i32 to vector<16xi32>
      %and3A_446 = arith.andi %add3A_443, %and3A_445 : vector<16xi32>
      %gather3A_447 = tpu.vector_load_idx %arg11[%add3A_253, %and3A_446] : memref<512x64xf32, #tpu.memory_space<vmem>>[vector<16xi32>, vector<16xi32>], vector<16xf32>,
      %gather3A_448 = tpu.vector_load_idx %arg12[%add3A_253, %and3A_446] : memref<512x64xf32, #tpu.memory_space<vmem>>[vector<16xi32>, vector<16xi32>], vector<16xf32>,
      %gather3A_449 = tpu.vector_load_idx %arg13[%add3A_253, %and3A_446] : memref<512x64xf32, #tpu.memory_space<vmem>>[vector<16xi32>, vector<16xi32>], vector<16xf32>,
      %mul3A_450 = arith.mulf %gather3A_447, %gather3A_447 : vector<16xf32>
      %add3A_451 = arith.addf %add3A_430, %mul3A_450 : vector<16xf32>
      %mul3A_452 = arith.mulf %gather3A_448, %gather3A_448 : vector<16xf32>
      %add3A_453 = arith.addf %add3A_432, %mul3A_452 : vector<16xf32>
      %mul3A_454 = arith.mulf %gather3A_449, %gather3A_449 : vector<16xf32>
      %add3A_455 = arith.addf %add3A_434, %mul3A_454 : vector<16xf32>
      %mul3A_456 = arith.mulf %gather3A_447, %gather3A_449 : vector<16xf32>
      %add3A_457 = arith.addf %add3A_436, %mul3A_456 : vector<16xf32>
      %mul3A_458 = arith.mulf %gather3A_447, %gather3A_448 : vector<16xf32>
      %add3A_459 = arith.addf %add3A_438, %mul3A_458 : vector<16xf32>
      %mul3A_460 = arith.mulf %gather3A_449, %gather3A_448 : vector<16xf32>
      %add3A_461 = arith.addf %add3A_440, %mul3A_460 : vector<16xf32>
      %add3A_462 = arith.constant 10 : i32
      %add3A_463 = vector.broadcast %add3A_462 : i32 to vector<16xi32>
      %add3A_464 = arith.addi %iota3A, %add3A_463 : vector<16xi32>
      %and3A_465 = arith.constant 63 : i32
      %and3A_466 = vector.broadcast %and3A_465 : i32 to vector<16xi32>
      %and3A_467 = arith.andi %add3A_464, %and3A_466 : vector<16xi32>
      %gather3A_468 = tpu.vector_load_idx %arg11[%add3A_253, %and3A_467] : memref<512x64xf32, #tpu.memory_space<vmem>>[vector<16xi32>, vector<16xi32>], vector<16xf32>,
      %gather3A_469 = tpu.vector_load_idx %arg12[%add3A_253, %and3A_467] : memref<512x64xf32, #tpu.memory_space<vmem>>[vector<16xi32>, vector<16xi32>], vector<16xf32>,
      %gather3A_470 = tpu.vector_load_idx %arg13[%add3A_253, %and3A_467] : memref<512x64xf32, #tpu.memory_space<vmem>>[vector<16xi32>, vector<16xi32>], vector<16xf32>,
      %mul3A_471 = arith.mulf %gather3A_468, %gather3A_468 : vector<16xf32>
      %add3A_472 = arith.addf %add3A_451, %mul3A_471 : vector<16xf32>
      %mul3A_473 = arith.mulf %gather3A_469, %gather3A_469 : vector<16xf32>
      %add3A_474 = arith.addf %add3A_453, %mul3A_473 : vector<16xf32>
      %mul3A_475 = arith.mulf %gather3A_470, %gather3A_470 : vector<16xf32>
      %add3A_476 = arith.addf %add3A_455, %mul3A_475 : vector<16xf32>
      %mul3A_477 = arith.mulf %gather3A_468, %gather3A_470 : vector<16xf32>
      %add3A_478 = arith.addf %add3A_457, %mul3A_477 : vector<16xf32>
      %mul3A_479 = arith.mulf %gather3A_468, %gather3A_469 : vector<16xf32>
      %add3A_480 = arith.addf %add3A_459, %mul3A_479 : vector<16xf32>
      %mul3A_481 = arith.mulf %gather3A_470, %gather3A_469 : vector<16xf32>
      %add3A_482 = arith.addf %add3A_461, %mul3A_481 : vector<16xf32>
      %add3A_483 = arith.constant 11 : i32
      %add3A_484 = vector.broadcast %add3A_483 : i32 to vector<16xi32>
      %add3A_485 = arith.addi %iota3A, %add3A_484 : vector<16xi32>
      %and3A_486 = arith.constant 63 : i32
      %and3A_487 = vector.broadcast %and3A_486 : i32 to vector<16xi32>
      %and3A_488 = arith.andi %add3A_485, %and3A_487 : vector<16xi32>
      %gather3A_489 = tpu.vector_load_idx %arg11[%add3A_253, %and3A_488] : memref<512x64xf32, #tpu.memory_space<vmem>>[vector<16xi32>, vector<16xi32>], vector<16xf32>,
      %gather3A_490 = tpu.vector_load_idx %arg12[%add3A_253, %and3A_488] : memref<512x64xf32, #tpu.memory_space<vmem>>[vector<16xi32>, vector<16xi32>], vector<16xf32>,
      %gather3A_491 = tpu.vector_load_idx %arg13[%add3A_253, %and3A_488] : memref<512x64xf32, #tpu.memory_space<vmem>>[vector<16xi32>, vector<16xi32>], vector<16xf32>,
      %mul3A_492 = arith.mulf %gather3A_489, %gather3A_489 : vector<16xf32>
      %add3A_493 = arith.addf %add3A_472, %mul3A_492 : vector<16xf32>
      %mul3A_494 = arith.mulf %gather3A_490, %gather3A_490 : vector<16xf32>
      %add3A_495 = arith.addf %add3A_474, %mul3A_494 : vector<16xf32>
      %mul3A_496 = arith.mulf %gather3A_491, %gather3A_491 : vector<16xf32>
      %add3A_497 = arith.addf %add3A_476, %mul3A_496 : vector<16xf32>
      %mul3A_498 = arith.mulf %gather3A_489, %gather3A_491 : vector<16xf32>
      %add3A_499 = arith.addf %add3A_478, %mul3A_498 : vector<16xf32>
      %mul3A_500 = arith.mulf %gather3A_489, %gather3A_490 : vector<16xf32>
      %add3A_501 = arith.addf %add3A_480, %mul3A_500 : vector<16xf32>
      %mul3A_502 = arith.mulf %gather3A_491, %gather3A_490 : vector<16xf32>
      %add3A_503 = arith.addf %add3A_482, %mul3A_502 : vector<16xf32>
      %add3A_504 = arith.constant 12 : i32
      %add3A_505 = vector.broadcast %add3A_504 : i32 to vector<16xi32>
      %add3A_506 = arith.addi %iota3A, %add3A_505 : vector<16xi32>
      %and3A_507 = arith.constant 63 : i32
      %and3A_508 = vector.broadcast %and3A_507 : i32 to vector<16xi32>
      %and3A_509 = arith.andi %add3A_506, %and3A_508 : vector<16xi32>
      %gather3A_510 = tpu.vector_load_idx %arg11[%add3A_253, %and3A_509] : memref<512x64xf32, #tpu.memory_space<vmem>>[vector<16xi32>, vector<16xi32>], vector<16xf32>,
      %gather3A_511 = tpu.vector_load_idx %arg12[%add3A_253, %and3A_509] : memref<512x64xf32, #tpu.memory_space<vmem>>[vector<16xi32>, vector<16xi32>], vector<16xf32>,
      %gather3A_512 = tpu.vector_load_idx %arg13[%add3A_253, %and3A_509] : memref<512x64xf32, #tpu.memory_space<vmem>>[vector<16xi32>, vector<16xi32>], vector<16xf32>,
      %mul3A_513 = arith.mulf %gather3A_510, %gather3A_510 : vector<16xf32>
      %add3A_514 = arith.addf %add3A_493, %mul3A_513 : vector<16xf32>
      %mul3A_515 = arith.mulf %gather3A_511, %gather3A_511 : vector<16xf32>
      %add3A_516 = arith.addf %add3A_495, %mul3A_515 : vector<16xf32>
      %mul3A_517 = arith.mulf %gather3A_512, %gather3A_512 : vector<16xf32>
      %add3A_518 = arith.addf %add3A_497, %mul3A_517 : vector<16xf32>
      %mul3A_519 = arith.mulf %gather3A_510, %gather3A_512 : vector<16xf32>
      %add3A_520 = arith.addf %add3A_499, %mul3A_519 : vector<16xf32>
      %mul3A_521 = arith.mulf %gather3A_510, %gather3A_511 : vector<16xf32>
      %add3A_522 = arith.addf %add3A_501, %mul3A_521 : vector<16xf32>
      %mul3A_523 = arith.mulf %gather3A_512, %gather3A_511 : vector<16xf32>
      %add3A_524 = arith.addf %add3A_503, %mul3A_523 : vector<16xf32>
      %add3A_525 = arith.constant 13 : i32
      %add3A_526 = vector.broadcast %add3A_525 : i32 to vector<16xi32>
      %add3A_527 = arith.addi %iota3A, %add3A_526 : vector<16xi32>
      %and3A_528 = arith.constant 63 : i32
      %and3A_529 = vector.broadcast %and3A_528 : i32 to vector<16xi32>
      %and3A_530 = arith.andi %add3A_527, %and3A_529 : vector<16xi32>
      %gather3A_531 = tpu.vector_load_idx %arg11[%add3A_253, %and3A_530] : memref<512x64xf32, #tpu.memory_space<vmem>>[vector<16xi32>, vector<16xi32>], vector<16xf32>,
      %gather3A_532 = tpu.vector_load_idx %arg12[%add3A_253, %and3A_530] : memref<512x64xf32, #tpu.memory_space<vmem>>[vector<16xi32>, vector<16xi32>], vector<16xf32>,
      %gather3A_533 = tpu.vector_load_idx %arg13[%add3A_253, %and3A_530] : memref<512x64xf32, #tpu.memory_space<vmem>>[vector<16xi32>, vector<16xi32>], vector<16xf32>,
      %mul3A_534 = arith.mulf %gather3A_531, %gather3A_531 : vector<16xf32>
      %add3A_535 = arith.addf %add3A_514, %mul3A_534 : vector<16xf32>
      %mul3A_536 = arith.mulf %gather3A_532, %gather3A_532 : vector<16xf32>
      %add3A_537 = arith.addf %add3A_516, %mul3A_536 : vector<16xf32>
      %mul3A_538 = arith.mulf %gather3A_533, %gather3A_533 : vector<16xf32>
      %add3A_539 = arith.addf %add3A_518, %mul3A_538 : vector<16xf32>
      %mul3A_540 = arith.mulf %gather3A_531, %gather3A_533 : vector<16xf32>
      %add3A_541 = arith.addf %add3A_520, %mul3A_540 : vector<16xf32>
      %mul3A_542 = arith.mulf %gather3A_531, %gather3A_532 : vector<16xf32>
      %add3A_543 = arith.addf %add3A_522, %mul3A_542 : vector<16xf32>
      %mul3A_544 = arith.mulf %gather3A_533, %gather3A_532 : vector<16xf32>
      %add3A_545 = arith.addf %add3A_524, %mul3A_544 : vector<16xf32>
      %add3A_546 = arith.constant 14 : i32
      %add3A_547 = vector.broadcast %add3A_546 : i32 to vector<16xi32>
      %add3A_548 = arith.addi %iota3A, %add3A_547 : vector<16xi32>
      %and3A_549 = arith.constant 63 : i32
      %and3A_550 = vector.broadcast %and3A_549 : i32 to vector<16xi32>
      %and3A_551 = arith.andi %add3A_548, %and3A_550 : vector<16xi32>
      %gather3A_552 = tpu.vector_load_idx %arg11[%add3A_253, %and3A_551] : memref<512x64xf32, #tpu.memory_space<vmem>>[vector<16xi32>, vector<16xi32>], vector<16xf32>,
      %gather3A_553 = tpu.vector_load_idx %arg12[%add3A_253, %and3A_551] : memref<512x64xf32, #tpu.memory_space<vmem>>[vector<16xi32>, vector<16xi32>], vector<16xf32>,
      %gather3A_554 = tpu.vector_load_idx %arg13[%add3A_253, %and3A_551] : memref<512x64xf32, #tpu.memory_space<vmem>>[vector<16xi32>, vector<16xi32>], vector<16xf32>,
      %mul3A_555 = arith.mulf %gather3A_552, %gather3A_552 : vector<16xf32>
      %add3A_556 = arith.addf %add3A_535, %mul3A_555 : vector<16xf32>
      %mul3A_557 = arith.mulf %gather3A_553, %gather3A_553 : vector<16xf32>
      %add3A_558 = arith.addf %add3A_537, %mul3A_557 : vector<16xf32>
      %mul3A_559 = arith.mulf %gather3A_554, %gather3A_554 : vector<16xf32>
      %add3A_560 = arith.addf %add3A_539, %mul3A_559 : vector<16xf32>
      %mul3A_561 = arith.mulf %gather3A_552, %gather3A_554 : vector<16xf32>
      %add3A_562 = arith.addf %add3A_541, %mul3A_561 : vector<16xf32>
      %mul3A_563 = arith.mulf %gather3A_552, %gather3A_553 : vector<16xf32>
      %add3A_564 = arith.addf %add3A_543, %mul3A_563 : vector<16xf32>
      %mul3A_565 = arith.mulf %gather3A_554, %gather3A_553 : vector<16xf32>
      %add3A_566 = arith.addf %add3A_545, %mul3A_565 : vector<16xf32>
      %add3A_567 = arith.constant 15 : i32
      %add3A_568 = vector.broadcast %add3A_567 : i32 to vector<16xi32>
      %add3A_569 = arith.addi %iota3A, %add3A_568 : vector<16xi32>
      %and3A_570 = arith.constant 63 : i32
      %and3A_571 = vector.broadcast %and3A_570 : i32 to vector<16xi32>
      %and3A_572 = arith.andi %add3A_569, %and3A_571 : vector<16xi32>
      %gather3A_573 = tpu.vector_load_idx %arg11[%add3A_253, %and3A_572] : memref<512x64xf32, #tpu.memory_space<vmem>>[vector<16xi32>, vector<16xi32>], vector<16xf32>,
      %gather3A_574 = tpu.vector_load_idx %arg12[%add3A_253, %and3A_572] : memref<512x64xf32, #tpu.memory_space<vmem>>[vector<16xi32>, vector<16xi32>], vector<16xf32>,
      %gather3A_575 = tpu.vector_load_idx %arg13[%add3A_253, %and3A_572] : memref<512x64xf32, #tpu.memory_space<vmem>>[vector<16xi32>, vector<16xi32>], vector<16xf32>,
      %mul3A_576 = arith.mulf %gather3A_573, %gather3A_573 : vector<16xf32>
      %add3A_577 = arith.addf %add3A_556, %mul3A_576 : vector<16xf32>
      %mul3A_578 = arith.mulf %gather3A_574, %gather3A_574 : vector<16xf32>
      %add3A_579 = arith.addf %add3A_558, %mul3A_578 : vector<16xf32>
      %mul3A_580 = arith.mulf %gather3A_575, %gather3A_575 : vector<16xf32>
      %add3A_581 = arith.addf %add3A_560, %mul3A_580 : vector<16xf32>
      %mul3A_582 = arith.mulf %gather3A_573, %gather3A_575 : vector<16xf32>
      %add3A_583 = arith.addf %add3A_562, %mul3A_582 : vector<16xf32>
      %mul3A_584 = arith.mulf %gather3A_573, %gather3A_574 : vector<16xf32>
      %add3A_585 = arith.addf %add3A_564, %mul3A_584 : vector<16xf32>
      %mul3A_586 = arith.mulf %gather3A_575, %gather3A_574 : vector<16xf32>
      %add3A_587 = arith.addf %add3A_566, %mul3A_586 : vector<16xf32>
      %add3A_588 = arith.constant 16 : i32
      %add3A_589 = vector.broadcast %add3A_588 : i32 to vector<16xi32>
      %add3A_590 = arith.addi %iota3A, %add3A_589 : vector<16xi32>
      %and3A_591 = arith.constant 63 : i32
      %and3A_592 = vector.broadcast %and3A_591 : i32 to vector<16xi32>
      %and3A_593 = arith.andi %add3A_590, %and3A_592 : vector<16xi32>
      %gather3A_594 = tpu.vector_load_idx %arg11[%add3A_253, %and3A_593] : memref<512x64xf32, #tpu.memory_space<vmem>>[vector<16xi32>, vector<16xi32>], vector<16xf32>,
      %gather3A_595 = tpu.vector_load_idx %arg12[%add3A_253, %and3A_593] : memref<512x64xf32, #tpu.memory_space<vmem>>[vector<16xi32>, vector<16xi32>], vector<16xf32>,
      %gather3A_596 = tpu.vector_load_idx %arg13[%add3A_253, %and3A_593] : memref<512x64xf32, #tpu.memory_space<vmem>>[vector<16xi32>, vector<16xi32>], vector<16xf32>,
      %mul3A_597 = arith.mulf %gather3A_594, %gather3A_594 : vector<16xf32>
      %add3A_598 = arith.addf %add3A_577, %mul3A_597 : vector<16xf32>
      %mul3A_599 = arith.mulf %gather3A_595, %gather3A_595 : vector<16xf32>
      %add3A_600 = arith.addf %add3A_579, %mul3A_599 : vector<16xf32>
      %mul3A_601 = arith.mulf %gather3A_596, %gather3A_596 : vector<16xf32>
      %add3A_602 = arith.addf %add3A_581, %mul3A_601 : vector<16xf32>
      %mul3A_603 = arith.mulf %gather3A_594, %gather3A_596 : vector<16xf32>
      %add3A_604 = arith.addf %add3A_583, %mul3A_603 : vector<16xf32>
      %mul3A_605 = arith.mulf %gather3A_594, %gather3A_595 : vector<16xf32>
      %add3A_606 = arith.addf %add3A_585, %mul3A_605 : vector<16xf32>
      %mul3A_607 = arith.mulf %gather3A_596, %gather3A_595 : vector<16xf32>
      %add3A_608 = arith.addf %add3A_587, %mul3A_607 : vector<16xf32>
      %add3A_609 = arith.constant 17 : i32
      %add3A_610 = vector.broadcast %add3A_609 : i32 to vector<16xi32>
      %add3A_611 = arith.addi %iota3A, %add3A_610 : vector<16xi32>
      %and3A_612 = arith.constant 63 : i32
      %and3A_613 = vector.broadcast %and3A_612 : i32 to vector<16xi32>
      %and3A_614 = arith.andi %add3A_611, %and3A_613 : vector<16xi32>
      %gather3A_615 = tpu.vector_load_idx %arg11[%add3A_253, %and3A_614] : memref<512x64xf32, #tpu.memory_space<vmem>>[vector<16xi32>, vector<16xi32>], vector<16xf32>,
      %gather3A_616 = tpu.vector_load_idx %arg12[%add3A_253, %and3A_614] : memref<512x64xf32, #tpu.memory_space<vmem>>[vector<16xi32>, vector<16xi32>], vector<16xf32>,
      %gather3A_617 = tpu.vector_load_idx %arg13[%add3A_253, %and3A_614] : memref<512x64xf32, #tpu.memory_space<vmem>>[vector<16xi32>, vector<16xi32>], vector<16xf32>,
      %mul3A_618 = arith.mulf %gather3A_615, %gather3A_615 : vector<16xf32>
      %add3A_619 = arith.addf %add3A_598, %mul3A_618 : vector<16xf32>
      %mul3A_620 = arith.mulf %gather3A_616, %gather3A_616 : vector<16xf32>
      %add3A_621 = arith.addf %add3A_600, %mul3A_620 : vector<16xf32>
      %mul3A_622 = arith.mulf %gather3A_617, %gather3A_617 : vector<16xf32>
      %add3A_623 = arith.addf %add3A_602, %mul3A_622 : vector<16xf32>
      %mul3A_624 = arith.mulf %gather3A_615, %gather3A_617 : vector<16xf32>
      %add3A_625 = arith.addf %add3A_604, %mul3A_624 : vector<16xf32>
      %mul3A_626 = arith.mulf %gather3A_615, %gather3A_616 : vector<16xf32>
      %add3A_627 = arith.addf %add3A_606, %mul3A_626 : vector<16xf32>
      %mul3A_628 = arith.mulf %gather3A_617, %gather3A_616 : vector<16xf32>
      %add3A_629 = arith.addf %add3A_608, %mul3A_628 : vector<16xf32>
      %add3A_630 = arith.constant 18 : i32
      %add3A_631 = vector.broadcast %add3A_630 : i32 to vector<16xi32>
      %add3A_632 = arith.addi %iota3A, %add3A_631 : vector<16xi32>
      %and3A_633 = arith.constant 63 : i32
      %and3A_634 = vector.broadcast %and3A_633 : i32 to vector<16xi32>
      %and3A_635 = arith.andi %add3A_632, %and3A_634 : vector<16xi32>
      %gather3A_636 = tpu.vector_load_idx %arg11[%add3A_253, %and3A_635] : memref<512x64xf32, #tpu.memory_space<vmem>>[vector<16xi32>, vector<16xi32>], vector<16xf32>,
      %gather3A_637 = tpu.vector_load_idx %arg12[%add3A_253, %and3A_635] : memref<512x64xf32, #tpu.memory_space<vmem>>[vector<16xi32>, vector<16xi32>], vector<16xf32>,
      %gather3A_638 = tpu.vector_load_idx %arg13[%add3A_253, %and3A_635] : memref<512x64xf32, #tpu.memory_space<vmem>>[vector<16xi32>, vector<16xi32>], vector<16xf32>,
      %mul3A_639 = arith.mulf %gather3A_636, %gather3A_636 : vector<16xf32>
      %add3A_640 = arith.addf %add3A_619, %mul3A_639 : vector<16xf32>
      %mul3A_641 = arith.mulf %gather3A_637, %gather3A_637 : vector<16xf32>
      %add3A_642 = arith.addf %add3A_621, %mul3A_641 : vector<16xf32>
      %mul3A_643 = arith.mulf %gather3A_638, %gather3A_638 : vector<16xf32>
      %add3A_644 = arith.addf %add3A_623, %mul3A_643 : vector<16xf32>
      %mul3A_645 = arith.mulf %gather3A_636, %gather3A_638 : vector<16xf32>
      %add3A_646 = arith.addf %add3A_625, %mul3A_645 : vector<16xf32>
      %mul3A_647 = arith.mulf %gather3A_636, %gather3A_637 : vector<16xf32>
      %add3A_648 = arith.addf %add3A_627, %mul3A_647 : vector<16xf32>
      %mul3A_649 = arith.mulf %gather3A_638, %gather3A_637 : vector<16xf32>
      %add3A_650 = arith.addf %add3A_629, %mul3A_649 : vector<16xf32>
      %add3A_651 = arith.constant 19 : i32
      %add3A_652 = vector.broadcast %add3A_651 : i32 to vector<16xi32>
      %add3A_653 = arith.addi %iota3A, %add3A_652 : vector<16xi32>
      %and3A_654 = arith.constant 63 : i32
      %and3A_655 = vector.broadcast %and3A_654 : i32 to vector<16xi32>
      %and3A_656 = arith.andi %add3A_653, %and3A_655 : vector<16xi32>
      %gather3A_657 = tpu.vector_load_idx %arg11[%add3A_253, %and3A_656] : memref<512x64xf32, #tpu.memory_space<vmem>>[vector<16xi32>, vector<16xi32>], vector<16xf32>,
      %gather3A_658 = tpu.vector_load_idx %arg12[%add3A_253, %and3A_656] : memref<512x64xf32, #tpu.memory_space<vmem>>[vector<16xi32>, vector<16xi32>], vector<16xf32>,
      %gather3A_659 = tpu.vector_load_idx %arg13[%add3A_253, %and3A_656] : memref<512x64xf32, #tpu.memory_space<vmem>>[vector<16xi32>, vector<16xi32>], vector<16xf32>,
      %mul3A_660 = arith.mulf %gather3A_657, %gather3A_657 : vector<16xf32>
      %add3A_661 = arith.addf %add3A_640, %mul3A_660 : vector<16xf32>
      %mul3A_662 = arith.mulf %gather3A_658, %gather3A_658 : vector<16xf32>
      %add3A_663 = arith.addf %add3A_642, %mul3A_662 : vector<16xf32>
      %mul3A_664 = arith.mulf %gather3A_659, %gather3A_659 : vector<16xf32>
      %add3A_665 = arith.addf %add3A_644, %mul3A_664 : vector<16xf32>
      %mul3A_666 = arith.mulf %gather3A_657, %gather3A_659 : vector<16xf32>
      %add3A_667 = arith.addf %add3A_646, %mul3A_666 : vector<16xf32>
      %mul3A_668 = arith.mulf %gather3A_657, %gather3A_658 : vector<16xf32>
      %add3A_669 = arith.addf %add3A_648, %mul3A_668 : vector<16xf32>
      %mul3A_670 = arith.mulf %gather3A_659, %gather3A_658 : vector<16xf32>
      %add3A_671 = arith.addf %add3A_650, %mul3A_670 : vector<16xf32>
      %add3A_672 = arith.constant 20 : i32
      %add3A_673 = vector.broadcast %add3A_672 : i32 to vector<16xi32>
      %add3A_674 = arith.addi %iota3A, %add3A_673 : vector<16xi32>
      %and3A_675 = arith.constant 63 : i32
      %and3A_676 = vector.broadcast %and3A_675 : i32 to vector<16xi32>
      %and3A_677 = arith.andi %add3A_674, %and3A_676 : vector<16xi32>
      %gather3A_678 = tpu.vector_load_idx %arg11[%add3A_253, %and3A_677] : memref<512x64xf32, #tpu.memory_space<vmem>>[vector<16xi32>, vector<16xi32>], vector<16xf32>,
      %gather3A_679 = tpu.vector_load_idx %arg12[%add3A_253, %and3A_677] : memref<512x64xf32, #tpu.memory_space<vmem>>[vector<16xi32>, vector<16xi32>], vector<16xf32>,
      %gather3A_680 = tpu.vector_load_idx %arg13[%add3A_253, %and3A_677] : memref<512x64xf32, #tpu.memory_space<vmem>>[vector<16xi32>, vector<16xi32>], vector<16xf32>,
      %mul3A_681 = arith.mulf %gather3A_678, %gather3A_678 : vector<16xf32>
      %add3A_682 = arith.addf %add3A_661, %mul3A_681 : vector<16xf32>
      %mul3A_683 = arith.mulf %gather3A_679, %gather3A_679 : vector<16xf32>
      %add3A_684 = arith.addf %add3A_663, %mul3A_683 : vector<16xf32>
      %mul3A_685 = arith.mulf %gather3A_680, %gather3A_680 : vector<16xf32>
      %add3A_686 = arith.addf %add3A_665, %mul3A_685 : vector<16xf32>
      %mul3A_687 = arith.mulf %gather3A_678, %gather3A_680 : vector<16xf32>
      %add3A_688 = arith.addf %add3A_667, %mul3A_687 : vector<16xf32>
      %mul3A_689 = arith.mulf %gather3A_678, %gather3A_679 : vector<16xf32>
      %add3A_690 = arith.addf %add3A_669, %mul3A_689 : vector<16xf32>
      %mul3A_691 = arith.mulf %gather3A_680, %gather3A_679 : vector<16xf32>
      %add3A_692 = arith.addf %add3A_671, %mul3A_691 : vector<16xf32>
      %add3A_693 = arith.constant 21 : i32
      %add3A_694 = vector.broadcast %add3A_693 : i32 to vector<16xi32>
      %add3A_695 = arith.addi %iota3A, %add3A_694 : vector<16xi32>
      %and3A_696 = arith.constant 63 : i32
      %and3A_697 = vector.broadcast %and3A_696 : i32 to vector<16xi32>
      %and3A_698 = arith.andi %add3A_695, %and3A_697 : vector<16xi32>
      %gather3A_699 = tpu.vector_load_idx %arg11[%add3A_253, %and3A_698] : memref<512x64xf32, #tpu.memory_space<vmem>>[vector<16xi32>, vector<16xi32>], vector<16xf32>,
      %gather3A_700 = tpu.vector_load_idx %arg12[%add3A_253, %and3A_698] : memref<512x64xf32, #tpu.memory_space<vmem>>[vector<16xi32>, vector<16xi32>], vector<16xf32>,
      %gather3A_701 = tpu.vector_load_idx %arg13[%add3A_253, %and3A_698] : memref<512x64xf32, #tpu.memory_space<vmem>>[vector<16xi32>, vector<16xi32>], vector<16xf32>,
      %mul3A_702 = arith.mulf %gather3A_699, %gather3A_699 : vector<16xf32>
      %add3A_703 = arith.addf %add3A_682, %mul3A_702 : vector<16xf32>
      %mul3A_704 = arith.mulf %gather3A_700, %gather3A_700 : vector<16xf32>
      %add3A_705 = arith.addf %add3A_684, %mul3A_704 : vector<16xf32>
      %mul3A_706 = arith.mulf %gather3A_701, %gather3A_701 : vector<16xf32>
      %add3A_707 = arith.addf %add3A_686, %mul3A_706 : vector<16xf32>
      %mul3A_708 = arith.mulf %gather3A_699, %gather3A_701 : vector<16xf32>
      %add3A_709 = arith.addf %add3A_688, %mul3A_708 : vector<16xf32>
      %mul3A_710 = arith.mulf %gather3A_699, %gather3A_700 : vector<16xf32>
      %add3A_711 = arith.addf %add3A_690, %mul3A_710 : vector<16xf32>
      %mul3A_712 = arith.mulf %gather3A_701, %gather3A_700 : vector<16xf32>
      %add3A_713 = arith.addf %add3A_692, %mul3A_712 : vector<16xf32>
      %add3A_714 = arith.constant 22 : i32
      %add3A_715 = vector.broadcast %add3A_714 : i32 to vector<16xi32>
      %add3A_716 = arith.addi %iota3A, %add3A_715 : vector<16xi32>
      %and3A_717 = arith.constant 63 : i32
      %and3A_718 = vector.broadcast %and3A_717 : i32 to vector<16xi32>
      %and3A_719 = arith.andi %add3A_716, %and3A_718 : vector<16xi32>
      %gather3A_720 = tpu.vector_load_idx %arg11[%add3A_253, %and3A_719] : memref<512x64xf32, #tpu.memory_space<vmem>>[vector<16xi32>, vector<16xi32>], vector<16xf32>,
      %gather3A_721 = tpu.vector_load_idx %arg12[%add3A_253, %and3A_719] : memref<512x64xf32, #tpu.memory_space<vmem>>[vector<16xi32>, vector<16xi32>], vector<16xf32>,
      %gather3A_722 = tpu.vector_load_idx %arg13[%add3A_253, %and3A_719] : memref<512x64xf32, #tpu.memory_space<vmem>>[vector<16xi32>, vector<16xi32>], vector<16xf32>,
      %mul3A_723 = arith.mulf %gather3A_720, %gather3A_720 : vector<16xf32>
      %add3A_724 = arith.addf %add3A_703, %mul3A_723 : vector<16xf32>
      %mul3A_725 = arith.mulf %gather3A_721, %gather3A_721 : vector<16xf32>
      %add3A_726 = arith.addf %add3A_705, %mul3A_725 : vector<16xf32>
      %mul3A_727 = arith.mulf %gather3A_722, %gather3A_722 : vector<16xf32>
      %add3A_728 = arith.addf %add3A_707, %mul3A_727 : vector<16xf32>
      %mul3A_729 = arith.mulf %gather3A_720, %gather3A_722 : vector<16xf32>
      %add3A_730 = arith.addf %add3A_709, %mul3A_729 : vector<16xf32>
      %mul3A_731 = arith.mulf %gather3A_720, %gather3A_721 : vector<16xf32>
      %add3A_732 = arith.addf %add3A_711, %mul3A_731 : vector<16xf32>
      %mul3A_733 = arith.mulf %gather3A_722, %gather3A_721 : vector<16xf32>
      %add3A_734 = arith.addf %add3A_713, %mul3A_733 : vector<16xf32>
      %add3A_735 = arith.constant 23 : i32
      %add3A_736 = vector.broadcast %add3A_735 : i32 to vector<16xi32>
      %add3A_737 = arith.addi %iota3A, %add3A_736 : vector<16xi32>
      %and3A_738 = arith.constant 63 : i32
      %and3A_739 = vector.broadcast %and3A_738 : i32 to vector<16xi32>
      %and3A_740 = arith.andi %add3A_737, %and3A_739 : vector<16xi32>
      %gather3A_741 = tpu.vector_load_idx %arg11[%add3A_253, %and3A_740] : memref<512x64xf32, #tpu.memory_space<vmem>>[vector<16xi32>, vector<16xi32>], vector<16xf32>,
      %gather3A_742 = tpu.vector_load_idx %arg12[%add3A_253, %and3A_740] : memref<512x64xf32, #tpu.memory_space<vmem>>[vector<16xi32>, vector<16xi32>], vector<16xf32>,
      %gather3A_743 = tpu.vector_load_idx %arg13[%add3A_253, %and3A_740] : memref<512x64xf32, #tpu.memory_space<vmem>>[vector<16xi32>, vector<16xi32>], vector<16xf32>,
      %mul3A_744 = arith.mulf %gather3A_741, %gather3A_741 : vector<16xf32>
      %add3A_745 = arith.addf %add3A_724, %mul3A_744 : vector<16xf32>
      %mul3A_746 = arith.mulf %gather3A_742, %gather3A_742 : vector<16xf32>
      %add3A_747 = arith.addf %add3A_726, %mul3A_746 : vector<16xf32>
      %mul3A_748 = arith.mulf %gather3A_743, %gather3A_743 : vector<16xf32>
      %add3A_749 = arith.addf %add3A_728, %mul3A_748 : vector<16xf32>
      %mul3A_750 = arith.mulf %gather3A_741, %gather3A_743 : vector<16xf32>
      %add3A_751 = arith.addf %add3A_730, %mul3A_750 : vector<16xf32>
      %mul3A_752 = arith.mulf %gather3A_741, %gather3A_742 : vector<16xf32>
      %add3A_753 = arith.addf %add3A_732, %mul3A_752 : vector<16xf32>
      %mul3A_754 = arith.mulf %gather3A_743, %gather3A_742 : vector<16xf32>
      %add3A_755 = arith.addf %add3A_734, %mul3A_754 : vector<16xf32>
      %add3A_756 = arith.constant 24 : i32
      %add3A_757 = vector.broadcast %add3A_756 : i32 to vector<16xi32>
      %add3A_758 = arith.addi %iota3A, %add3A_757 : vector<16xi32>
      %and3A_759 = arith.constant 63 : i32
      %and3A_760 = vector.broadcast %and3A_759 : i32 to vector<16xi32>
      %and3A_761 = arith.andi %add3A_758, %and3A_760 : vector<16xi32>
      %gather3A_762 = tpu.vector_load_idx %arg11[%add3A_253, %and3A_761] : memref<512x64xf32, #tpu.memory_space<vmem>>[vector<16xi32>, vector<16xi32>], vector<16xf32>,
      %gather3A_763 = tpu.vector_load_idx %arg12[%add3A_253, %and3A_761] : memref<512x64xf32, #tpu.memory_space<vmem>>[vector<16xi32>, vector<16xi32>], vector<16xf32>,
      %gather3A_764 = tpu.vector_load_idx %arg13[%add3A_253, %and3A_761] : memref<512x64xf32, #tpu.memory_space<vmem>>[vector<16xi32>, vector<16xi32>], vector<16xf32>,
      %mul3A_765 = arith.mulf %gather3A_762, %gather3A_762 : vector<16xf32>
      %add3A_766 = arith.addf %add3A_745, %mul3A_765 : vector<16xf32>
      %mul3A_767 = arith.mulf %gather3A_763, %gather3A_763 : vector<16xf32>
      %add3A_768 = arith.addf %add3A_747, %mul3A_767 : vector<16xf32>
      %mul3A_769 = arith.mulf %gather3A_764, %gather3A_764 : vector<16xf32>
      %add3A_770 = arith.addf %add3A_749, %mul3A_769 : vector<16xf32>
      %mul3A_771 = arith.mulf %gather3A_762, %gather3A_764 : vector<16xf32>
      %add3A_772 = arith.addf %add3A_751, %mul3A_771 : vector<16xf32>
      %mul3A_773 = arith.mulf %gather3A_762, %gather3A_763 : vector<16xf32>
      %add3A_774 = arith.addf %add3A_753, %mul3A_773 : vector<16xf32>
      %mul3A_775 = arith.mulf %gather3A_764, %gather3A_763 : vector<16xf32>
      %add3A_776 = arith.addf %add3A_755, %mul3A_775 : vector<16xf32>
      %add3A_777 = arith.constant 25 : i32
      %add3A_778 = vector.broadcast %add3A_777 : i32 to vector<16xi32>
      %add3A_779 = arith.addi %iota3A, %add3A_778 : vector<16xi32>
      %and3A_780 = arith.constant 63 : i32
      %and3A_781 = vector.broadcast %and3A_780 : i32 to vector<16xi32>
      %and3A_782 = arith.andi %add3A_779, %and3A_781 : vector<16xi32>
      %gather3A_783 = tpu.vector_load_idx %arg11[%add3A_253, %and3A_782] : memref<512x64xf32, #tpu.memory_space<vmem>>[vector<16xi32>, vector<16xi32>], vector<16xf32>,
      %gather3A_784 = tpu.vector_load_idx %arg12[%add3A_253, %and3A_782] : memref<512x64xf32, #tpu.memory_space<vmem>>[vector<16xi32>, vector<16xi32>], vector<16xf32>,
      %gather3A_785 = tpu.vector_load_idx %arg13[%add3A_253, %and3A_782] : memref<512x64xf32, #tpu.memory_space<vmem>>[vector<16xi32>, vector<16xi32>], vector<16xf32>,
      %mul3A_786 = arith.mulf %gather3A_783, %gather3A_783 : vector<16xf32>
      %add3A_787 = arith.addf %add3A_766, %mul3A_786 : vector<16xf32>
      %mul3A_788 = arith.mulf %gather3A_784, %gather3A_784 : vector<16xf32>
      %add3A_789 = arith.addf %add3A_768, %mul3A_788 : vector<16xf32>
      %mul3A_790 = arith.mulf %gather3A_785, %gather3A_785 : vector<16xf32>
      %add3A_791 = arith.addf %add3A_770, %mul3A_790 : vector<16xf32>
      %mul3A_792 = arith.mulf %gather3A_783, %gather3A_785 : vector<16xf32>
      %add3A_793 = arith.addf %add3A_772, %mul3A_792 : vector<16xf32>
      %mul3A_794 = arith.mulf %gather3A_783, %gather3A_784 : vector<16xf32>
      %add3A_795 = arith.addf %add3A_774, %mul3A_794 : vector<16xf32>
      %mul3A_796 = arith.mulf %gather3A_785, %gather3A_784 : vector<16xf32>
      %add3A_797 = arith.addf %add3A_776, %mul3A_796 : vector<16xf32>
      %add3A_798 = arith.constant 26 : i32
      %add3A_799 = vector.broadcast %add3A_798 : i32 to vector<16xi32>
      %add3A_800 = arith.addi %iota3A, %add3A_799 : vector<16xi32>
      %and3A_801 = arith.constant 63 : i32
      %and3A_802 = vector.broadcast %and3A_801 : i32 to vector<16xi32>
      %and3A_803 = arith.andi %add3A_800, %and3A_802 : vector<16xi32>
      %gather3A_804 = tpu.vector_load_idx %arg11[%add3A_253, %and3A_803] : memref<512x64xf32, #tpu.memory_space<vmem>>[vector<16xi32>, vector<16xi32>], vector<16xf32>,
      %gather3A_805 = tpu.vector_load_idx %arg12[%add3A_253, %and3A_803] : memref<512x64xf32, #tpu.memory_space<vmem>>[vector<16xi32>, vector<16xi32>], vector<16xf32>,
      %gather3A_806 = tpu.vector_load_idx %arg13[%add3A_253, %and3A_803] : memref<512x64xf32, #tpu.memory_space<vmem>>[vector<16xi32>, vector<16xi32>], vector<16xf32>,
      %mul3A_807 = arith.mulf %gather3A_804, %gather3A_804 : vector<16xf32>
      %add3A_808 = arith.addf %add3A_787, %mul3A_807 : vector<16xf32>
      %mul3A_809 = arith.mulf %gather3A_805, %gather3A_805 : vector<16xf32>
      %add3A_810 = arith.addf %add3A_789, %mul3A_809 : vector<16xf32>
      %mul3A_811 = arith.mulf %gather3A_806, %gather3A_806 : vector<16xf32>
      %add3A_812 = arith.addf %add3A_791, %mul3A_811 : vector<16xf32>
      %mul3A_813 = arith.mulf %gather3A_804, %gather3A_806 : vector<16xf32>
      %add3A_814 = arith.addf %add3A_793, %mul3A_813 : vector<16xf32>
      %mul3A_815 = arith.mulf %gather3A_804, %gather3A_805 : vector<16xf32>
      %add3A_816 = arith.addf %add3A_795, %mul3A_815 : vector<16xf32>
      %mul3A_817 = arith.mulf %gather3A_806, %gather3A_805 : vector<16xf32>
      %add3A_818 = arith.addf %add3A_797, %mul3A_817 : vector<16xf32>
      %add3A_819 = arith.constant 27 : i32
      %add3A_820 = vector.broadcast %add3A_819 : i32 to vector<16xi32>
      %add3A_821 = arith.addi %iota3A, %add3A_820 : vector<16xi32>
      %and3A_822 = arith.constant 63 : i32
      %and3A_823 = vector.broadcast %and3A_822 : i32 to vector<16xi32>
      %and3A_824 = arith.andi %add3A_821, %and3A_823 : vector<16xi32>
      %gather3A_825 = tpu.vector_load_idx %arg11[%add3A_253, %and3A_824] : memref<512x64xf32, #tpu.memory_space<vmem>>[vector<16xi32>, vector<16xi32>], vector<16xf32>,
      %gather3A_826 = tpu.vector_load_idx %arg12[%add3A_253, %and3A_824] : memref<512x64xf32, #tpu.memory_space<vmem>>[vector<16xi32>, vector<16xi32>], vector<16xf32>,
      %gather3A_827 = tpu.vector_load_idx %arg13[%add3A_253, %and3A_824] : memref<512x64xf32, #tpu.memory_space<vmem>>[vector<16xi32>, vector<16xi32>], vector<16xf32>,
      %mul3A_828 = arith.mulf %gather3A_825, %gather3A_825 : vector<16xf32>
      %add3A_829 = arith.addf %add3A_808, %mul3A_828 : vector<16xf32>
      %mul3A_830 = arith.mulf %gather3A_826, %gather3A_826 : vector<16xf32>
      %add3A_831 = arith.addf %add3A_810, %mul3A_830 : vector<16xf32>
      %mul3A_832 = arith.mulf %gather3A_827, %gather3A_827 : vector<16xf32>
      %add3A_833 = arith.addf %add3A_812, %mul3A_832 : vector<16xf32>
      %mul3A_834 = arith.mulf %gather3A_825, %gather3A_827 : vector<16xf32>
      %add3A_835 = arith.addf %add3A_814, %mul3A_834 : vector<16xf32>
      %mul3A_836 = arith.mulf %gather3A_825, %gather3A_826 : vector<16xf32>
      %add3A_837 = arith.addf %add3A_816, %mul3A_836 : vector<16xf32>
      %mul3A_838 = arith.mulf %gather3A_827, %gather3A_826 : vector<16xf32>
      %add3A_839 = arith.addf %add3A_818, %mul3A_838 : vector<16xf32>
      %add3A_840 = arith.constant 28 : i32
      %add3A_841 = vector.broadcast %add3A_840 : i32 to vector<16xi32>
      %add3A_842 = arith.addi %iota3A, %add3A_841 : vector<16xi32>
      %and3A_843 = arith.constant 63 : i32
      %and3A_844 = vector.broadcast %and3A_843 : i32 to vector<16xi32>
      %and3A_845 = arith.andi %add3A_842, %and3A_844 : vector<16xi32>
      %gather3A_846 = tpu.vector_load_idx %arg11[%add3A_253, %and3A_845] : memref<512x64xf32, #tpu.memory_space<vmem>>[vector<16xi32>, vector<16xi32>], vector<16xf32>,
      %gather3A_847 = tpu.vector_load_idx %arg12[%add3A_253, %and3A_845] : memref<512x64xf32, #tpu.memory_space<vmem>>[vector<16xi32>, vector<16xi32>], vector<16xf32>,
      %gather3A_848 = tpu.vector_load_idx %arg13[%add3A_253, %and3A_845] : memref<512x64xf32, #tpu.memory_space<vmem>>[vector<16xi32>, vector<16xi32>], vector<16xf32>,
      %mul3A_849 = arith.mulf %gather3A_846, %gather3A_846 : vector<16xf32>
      %add3A_850 = arith.addf %add3A_829, %mul3A_849 : vector<16xf32>
      %mul3A_851 = arith.mulf %gather3A_847, %gather3A_847 : vector<16xf32>
      %add3A_852 = arith.addf %add3A_831, %mul3A_851 : vector<16xf32>
      %mul3A_853 = arith.mulf %gather3A_848, %gather3A_848 : vector<16xf32>
      %add3A_854 = arith.addf %add3A_833, %mul3A_853 : vector<16xf32>
      %mul3A_855 = arith.mulf %gather3A_846, %gather3A_848 : vector<16xf32>
      %add3A_856 = arith.addf %add3A_835, %mul3A_855 : vector<16xf32>
      %mul3A_857 = arith.mulf %gather3A_846, %gather3A_847 : vector<16xf32>
      %add3A_858 = arith.addf %add3A_837, %mul3A_857 : vector<16xf32>
      %mul3A_859 = arith.mulf %gather3A_848, %gather3A_847 : vector<16xf32>
      %add3A_860 = arith.addf %add3A_839, %mul3A_859 : vector<16xf32>
      %add3A_861 = arith.constant 29 : i32
      %add3A_862 = vector.broadcast %add3A_861 : i32 to vector<16xi32>
      %add3A_863 = arith.addi %iota3A, %add3A_862 : vector<16xi32>
      %and3A_864 = arith.constant 63 : i32
      %and3A_865 = vector.broadcast %and3A_864 : i32 to vector<16xi32>
      %and3A_866 = arith.andi %add3A_863, %and3A_865 : vector<16xi32>
      %gather3A_867 = tpu.vector_load_idx %arg11[%add3A_253, %and3A_866] : memref<512x64xf32, #tpu.memory_space<vmem>>[vector<16xi32>, vector<16xi32>], vector<16xf32>,
      %gather3A_868 = tpu.vector_load_idx %arg12[%add3A_253, %and3A_866] : memref<512x64xf32, #tpu.memory_space<vmem>>[vector<16xi32>, vector<16xi32>], vector<16xf32>,
      %gather3A_869 = tpu.vector_load_idx %arg13[%add3A_253, %and3A_866] : memref<512x64xf32, #tpu.memory_space<vmem>>[vector<16xi32>, vector<16xi32>], vector<16xf32>,
      %mul3A_870 = arith.mulf %gather3A_867, %gather3A_867 : vector<16xf32>
      %add3A_871 = arith.addf %add3A_850, %mul3A_870 : vector<16xf32>
      %mul3A_872 = arith.mulf %gather3A_868, %gather3A_868 : vector<16xf32>
      %add3A_873 = arith.addf %add3A_852, %mul3A_872 : vector<16xf32>
      %mul3A_874 = arith.mulf %gather3A_869, %gather3A_869 : vector<16xf32>
      %add3A_875 = arith.addf %add3A_854, %mul3A_874 : vector<16xf32>
      %mul3A_876 = arith.mulf %gather3A_867, %gather3A_869 : vector<16xf32>
      %add3A_877 = arith.addf %add3A_856, %mul3A_876 : vector<16xf32>
      %mul3A_878 = arith.mulf %gather3A_867, %gather3A_868 : vector<16xf32>
      %add3A_879 = arith.addf %add3A_858, %mul3A_878 : vector<16xf32>
      %mul3A_880 = arith.mulf %gather3A_869, %gather3A_868 : vector<16xf32>
      %add3A_881 = arith.addf %add3A_860, %mul3A_880 : vector<16xf32>
      %add3A_882 = arith.constant 30 : i32
      %add3A_883 = vector.broadcast %add3A_882 : i32 to vector<16xi32>
      %add3A_884 = arith.addi %iota3A, %add3A_883 : vector<16xi32>
      %and3A_885 = arith.constant 63 : i32
      %and3A_886 = vector.broadcast %and3A_885 : i32 to vector<16xi32>
      %and3A_887 = arith.andi %add3A_884, %and3A_886 : vector<16xi32>
      %gather3A_888 = tpu.vector_load_idx %arg11[%add3A_253, %and3A_887] : memref<512x64xf32, #tpu.memory_space<vmem>>[vector<16xi32>, vector<16xi32>], vector<16xf32>,
      %gather3A_889 = tpu.vector_load_idx %arg12[%add3A_253, %and3A_887] : memref<512x64xf32, #tpu.memory_space<vmem>>[vector<16xi32>, vector<16xi32>], vector<16xf32>,
      %gather3A_890 = tpu.vector_load_idx %arg13[%add3A_253, %and3A_887] : memref<512x64xf32, #tpu.memory_space<vmem>>[vector<16xi32>, vector<16xi32>], vector<16xf32>,
      %mul3A_891 = arith.mulf %gather3A_888, %gather3A_888 : vector<16xf32>
      %add3A_892 = arith.addf %add3A_871, %mul3A_891 : vector<16xf32>
      %mul3A_893 = arith.mulf %gather3A_889, %gather3A_889 : vector<16xf32>
      %add3A_894 = arith.addf %add3A_873, %mul3A_893 : vector<16xf32>
      %mul3A_895 = arith.mulf %gather3A_890, %gather3A_890 : vector<16xf32>
      %add3A_896 = arith.addf %add3A_875, %mul3A_895 : vector<16xf32>
      %mul3A_897 = arith.mulf %gather3A_888, %gather3A_890 : vector<16xf32>
      %add3A_898 = arith.addf %add3A_877, %mul3A_897 : vector<16xf32>
      %mul3A_899 = arith.mulf %gather3A_888, %gather3A_889 : vector<16xf32>
      %add3A_900 = arith.addf %add3A_879, %mul3A_899 : vector<16xf32>
      %mul3A_901 = arith.mulf %gather3A_890, %gather3A_889 : vector<16xf32>
      %add3A_902 = arith.addf %add3A_881, %mul3A_901 : vector<16xf32>
      %add3A_903 = arith.constant 31 : i32
      %add3A_904 = vector.broadcast %add3A_903 : i32 to vector<16xi32>
      %add3A_905 = arith.addi %iota3A, %add3A_904 : vector<16xi32>
      %and3A_906 = arith.constant 63 : i32
      %and3A_907 = vector.broadcast %and3A_906 : i32 to vector<16xi32>
      %and3A_908 = arith.andi %add3A_905, %and3A_907 : vector<16xi32>
      %gather3A_909 = tpu.vector_load_idx %arg11[%add3A_253, %and3A_908] : memref<512x64xf32, #tpu.memory_space<vmem>>[vector<16xi32>, vector<16xi32>], vector<16xf32>,
      %gather3A_910 = tpu.vector_load_idx %arg12[%add3A_253, %and3A_908] : memref<512x64xf32, #tpu.memory_space<vmem>>[vector<16xi32>, vector<16xi32>], vector<16xf32>,
      %gather3A_911 = tpu.vector_load_idx %arg13[%add3A_253, %and3A_908] : memref<512x64xf32, #tpu.memory_space<vmem>>[vector<16xi32>, vector<16xi32>], vector<16xf32>,
      %mul3A_912 = arith.mulf %gather3A_909, %gather3A_909 : vector<16xf32>
      %add3A_913 = arith.addf %add3A_892, %mul3A_912 : vector<16xf32>
      %mul3A_914 = arith.mulf %gather3A_910, %gather3A_910 : vector<16xf32>
      %add3A_915 = arith.addf %add3A_894, %mul3A_914 : vector<16xf32>
      %mul3A_916 = arith.mulf %gather3A_911, %gather3A_911 : vector<16xf32>
      %add3A_917 = arith.addf %add3A_896, %mul3A_916 : vector<16xf32>
      %mul3A_918 = arith.mulf %gather3A_909, %gather3A_911 : vector<16xf32>
      %add3A_919 = arith.addf %add3A_898, %mul3A_918 : vector<16xf32>
      %mul3A_920 = arith.mulf %gather3A_909, %gather3A_910 : vector<16xf32>
      %add3A_921 = arith.addf %add3A_900, %mul3A_920 : vector<16xf32>
      %mul3A_922 = arith.mulf %gather3A_911, %gather3A_910 : vector<16xf32>
      %add3A_923 = arith.addf %add3A_902, %mul3A_922 : vector<16xf32>
      %add3A_924 = arith.constant 32 : i32
      %add3A_925 = vector.broadcast %add3A_924 : i32 to vector<16xi32>
      %add3A_926 = arith.addi %iota3A, %add3A_925 : vector<16xi32>
      %and3A_927 = arith.constant 63 : i32
      %and3A_928 = vector.broadcast %and3A_927 : i32 to vector<16xi32>
      %and3A_929 = arith.andi %add3A_926, %and3A_928 : vector<16xi32>
      %gather3A_930 = tpu.vector_load_idx %arg11[%add3A_253, %and3A_929] : memref<512x64xf32, #tpu.memory_space<vmem>>[vector<16xi32>, vector<16xi32>], vector<16xf32>,
      %gather3A_931 = tpu.vector_load_idx %arg12[%add3A_253, %and3A_929] : memref<512x64xf32, #tpu.memory_space<vmem>>[vector<16xi32>, vector<16xi32>], vector<16xf32>,
      %gather3A_932 = tpu.vector_load_idx %arg13[%add3A_253, %and3A_929] : memref<512x64xf32, #tpu.memory_space<vmem>>[vector<16xi32>, vector<16xi32>], vector<16xf32>,
      %mul3A_933 = arith.mulf %gather3A_930, %gather3A_930 : vector<16xf32>
      %add3A_934 = arith.addf %add3A_913, %mul3A_933 : vector<16xf32>
      %mul3A_935 = arith.mulf %gather3A_931, %gather3A_931 : vector<16xf32>
      %add3A_936 = arith.addf %add3A_915, %mul3A_935 : vector<16xf32>
      %mul3A_937 = arith.mulf %gather3A_932, %gather3A_932 : vector<16xf32>
      %add3A_938 = arith.addf %add3A_917, %mul3A_937 : vector<16xf32>
      %mul3A_939 = arith.mulf %gather3A_930, %gather3A_932 : vector<16xf32>
      %add3A_940 = arith.addf %add3A_919, %mul3A_939 : vector<16xf32>
      %mul3A_941 = arith.mulf %gather3A_930, %gather3A_931 : vector<16xf32>
      %add3A_942 = arith.addf %add3A_921, %mul3A_941 : vector<16xf32>
      %mul3A_943 = arith.mulf %gather3A_932, %gather3A_931 : vector<16xf32>
      %add3A_944 = arith.addf %add3A_923, %mul3A_943 : vector<16xf32>
      %add3A_945 = arith.constant 33 : i32
      %add3A_946 = vector.broadcast %add3A_945 : i32 to vector<16xi32>
      %add3A_947 = arith.addi %iota3A, %add3A_946 : vector<16xi32>
      %and3A_948 = arith.constant 63 : i32
      %and3A_949 = vector.broadcast %and3A_948 : i32 to vector<16xi32>
      %and3A_950 = arith.andi %add3A_947, %and3A_949 : vector<16xi32>
      %gather3A_951 = tpu.vector_load_idx %arg11[%add3A_253, %and3A_950] : memref<512x64xf32, #tpu.memory_space<vmem>>[vector<16xi32>, vector<16xi32>], vector<16xf32>,
      %gather3A_952 = tpu.vector_load_idx %arg12[%add3A_253, %and3A_950] : memref<512x64xf32, #tpu.memory_space<vmem>>[vector<16xi32>, vector<16xi32>], vector<16xf32>,
      %gather3A_953 = tpu.vector_load_idx %arg13[%add3A_253, %and3A_950] : memref<512x64xf32, #tpu.memory_space<vmem>>[vector<16xi32>, vector<16xi32>], vector<16xf32>,
      %mul3A_954 = arith.mulf %gather3A_951, %gather3A_951 : vector<16xf32>
      %add3A_955 = arith.addf %add3A_934, %mul3A_954 : vector<16xf32>
      %mul3A_956 = arith.mulf %gather3A_952, %gather3A_952 : vector<16xf32>
      %add3A_957 = arith.addf %add3A_936, %mul3A_956 : vector<16xf32>
      %mul3A_958 = arith.mulf %gather3A_953, %gather3A_953 : vector<16xf32>
      %add3A_959 = arith.addf %add3A_938, %mul3A_958 : vector<16xf32>
      %mul3A_960 = arith.mulf %gather3A_951, %gather3A_953 : vector<16xf32>
      %add3A_961 = arith.addf %add3A_940, %mul3A_960 : vector<16xf32>
      %mul3A_962 = arith.mulf %gather3A_951, %gather3A_952 : vector<16xf32>
      %add3A_963 = arith.addf %add3A_942, %mul3A_962 : vector<16xf32>
      %mul3A_964 = arith.mulf %gather3A_953, %gather3A_952 : vector<16xf32>
      %add3A_965 = arith.addf %add3A_944, %mul3A_964 : vector<16xf32>
      %add3A_966 = arith.constant 34 : i32
      %add3A_967 = vector.broadcast %add3A_966 : i32 to vector<16xi32>
      %add3A_968 = arith.addi %iota3A, %add3A_967 : vector<16xi32>
      %and3A_969 = arith.constant 63 : i32
      %and3A_970 = vector.broadcast %and3A_969 : i32 to vector<16xi32>
      %and3A_971 = arith.andi %add3A_968, %and3A_970 : vector<16xi32>
      %gather3A_972 = tpu.vector_load_idx %arg11[%add3A_253, %and3A_971] : memref<512x64xf32, #tpu.memory_space<vmem>>[vector<16xi32>, vector<16xi32>], vector<16xf32>,
      %gather3A_973 = tpu.vector_load_idx %arg12[%add3A_253, %and3A_971] : memref<512x64xf32, #tpu.memory_space<vmem>>[vector<16xi32>, vector<16xi32>], vector<16xf32>,
      %gather3A_974 = tpu.vector_load_idx %arg13[%add3A_253, %and3A_971] : memref<512x64xf32, #tpu.memory_space<vmem>>[vector<16xi32>, vector<16xi32>], vector<16xf32>,
      %mul3A_975 = arith.mulf %gather3A_972, %gather3A_972 : vector<16xf32>
      %add3A_976 = arith.addf %add3A_955, %mul3A_975 : vector<16xf32>
      %mul3A_977 = arith.mulf %gather3A_973, %gather3A_973 : vector<16xf32>
      %add3A_978 = arith.addf %add3A_957, %mul3A_977 : vector<16xf32>
      %mul3A_979 = arith.mulf %gather3A_974, %gather3A_974 : vector<16xf32>
      %add3A_980 = arith.addf %add3A_959, %mul3A_979 : vector<16xf32>
      %mul3A_981 = arith.mulf %gather3A_972, %gather3A_974 : vector<16xf32>
      %add3A_982 = arith.addf %add3A_961, %mul3A_981 : vector<16xf32>
      %mul3A_983 = arith.mulf %gather3A_972, %gather3A_973 : vector<16xf32>
      %add3A_984 = arith.addf %add3A_963, %mul3A_983 : vector<16xf32>
      %mul3A_985 = arith.mulf %gather3A_974, %gather3A_973 : vector<16xf32>
      %add3A_986 = arith.addf %add3A_965, %mul3A_985 : vector<16xf32>
      %add3A_987 = arith.constant 35 : i32
      %add3A_988 = vector.broadcast %add3A_987 : i32 to vector<16xi32>
      %add3A_989 = arith.addi %iota3A, %add3A_988 : vector<16xi32>
      %and3A_990 = arith.constant 63 : i32
      %and3A_991 = vector.broadcast %and3A_990 : i32 to vector<16xi32>
      %and3A_992 = arith.andi %add3A_989, %and3A_991 : vector<16xi32>
      %gather3A_993 = tpu.vector_load_idx %arg11[%add3A_253, %and3A_992] : memref<512x64xf32, #tpu.memory_space<vmem>>[vector<16xi32>, vector<16xi32>], vector<16xf32>,
      %gather3A_994 = tpu.vector_load_idx %arg12[%add3A_253, %and3A_992] : memref<512x64xf32, #tpu.memory_space<vmem>>[vector<16xi32>, vector<16xi32>], vector<16xf32>,
      %gather3A_995 = tpu.vector_load_idx %arg13[%add3A_253, %and3A_992] : memref<512x64xf32, #tpu.memory_space<vmem>>[vector<16xi32>, vector<16xi32>], vector<16xf32>,
      %mul3A_996 = arith.mulf %gather3A_993, %gather3A_993 : vector<16xf32>
      %add3A_997 = arith.addf %add3A_976, %mul3A_996 : vector<16xf32>
      %mul3A_998 = arith.mulf %gather3A_994, %gather3A_994 : vector<16xf32>
      %add3A_999 = arith.addf %add3A_978, %mul3A_998 : vector<16xf32>
      %mul3A_1000 = arith.mulf %gather3A_995, %gather3A_995 : vector<16xf32>
      %add3A_1001 = arith.addf %add3A_980, %mul3A_1000 : vector<16xf32>
      %mul3A_1002 = arith.mulf %gather3A_993, %gather3A_995 : vector<16xf32>
      %add3A_1003 = arith.addf %add3A_982, %mul3A_1002 : vector<16xf32>
      %mul3A_1004 = arith.mulf %gather3A_993, %gather3A_994 : vector<16xf32>
      %add3A_1005 = arith.addf %add3A_984, %mul3A_1004 : vector<16xf32>
      %mul3A_1006 = arith.mulf %gather3A_995, %gather3A_994 : vector<16xf32>
      %add3A_1007 = arith.addf %add3A_986, %mul3A_1006 : vector<16xf32>
      %add3A_1008 = arith.constant 36 : i32
      %add3A_1009 = vector.broadcast %add3A_1008 : i32 to vector<16xi32>
      %add3A_1010 = arith.addi %iota3A, %add3A_1009 : vector<16xi32>
      %and3A_1011 = arith.constant 63 : i32
      %and3A_1012 = vector.broadcast %and3A_1011 : i32 to vector<16xi32>
      %and3A_1013 = arith.andi %add3A_1010, %and3A_1012 : vector<16xi32>
      %gather3A_1014 = tpu.vector_load_idx %arg11[%add3A_253, %and3A_1013] : memref<512x64xf32, #tpu.memory_space<vmem>>[vector<16xi32>, vector<16xi32>], vector<16xf32>,
      %gather3A_1015 = tpu.vector_load_idx %arg12[%add3A_253, %and3A_1013] : memref<512x64xf32, #tpu.memory_space<vmem>>[vector<16xi32>, vector<16xi32>], vector<16xf32>,
      %gather3A_1016 = tpu.vector_load_idx %arg13[%add3A_253, %and3A_1013] : memref<512x64xf32, #tpu.memory_space<vmem>>[vector<16xi32>, vector<16xi32>], vector<16xf32>,
      %mul3A_1017 = arith.mulf %gather3A_1014, %gather3A_1014 : vector<16xf32>
      %add3A_1018 = arith.addf %add3A_997, %mul3A_1017 : vector<16xf32>
      %mul3A_1019 = arith.mulf %gather3A_1015, %gather3A_1015 : vector<16xf32>
      %add3A_1020 = arith.addf %add3A_999, %mul3A_1019 : vector<16xf32>
      %mul3A_1021 = arith.mulf %gather3A_1016, %gather3A_1016 : vector<16xf32>
      %add3A_1022 = arith.addf %add3A_1001, %mul3A_1021 : vector<16xf32>
      %mul3A_1023 = arith.mulf %gather3A_1014, %gather3A_1016 : vector<16xf32>
      %add3A_1024 = arith.addf %add3A_1003, %mul3A_1023 : vector<16xf32>
      %mul3A_1025 = arith.mulf %gather3A_1014, %gather3A_1015 : vector<16xf32>
      %add3A_1026 = arith.addf %add3A_1005, %mul3A_1025 : vector<16xf32>
      %mul3A_1027 = arith.mulf %gather3A_1016, %gather3A_1015 : vector<16xf32>
      %add3A_1028 = arith.addf %add3A_1007, %mul3A_1027 : vector<16xf32>
      %add3A_1029 = arith.constant 37 : i32
      %add3A_1030 = vector.broadcast %add3A_1029 : i32 to vector<16xi32>
      %add3A_1031 = arith.addi %iota3A, %add3A_1030 : vector<16xi32>
      %and3A_1032 = arith.constant 63 : i32
      %and3A_1033 = vector.broadcast %and3A_1032 : i32 to vector<16xi32>
      %and3A_1034 = arith.andi %add3A_1031, %and3A_1033 : vector<16xi32>
      %gather3A_1035 = tpu.vector_load_idx %arg11[%add3A_253, %and3A_1034] : memref<512x64xf32, #tpu.memory_space<vmem>>[vector<16xi32>, vector<16xi32>], vector<16xf32>,
      %gather3A_1036 = tpu.vector_load_idx %arg12[%add3A_253, %and3A_1034] : memref<512x64xf32, #tpu.memory_space<vmem>>[vector<16xi32>, vector<16xi32>], vector<16xf32>,
      %gather3A_1037 = tpu.vector_load_idx %arg13[%add3A_253, %and3A_1034] : memref<512x64xf32, #tpu.memory_space<vmem>>[vector<16xi32>, vector<16xi32>], vector<16xf32>,
      %mul3A_1038 = arith.mulf %gather3A_1035, %gather3A_1035 : vector<16xf32>
      %add3A_1039 = arith.addf %add3A_1018, %mul3A_1038 : vector<16xf32>
      %mul3A_1040 = arith.mulf %gather3A_1036, %gather3A_1036 : vector<16xf32>
      %add3A_1041 = arith.addf %add3A_1020, %mul3A_1040 : vector<16xf32>
      %mul3A_1042 = arith.mulf %gather3A_1037, %gather3A_1037 : vector<16xf32>
      %add3A_1043 = arith.addf %add3A_1022, %mul3A_1042 : vector<16xf32>
      %mul3A_1044 = arith.mulf %gather3A_1035, %gather3A_1037 : vector<16xf32>
      %add3A_1045 = arith.addf %add3A_1024, %mul3A_1044 : vector<16xf32>
      %mul3A_1046 = arith.mulf %gather3A_1035, %gather3A_1036 : vector<16xf32>
      %add3A_1047 = arith.addf %add3A_1026, %mul3A_1046 : vector<16xf32>
      %mul3A_1048 = arith.mulf %gather3A_1037, %gather3A_1036 : vector<16xf32>
      %add3A_1049 = arith.addf %add3A_1028, %mul3A_1048 : vector<16xf32>
      %add3A_1050 = arith.constant 38 : i32
      %add3A_1051 = vector.broadcast %add3A_1050 : i32 to vector<16xi32>
      %add3A_1052 = arith.addi %iota3A, %add3A_1051 : vector<16xi32>
      %and3A_1053 = arith.constant 63 : i32
      %and3A_1054 = vector.broadcast %and3A_1053 : i32 to vector<16xi32>
      %and3A_1055 = arith.andi %add3A_1052, %and3A_1054 : vector<16xi32>
      %gather3A_1056 = tpu.vector_load_idx %arg11[%add3A_253, %and3A_1055] : memref<512x64xf32, #tpu.memory_space<vmem>>[vector<16xi32>, vector<16xi32>], vector<16xf32>,
      %gather3A_1057 = tpu.vector_load_idx %arg12[%add3A_253, %and3A_1055] : memref<512x64xf32, #tpu.memory_space<vmem>>[vector<16xi32>, vector<16xi32>], vector<16xf32>,
      %gather3A_1058 = tpu.vector_load_idx %arg13[%add3A_253, %and3A_1055] : memref<512x64xf32, #tpu.memory_space<vmem>>[vector<16xi32>, vector<16xi32>], vector<16xf32>,
      %mul3A_1059 = arith.mulf %gather3A_1056, %gather3A_1056 : vector<16xf32>
      %add3A_1060 = arith.addf %add3A_1039, %mul3A_1059 : vector<16xf32>
      %mul3A_1061 = arith.mulf %gather3A_1057, %gather3A_1057 : vector<16xf32>
      %add3A_1062 = arith.addf %add3A_1041, %mul3A_1061 : vector<16xf32>
      %mul3A_1063 = arith.mulf %gather3A_1058, %gather3A_1058 : vector<16xf32>
      %add3A_1064 = arith.addf %add3A_1043, %mul3A_1063 : vector<16xf32>
      %mul3A_1065 = arith.mulf %gather3A_1056, %gather3A_1058 : vector<16xf32>
      %add3A_1066 = arith.addf %add3A_1045, %mul3A_1065 : vector<16xf32>
      %mul3A_1067 = arith.mulf %gather3A_1056, %gather3A_1057 : vector<16xf32>
      %add3A_1068 = arith.addf %add3A_1047, %mul3A_1067 : vector<16xf32>
      %mul3A_1069 = arith.mulf %gather3A_1058, %gather3A_1057 : vector<16xf32>
      %add3A_1070 = arith.addf %add3A_1049, %mul3A_1069 : vector<16xf32>
      %add3A_1071 = arith.constant 39 : i32
      %add3A_1072 = vector.broadcast %add3A_1071 : i32 to vector<16xi32>
      %add3A_1073 = arith.addi %iota3A, %add3A_1072 : vector<16xi32>
      %and3A_1074 = arith.constant 63 : i32
      %and3A_1075 = vector.broadcast %and3A_1074 : i32 to vector<16xi32>
      %and3A_1076 = arith.andi %add3A_1073, %and3A_1075 : vector<16xi32>
      %gather3A_1077 = tpu.vector_load_idx %arg11[%add3A_253, %and3A_1076] : memref<512x64xf32, #tpu.memory_space<vmem>>[vector<16xi32>, vector<16xi32>], vector<16xf32>,
      %gather3A_1078 = tpu.vector_load_idx %arg12[%add3A_253, %and3A_1076] : memref<512x64xf32, #tpu.memory_space<vmem>>[vector<16xi32>, vector<16xi32>], vector<16xf32>,
      %gather3A_1079 = tpu.vector_load_idx %arg13[%add3A_253, %and3A_1076] : memref<512x64xf32, #tpu.memory_space<vmem>>[vector<16xi32>, vector<16xi32>], vector<16xf32>,
      %mul3A_1080 = arith.mulf %gather3A_1077, %gather3A_1077 : vector<16xf32>
      %add3A_1081 = arith.addf %add3A_1060, %mul3A_1080 : vector<16xf32>
      %mul3A_1082 = arith.mulf %gather3A_1078, %gather3A_1078 : vector<16xf32>
      %add3A_1083 = arith.addf %add3A_1062, %mul3A_1082 : vector<16xf32>
      %mul3A_1084 = arith.mulf %gather3A_1079, %gather3A_1079 : vector<16xf32>
      %add3A_1085 = arith.addf %add3A_1064, %mul3A_1084 : vector<16xf32>
      %mul3A_1086 = arith.mulf %gather3A_1077, %gather3A_1079 : vector<16xf32>
      %add3A_1087 = arith.addf %add3A_1066, %mul3A_1086 : vector<16xf32>
      %mul3A_1088 = arith.mulf %gather3A_1077, %gather3A_1078 : vector<16xf32>
      %add3A_1089 = arith.addf %add3A_1068, %mul3A_1088 : vector<16xf32>
      %mul3A_1090 = arith.mulf %gather3A_1079, %gather3A_1078 : vector<16xf32>
      %add3A_1091 = arith.addf %add3A_1070, %mul3A_1090 : vector<16xf32>
      %add3A_1092 = arith.constant 40 : i32
      %add3A_1093 = vector.broadcast %add3A_1092 : i32 to vector<16xi32>
      %add3A_1094 = arith.addi %iota3A, %add3A_1093 : vector<16xi32>
      %and3A_1095 = arith.constant 63 : i32
      %and3A_1096 = vector.broadcast %and3A_1095 : i32 to vector<16xi32>
      %and3A_1097 = arith.andi %add3A_1094, %and3A_1096 : vector<16xi32>
      %gather3A_1098 = tpu.vector_load_idx %arg11[%add3A_253, %and3A_1097] : memref<512x64xf32, #tpu.memory_space<vmem>>[vector<16xi32>, vector<16xi32>], vector<16xf32>,
      %gather3A_1099 = tpu.vector_load_idx %arg12[%add3A_253, %and3A_1097] : memref<512x64xf32, #tpu.memory_space<vmem>>[vector<16xi32>, vector<16xi32>], vector<16xf32>,
      %gather3A_1100 = tpu.vector_load_idx %arg13[%add3A_253, %and3A_1097] : memref<512x64xf32, #tpu.memory_space<vmem>>[vector<16xi32>, vector<16xi32>], vector<16xf32>,
      %mul3A_1101 = arith.mulf %gather3A_1098, %gather3A_1098 : vector<16xf32>
      %add3A_1102 = arith.addf %add3A_1081, %mul3A_1101 : vector<16xf32>
      %mul3A_1103 = arith.mulf %gather3A_1099, %gather3A_1099 : vector<16xf32>
      %add3A_1104 = arith.addf %add3A_1083, %mul3A_1103 : vector<16xf32>
      %mul3A_1105 = arith.mulf %gather3A_1100, %gather3A_1100 : vector<16xf32>
      %add3A_1106 = arith.addf %add3A_1085, %mul3A_1105 : vector<16xf32>
      %mul3A_1107 = arith.mulf %gather3A_1098, %gather3A_1100 : vector<16xf32>
      %add3A_1108 = arith.addf %add3A_1087, %mul3A_1107 : vector<16xf32>
      %mul3A_1109 = arith.mulf %gather3A_1098, %gather3A_1099 : vector<16xf32>
      %add3A_1110 = arith.addf %add3A_1089, %mul3A_1109 : vector<16xf32>
      %mul3A_1111 = arith.mulf %gather3A_1100, %gather3A_1099 : vector<16xf32>
      %add3A_1112 = arith.addf %add3A_1091, %mul3A_1111 : vector<16xf32>
      %add3A_1113 = arith.constant 41 : i32
      %add3A_1114 = vector.broadcast %add3A_1113 : i32 to vector<16xi32>
      %add3A_1115 = arith.addi %iota3A, %add3A_1114 : vector<16xi32>
      %and3A_1116 = arith.constant 63 : i32
      %and3A_1117 = vector.broadcast %and3A_1116 : i32 to vector<16xi32>
      %and3A_1118 = arith.andi %add3A_1115, %and3A_1117 : vector<16xi32>
      %gather3A_1119 = tpu.vector_load_idx %arg11[%add3A_253, %and3A_1118] : memref<512x64xf32, #tpu.memory_space<vmem>>[vector<16xi32>, vector<16xi32>], vector<16xf32>,
      %gather3A_1120 = tpu.vector_load_idx %arg12[%add3A_253, %and3A_1118] : memref<512x64xf32, #tpu.memory_space<vmem>>[vector<16xi32>, vector<16xi32>], vector<16xf32>,
      %gather3A_1121 = tpu.vector_load_idx %arg13[%add3A_253, %and3A_1118] : memref<512x64xf32, #tpu.memory_space<vmem>>[vector<16xi32>, vector<16xi32>], vector<16xf32>,
      %mul3A_1122 = arith.mulf %gather3A_1119, %gather3A_1119 : vector<16xf32>
      %add3A_1123 = arith.addf %add3A_1102, %mul3A_1122 : vector<16xf32>
      %mul3A_1124 = arith.mulf %gather3A_1120, %gather3A_1120 : vector<16xf32>
      %add3A_1125 = arith.addf %add3A_1104, %mul3A_1124 : vector<16xf32>
      %mul3A_1126 = arith.mulf %gather3A_1121, %gather3A_1121 : vector<16xf32>
      %add3A_1127 = arith.addf %add3A_1106, %mul3A_1126 : vector<16xf32>
      %mul3A_1128 = arith.mulf %gather3A_1119, %gather3A_1121 : vector<16xf32>
      %add3A_1129 = arith.addf %add3A_1108, %mul3A_1128 : vector<16xf32>
      %mul3A_1130 = arith.mulf %gather3A_1119, %gather3A_1120 : vector<16xf32>
      %add3A_1131 = arith.addf %add3A_1110, %mul3A_1130 : vector<16xf32>
      %mul3A_1132 = arith.mulf %gather3A_1121, %gather3A_1120 : vector<16xf32>
      %add3A_1133 = arith.addf %add3A_1112, %mul3A_1132 : vector<16xf32>
      %add3A_1134 = arith.constant 42 : i32
      %add3A_1135 = vector.broadcast %add3A_1134 : i32 to vector<16xi32>
      %add3A_1136 = arith.addi %iota3A, %add3A_1135 : vector<16xi32>
      %and3A_1137 = arith.constant 63 : i32
      %and3A_1138 = vector.broadcast %and3A_1137 : i32 to vector<16xi32>
      %and3A_1139 = arith.andi %add3A_1136, %and3A_1138 : vector<16xi32>
      %gather3A_1140 = tpu.vector_load_idx %arg11[%add3A_253, %and3A_1139] : memref<512x64xf32, #tpu.memory_space<vmem>>[vector<16xi32>, vector<16xi32>], vector<16xf32>,
      %gather3A_1141 = tpu.vector_load_idx %arg12[%add3A_253, %and3A_1139] : memref<512x64xf32, #tpu.memory_space<vmem>>[vector<16xi32>, vector<16xi32>], vector<16xf32>,
      %gather3A_1142 = tpu.vector_load_idx %arg13[%add3A_253, %and3A_1139] : memref<512x64xf32, #tpu.memory_space<vmem>>[vector<16xi32>, vector<16xi32>], vector<16xf32>,
      %mul3A_1143 = arith.mulf %gather3A_1140, %gather3A_1140 : vector<16xf32>
      %add3A_1144 = arith.addf %add3A_1123, %mul3A_1143 : vector<16xf32>
      %mul3A_1145 = arith.mulf %gather3A_1141, %gather3A_1141 : vector<16xf32>
      %add3A_1146 = arith.addf %add3A_1125, %mul3A_1145 : vector<16xf32>
      %mul3A_1147 = arith.mulf %gather3A_1142, %gather3A_1142 : vector<16xf32>
      %add3A_1148 = arith.addf %add3A_1127, %mul3A_1147 : vector<16xf32>
      %mul3A_1149 = arith.mulf %gather3A_1140, %gather3A_1142 : vector<16xf32>
      %add3A_1150 = arith.addf %add3A_1129, %mul3A_1149 : vector<16xf32>
      %mul3A_1151 = arith.mulf %gather3A_1140, %gather3A_1141 : vector<16xf32>
      %add3A_1152 = arith.addf %add3A_1131, %mul3A_1151 : vector<16xf32>
      %mul3A_1153 = arith.mulf %gather3A_1142, %gather3A_1141 : vector<16xf32>
      %add3A_1154 = arith.addf %add3A_1133, %mul3A_1153 : vector<16xf32>
      %add3A_1155 = arith.constant 43 : i32
      %add3A_1156 = vector.broadcast %add3A_1155 : i32 to vector<16xi32>
      %add3A_1157 = arith.addi %iota3A, %add3A_1156 : vector<16xi32>
      %and3A_1158 = arith.constant 63 : i32
      %and3A_1159 = vector.broadcast %and3A_1158 : i32 to vector<16xi32>
      %and3A_1160 = arith.andi %add3A_1157, %and3A_1159 : vector<16xi32>
      %gather3A_1161 = tpu.vector_load_idx %arg11[%add3A_253, %and3A_1160] : memref<512x64xf32, #tpu.memory_space<vmem>>[vector<16xi32>, vector<16xi32>], vector<16xf32>,
      %gather3A_1162 = tpu.vector_load_idx %arg12[%add3A_253, %and3A_1160] : memref<512x64xf32, #tpu.memory_space<vmem>>[vector<16xi32>, vector<16xi32>], vector<16xf32>,
      %gather3A_1163 = tpu.vector_load_idx %arg13[%add3A_253, %and3A_1160] : memref<512x64xf32, #tpu.memory_space<vmem>>[vector<16xi32>, vector<16xi32>], vector<16xf32>,
      %mul3A_1164 = arith.mulf %gather3A_1161, %gather3A_1161 : vector<16xf32>
      %add3A_1165 = arith.addf %add3A_1144, %mul3A_1164 : vector<16xf32>
      %mul3A_1166 = arith.mulf %gather3A_1162, %gather3A_1162 : vector<16xf32>
      %add3A_1167 = arith.addf %add3A_1146, %mul3A_1166 : vector<16xf32>
      %mul3A_1168 = arith.mulf %gather3A_1163, %gather3A_1163 : vector<16xf32>
      %add3A_1169 = arith.addf %add3A_1148, %mul3A_1168 : vector<16xf32>
      %mul3A_1170 = arith.mulf %gather3A_1161, %gather3A_1163 : vector<16xf32>
      %add3A_1171 = arith.addf %add3A_1150, %mul3A_1170 : vector<16xf32>
      %mul3A_1172 = arith.mulf %gather3A_1161, %gather3A_1162 : vector<16xf32>
      %add3A_1173 = arith.addf %add3A_1152, %mul3A_1172 : vector<16xf32>
      %mul3A_1174 = arith.mulf %gather3A_1163, %gather3A_1162 : vector<16xf32>
      %add3A_1175 = arith.addf %add3A_1154, %mul3A_1174 : vector<16xf32>
      %add3A_1176 = arith.constant 44 : i32
      %add3A_1177 = vector.broadcast %add3A_1176 : i32 to vector<16xi32>
      %add3A_1178 = arith.addi %iota3A, %add3A_1177 : vector<16xi32>
      %and3A_1179 = arith.constant 63 : i32
      %and3A_1180 = vector.broadcast %and3A_1179 : i32 to vector<16xi32>
      %and3A_1181 = arith.andi %add3A_1178, %and3A_1180 : vector<16xi32>
      %gather3A_1182 = tpu.vector_load_idx %arg11[%add3A_253, %and3A_1181] : memref<512x64xf32, #tpu.memory_space<vmem>>[vector<16xi32>, vector<16xi32>], vector<16xf32>,
      %gather3A_1183 = tpu.vector_load_idx %arg12[%add3A_253, %and3A_1181] : memref<512x64xf32, #tpu.memory_space<vmem>>[vector<16xi32>, vector<16xi32>], vector<16xf32>,
      %gather3A_1184 = tpu.vector_load_idx %arg13[%add3A_253, %and3A_1181] : memref<512x64xf32, #tpu.memory_space<vmem>>[vector<16xi32>, vector<16xi32>], vector<16xf32>,
      %mul3A_1185 = arith.mulf %gather3A_1182, %gather3A_1182 : vector<16xf32>
      %add3A_1186 = arith.addf %add3A_1165, %mul3A_1185 : vector<16xf32>
      %mul3A_1187 = arith.mulf %gather3A_1183, %gather3A_1183 : vector<16xf32>
      %add3A_1188 = arith.addf %add3A_1167, %mul3A_1187 : vector<16xf32>
      %mul3A_1189 = arith.mulf %gather3A_1184, %gather3A_1184 : vector<16xf32>
      %add3A_1190 = arith.addf %add3A_1169, %mul3A_1189 : vector<16xf32>
      %mul3A_1191 = arith.mulf %gather3A_1182, %gather3A_1184 : vector<16xf32>
      %add3A_1192 = arith.addf %add3A_1171, %mul3A_1191 : vector<16xf32>
      %mul3A_1193 = arith.mulf %gather3A_1182, %gather3A_1183 : vector<16xf32>
      %add3A_1194 = arith.addf %add3A_1173, %mul3A_1193 : vector<16xf32>
      %mul3A_1195 = arith.mulf %gather3A_1184, %gather3A_1183 : vector<16xf32>
      %add3A_1196 = arith.addf %add3A_1175, %mul3A_1195 : vector<16xf32>
      %add3A_1197 = arith.constant 45 : i32
      %add3A_1198 = vector.broadcast %add3A_1197 : i32 to vector<16xi32>
      %add3A_1199 = arith.addi %iota3A, %add3A_1198 : vector<16xi32>
      %and3A_1200 = arith.constant 63 : i32
      %and3A_1201 = vector.broadcast %and3A_1200 : i32 to vector<16xi32>
      %and3A_1202 = arith.andi %add3A_1199, %and3A_1201 : vector<16xi32>
      %gather3A_1203 = tpu.vector_load_idx %arg11[%add3A_253, %and3A_1202] : memref<512x64xf32, #tpu.memory_space<vmem>>[vector<16xi32>, vector<16xi32>], vector<16xf32>,
      %gather3A_1204 = tpu.vector_load_idx %arg12[%add3A_253, %and3A_1202] : memref<512x64xf32, #tpu.memory_space<vmem>>[vector<16xi32>, vector<16xi32>], vector<16xf32>,
      %gather3A_1205 = tpu.vector_load_idx %arg13[%add3A_253, %and3A_1202] : memref<512x64xf32, #tpu.memory_space<vmem>>[vector<16xi32>, vector<16xi32>], vector<16xf32>,
      %mul3A_1206 = arith.mulf %gather3A_1203, %gather3A_1203 : vector<16xf32>
      %add3A_1207 = arith.addf %add3A_1186, %mul3A_1206 : vector<16xf32>
      %mul3A_1208 = arith.mulf %gather3A_1204, %gather3A_1204 : vector<16xf32>
      %add3A_1209 = arith.addf %add3A_1188, %mul3A_1208 : vector<16xf32>
      %mul3A_1210 = arith.mulf %gather3A_1205, %gather3A_1205 : vector<16xf32>
      %add3A_1211 = arith.addf %add3A_1190, %mul3A_1210 : vector<16xf32>
      %mul3A_1212 = arith.mulf %gather3A_1203, %gather3A_1205 : vector<16xf32>
      %add3A_1213 = arith.addf %add3A_1192, %mul3A_1212 : vector<16xf32>
      %mul3A_1214 = arith.mulf %gather3A_1203, %gather3A_1204 : vector<16xf32>
      %add3A_1215 = arith.addf %add3A_1194, %mul3A_1214 : vector<16xf32>
      %mul3A_1216 = arith.mulf %gather3A_1205, %gather3A_1204 : vector<16xf32>
      %add3A_1217 = arith.addf %add3A_1196, %mul3A_1216 : vector<16xf32>
      %add3A_1218 = arith.constant 46 : i32
      %add3A_1219 = vector.broadcast %add3A_1218 : i32 to vector<16xi32>
      %add3A_1220 = arith.addi %iota3A, %add3A_1219 : vector<16xi32>
      %and3A_1221 = arith.constant 63 : i32
      %and3A_1222 = vector.broadcast %and3A_1221 : i32 to vector<16xi32>
      %and3A_1223 = arith.andi %add3A_1220, %and3A_1222 : vector<16xi32>
      %gather3A_1224 = tpu.vector_load_idx %arg11[%add3A_253, %and3A_1223] : memref<512x64xf32, #tpu.memory_space<vmem>>[vector<16xi32>, vector<16xi32>], vector<16xf32>,
      %gather3A_1225 = tpu.vector_load_idx %arg12[%add3A_253, %and3A_1223] : memref<512x64xf32, #tpu.memory_space<vmem>>[vector<16xi32>, vector<16xi32>], vector<16xf32>,
      %gather3A_1226 = tpu.vector_load_idx %arg13[%add3A_253, %and3A_1223] : memref<512x64xf32, #tpu.memory_space<vmem>>[vector<16xi32>, vector<16xi32>], vector<16xf32>,
      %mul3A_1227 = arith.mulf %gather3A_1224, %gather3A_1224 : vector<16xf32>
      %add3A_1228 = arith.addf %add3A_1207, %mul3A_1227 : vector<16xf32>
      %mul3A_1229 = arith.mulf %gather3A_1225, %gather3A_1225 : vector<16xf32>
      %add3A_1230 = arith.addf %add3A_1209, %mul3A_1229 : vector<16xf32>
      %mul3A_1231 = arith.mulf %gather3A_1226, %gather3A_1226 : vector<16xf32>
      %add3A_1232 = arith.addf %add3A_1211, %mul3A_1231 : vector<16xf32>
      %mul3A_1233 = arith.mulf %gather3A_1224, %gather3A_1226 : vector<16xf32>
      %add3A_1234 = arith.addf %add3A_1213, %mul3A_1233 : vector<16xf32>
      %mul3A_1235 = arith.mulf %gather3A_1224, %gather3A_1225 : vector<16xf32>
      %add3A_1236 = arith.addf %add3A_1215, %mul3A_1235 : vector<16xf32>
      %mul3A_1237 = arith.mulf %gather3A_1226, %gather3A_1225 : vector<16xf32>
      %add3A_1238 = arith.addf %add3A_1217, %mul3A_1237 : vector<16xf32>
      %add3A_1239 = arith.constant 47 : i32
      %add3A_1240 = vector.broadcast %add3A_1239 : i32 to vector<16xi32>
      %add3A_1241 = arith.addi %iota3A, %add3A_1240 : vector<16xi32>
      %and3A_1242 = arith.constant 63 : i32
      %and3A_1243 = vector.broadcast %and3A_1242 : i32 to vector<16xi32>
      %and3A_1244 = arith.andi %add3A_1241, %and3A_1243 : vector<16xi32>
      %gather3A_1245 = tpu.vector_load_idx %arg11[%add3A_253, %and3A_1244] : memref<512x64xf32, #tpu.memory_space<vmem>>[vector<16xi32>, vector<16xi32>], vector<16xf32>,
      %gather3A_1246 = tpu.vector_load_idx %arg12[%add3A_253, %and3A_1244] : memref<512x64xf32, #tpu.memory_space<vmem>>[vector<16xi32>, vector<16xi32>], vector<16xf32>,
      %gather3A_1247 = tpu.vector_load_idx %arg13[%add3A_253, %and3A_1244] : memref<512x64xf32, #tpu.memory_space<vmem>>[vector<16xi32>, vector<16xi32>], vector<16xf32>,
      %mul3A_1248 = arith.mulf %gather3A_1245, %gather3A_1245 : vector<16xf32>
      %add3A_1249 = arith.addf %add3A_1228, %mul3A_1248 : vector<16xf32>
      %mul3A_1250 = arith.mulf %gather3A_1246, %gather3A_1246 : vector<16xf32>
      %add3A_1251 = arith.addf %add3A_1230, %mul3A_1250 : vector<16xf32>
      %mul3A_1252 = arith.mulf %gather3A_1247, %gather3A_1247 : vector<16xf32>
      %add3A_1253 = arith.addf %add3A_1232, %mul3A_1252 : vector<16xf32>
      %mul3A_1254 = arith.mulf %gather3A_1245, %gather3A_1247 : vector<16xf32>
      %add3A_1255 = arith.addf %add3A_1234, %mul3A_1254 : vector<16xf32>
      %mul3A_1256 = arith.mulf %gather3A_1245, %gather3A_1246 : vector<16xf32>
      %add3A_1257 = arith.addf %add3A_1236, %mul3A_1256 : vector<16xf32>
      %mul3A_1258 = arith.mulf %gather3A_1247, %gather3A_1246 : vector<16xf32>
      %add3A_1259 = arith.addf %add3A_1238, %mul3A_1258 : vector<16xf32>
      %add3A_1260 = arith.constant 48 : i32
      %add3A_1261 = vector.broadcast %add3A_1260 : i32 to vector<16xi32>
      %add3A_1262 = arith.addi %iota3A, %add3A_1261 : vector<16xi32>
      %and3A_1263 = arith.constant 63 : i32
      %and3A_1264 = vector.broadcast %and3A_1263 : i32 to vector<16xi32>
      %and3A_1265 = arith.andi %add3A_1262, %and3A_1264 : vector<16xi32>
      %gather3A_1266 = tpu.vector_load_idx %arg11[%add3A_253, %and3A_1265] : memref<512x64xf32, #tpu.memory_space<vmem>>[vector<16xi32>, vector<16xi32>], vector<16xf32>,
      %gather3A_1267 = tpu.vector_load_idx %arg12[%add3A_253, %and3A_1265] : memref<512x64xf32, #tpu.memory_space<vmem>>[vector<16xi32>, vector<16xi32>], vector<16xf32>,
      %gather3A_1268 = tpu.vector_load_idx %arg13[%add3A_253, %and3A_1265] : memref<512x64xf32, #tpu.memory_space<vmem>>[vector<16xi32>, vector<16xi32>], vector<16xf32>,
      %mul3A_1269 = arith.mulf %gather3A_1266, %gather3A_1266 : vector<16xf32>
      %add3A_1270 = arith.addf %add3A_1249, %mul3A_1269 : vector<16xf32>
      %mul3A_1271 = arith.mulf %gather3A_1267, %gather3A_1267 : vector<16xf32>
      %add3A_1272 = arith.addf %add3A_1251, %mul3A_1271 : vector<16xf32>
      %mul3A_1273 = arith.mulf %gather3A_1268, %gather3A_1268 : vector<16xf32>
      %add3A_1274 = arith.addf %add3A_1253, %mul3A_1273 : vector<16xf32>
      %mul3A_1275 = arith.mulf %gather3A_1266, %gather3A_1268 : vector<16xf32>
      %add3A_1276 = arith.addf %add3A_1255, %mul3A_1275 : vector<16xf32>
      %mul3A_1277 = arith.mulf %gather3A_1266, %gather3A_1267 : vector<16xf32>
      %add3A_1278 = arith.addf %add3A_1257, %mul3A_1277 : vector<16xf32>
      %mul3A_1279 = arith.mulf %gather3A_1268, %gather3A_1267 : vector<16xf32>
      %add3A_1280 = arith.addf %add3A_1259, %mul3A_1279 : vector<16xf32>
      %add3A_1281 = arith.constant 49 : i32
      %add3A_1282 = vector.broadcast %add3A_1281 : i32 to vector<16xi32>
      %add3A_1283 = arith.addi %iota3A, %add3A_1282 : vector<16xi32>
      %and3A_1284 = arith.constant 63 : i32
      %and3A_1285 = vector.broadcast %and3A_1284 : i32 to vector<16xi32>
      %and3A_1286 = arith.andi %add3A_1283, %and3A_1285 : vector<16xi32>
      %gather3A_1287 = tpu.vector_load_idx %arg11[%add3A_253, %and3A_1286] : memref<512x64xf32, #tpu.memory_space<vmem>>[vector<16xi32>, vector<16xi32>], vector<16xf32>,
      %gather3A_1288 = tpu.vector_load_idx %arg12[%add3A_253, %and3A_1286] : memref<512x64xf32, #tpu.memory_space<vmem>>[vector<16xi32>, vector<16xi32>], vector<16xf32>,
      %gather3A_1289 = tpu.vector_load_idx %arg13[%add3A_253, %and3A_1286] : memref<512x64xf32, #tpu.memory_space<vmem>>[vector<16xi32>, vector<16xi32>], vector<16xf32>,
      %mul3A_1290 = arith.mulf %gather3A_1287, %gather3A_1287 : vector<16xf32>
      %add3A_1291 = arith.addf %add3A_1270, %mul3A_1290 : vector<16xf32>
      %mul3A_1292 = arith.mulf %gather3A_1288, %gather3A_1288 : vector<16xf32>
      %add3A_1293 = arith.addf %add3A_1272, %mul3A_1292 : vector<16xf32>
      %mul3A_1294 = arith.mulf %gather3A_1289, %gather3A_1289 : vector<16xf32>
      %add3A_1295 = arith.addf %add3A_1274, %mul3A_1294 : vector<16xf32>
      %mul3A_1296 = arith.mulf %gather3A_1287, %gather3A_1289 : vector<16xf32>
      %add3A_1297 = arith.addf %add3A_1276, %mul3A_1296 : vector<16xf32>
      %mul3A_1298 = arith.mulf %gather3A_1287, %gather3A_1288 : vector<16xf32>
      %add3A_1299 = arith.addf %add3A_1278, %mul3A_1298 : vector<16xf32>
      %mul3A_1300 = arith.mulf %gather3A_1289, %gather3A_1288 : vector<16xf32>
      %add3A_1301 = arith.addf %add3A_1280, %mul3A_1300 : vector<16xf32>
      %add3A_1302 = arith.constant 50 : i32
      %add3A_1303 = vector.broadcast %add3A_1302 : i32 to vector<16xi32>
      %add3A_1304 = arith.addi %iota3A, %add3A_1303 : vector<16xi32>
      %and3A_1305 = arith.constant 63 : i32
      %and3A_1306 = vector.broadcast %and3A_1305 : i32 to vector<16xi32>
      %and3A_1307 = arith.andi %add3A_1304, %and3A_1306 : vector<16xi32>
      %gather3A_1308 = tpu.vector_load_idx %arg11[%add3A_253, %and3A_1307] : memref<512x64xf32, #tpu.memory_space<vmem>>[vector<16xi32>, vector<16xi32>], vector<16xf32>,
      %gather3A_1309 = tpu.vector_load_idx %arg12[%add3A_253, %and3A_1307] : memref<512x64xf32, #tpu.memory_space<vmem>>[vector<16xi32>, vector<16xi32>], vector<16xf32>,
      %gather3A_1310 = tpu.vector_load_idx %arg13[%add3A_253, %and3A_1307] : memref<512x64xf32, #tpu.memory_space<vmem>>[vector<16xi32>, vector<16xi32>], vector<16xf32>,
      %mul3A_1311 = arith.mulf %gather3A_1308, %gather3A_1308 : vector<16xf32>
      %add3A_1312 = arith.addf %add3A_1291, %mul3A_1311 : vector<16xf32>
      %mul3A_1313 = arith.mulf %gather3A_1309, %gather3A_1309 : vector<16xf32>
      %add3A_1314 = arith.addf %add3A_1293, %mul3A_1313 : vector<16xf32>
      %mul3A_1315 = arith.mulf %gather3A_1310, %gather3A_1310 : vector<16xf32>
      %add3A_1316 = arith.addf %add3A_1295, %mul3A_1315 : vector<16xf32>
      %mul3A_1317 = arith.mulf %gather3A_1308, %gather3A_1310 : vector<16xf32>
      %add3A_1318 = arith.addf %add3A_1297, %mul3A_1317 : vector<16xf32>
      %mul3A_1319 = arith.mulf %gather3A_1308, %gather3A_1309 : vector<16xf32>
      %add3A_1320 = arith.addf %add3A_1299, %mul3A_1319 : vector<16xf32>
      %mul3A_1321 = arith.mulf %gather3A_1310, %gather3A_1309 : vector<16xf32>
      %add3A_1322 = arith.addf %add3A_1301, %mul3A_1321 : vector<16xf32>
      %add3A_1323 = arith.constant 51 : i32
      %add3A_1324 = vector.broadcast %add3A_1323 : i32 to vector<16xi32>
      %add3A_1325 = arith.addi %iota3A, %add3A_1324 : vector<16xi32>
      %and3A_1326 = arith.constant 63 : i32
      %and3A_1327 = vector.broadcast %and3A_1326 : i32 to vector<16xi32>
      %and3A_1328 = arith.andi %add3A_1325, %and3A_1327 : vector<16xi32>
      %gather3A_1329 = tpu.vector_load_idx %arg11[%add3A_253, %and3A_1328] : memref<512x64xf32, #tpu.memory_space<vmem>>[vector<16xi32>, vector<16xi32>], vector<16xf32>,
      %gather3A_1330 = tpu.vector_load_idx %arg12[%add3A_253, %and3A_1328] : memref<512x64xf32, #tpu.memory_space<vmem>>[vector<16xi32>, vector<16xi32>], vector<16xf32>,
      %gather3A_1331 = tpu.vector_load_idx %arg13[%add3A_253, %and3A_1328] : memref<512x64xf32, #tpu.memory_space<vmem>>[vector<16xi32>, vector<16xi32>], vector<16xf32>,
      %mul3A_1332 = arith.mulf %gather3A_1329, %gather3A_1329 : vector<16xf32>
      %add3A_1333 = arith.addf %add3A_1312, %mul3A_1332 : vector<16xf32>
      %mul3A_1334 = arith.mulf %gather3A_1330, %gather3A_1330 : vector<16xf32>
      %add3A_1335 = arith.addf %add3A_1314, %mul3A_1334 : vector<16xf32>
      %mul3A_1336 = arith.mulf %gather3A_1331, %gather3A_1331 : vector<16xf32>
      %add3A_1337 = arith.addf %add3A_1316, %mul3A_1336 : vector<16xf32>
      %mul3A_1338 = arith.mulf %gather3A_1329, %gather3A_1331 : vector<16xf32>
      %add3A_1339 = arith.addf %add3A_1318, %mul3A_1338 : vector<16xf32>
      %mul3A_1340 = arith.mulf %gather3A_1329, %gather3A_1330 : vector<16xf32>
      %add3A_1341 = arith.addf %add3A_1320, %mul3A_1340 : vector<16xf32>
      %mul3A_1342 = arith.mulf %gather3A_1331, %gather3A_1330 : vector<16xf32>
      %add3A_1343 = arith.addf %add3A_1322, %mul3A_1342 : vector<16xf32>
      %add3A_1344 = arith.constant 52 : i32
      %add3A_1345 = vector.broadcast %add3A_1344 : i32 to vector<16xi32>
      %add3A_1346 = arith.addi %iota3A, %add3A_1345 : vector<16xi32>
      %and3A_1347 = arith.constant 63 : i32
      %and3A_1348 = vector.broadcast %and3A_1347 : i32 to vector<16xi32>
      %and3A_1349 = arith.andi %add3A_1346, %and3A_1348 : vector<16xi32>
      %gather3A_1350 = tpu.vector_load_idx %arg11[%add3A_253, %and3A_1349] : memref<512x64xf32, #tpu.memory_space<vmem>>[vector<16xi32>, vector<16xi32>], vector<16xf32>,
      %gather3A_1351 = tpu.vector_load_idx %arg12[%add3A_253, %and3A_1349] : memref<512x64xf32, #tpu.memory_space<vmem>>[vector<16xi32>, vector<16xi32>], vector<16xf32>,
      %gather3A_1352 = tpu.vector_load_idx %arg13[%add3A_253, %and3A_1349] : memref<512x64xf32, #tpu.memory_space<vmem>>[vector<16xi32>, vector<16xi32>], vector<16xf32>,
      %mul3A_1353 = arith.mulf %gather3A_1350, %gather3A_1350 : vector<16xf32>
      %add3A_1354 = arith.addf %add3A_1333, %mul3A_1353 : vector<16xf32>
      %mul3A_1355 = arith.mulf %gather3A_1351, %gather3A_1351 : vector<16xf32>
      %add3A_1356 = arith.addf %add3A_1335, %mul3A_1355 : vector<16xf32>
      %mul3A_1357 = arith.mulf %gather3A_1352, %gather3A_1352 : vector<16xf32>
      %add3A_1358 = arith.addf %add3A_1337, %mul3A_1357 : vector<16xf32>
      %mul3A_1359 = arith.mulf %gather3A_1350, %gather3A_1352 : vector<16xf32>
      %add3A_1360 = arith.addf %add3A_1339, %mul3A_1359 : vector<16xf32>
      %mul3A_1361 = arith.mulf %gather3A_1350, %gather3A_1351 : vector<16xf32>
      %add3A_1362 = arith.addf %add3A_1341, %mul3A_1361 : vector<16xf32>
      %mul3A_1363 = arith.mulf %gather3A_1352, %gather3A_1351 : vector<16xf32>
      %add3A_1364 = arith.addf %add3A_1343, %mul3A_1363 : vector<16xf32>
      %add3A_1365 = arith.constant 53 : i32
      %add3A_1366 = vector.broadcast %add3A_1365 : i32 to vector<16xi32>
      %add3A_1367 = arith.addi %iota3A, %add3A_1366 : vector<16xi32>
      %and3A_1368 = arith.constant 63 : i32
      %and3A_1369 = vector.broadcast %and3A_1368 : i32 to vector<16xi32>
      %and3A_1370 = arith.andi %add3A_1367, %and3A_1369 : vector<16xi32>
      %gather3A_1371 = tpu.vector_load_idx %arg11[%add3A_253, %and3A_1370] : memref<512x64xf32, #tpu.memory_space<vmem>>[vector<16xi32>, vector<16xi32>], vector<16xf32>,
      %gather3A_1372 = tpu.vector_load_idx %arg12[%add3A_253, %and3A_1370] : memref<512x64xf32, #tpu.memory_space<vmem>>[vector<16xi32>, vector<16xi32>], vector<16xf32>,
      %gather3A_1373 = tpu.vector_load_idx %arg13[%add3A_253, %and3A_1370] : memref<512x64xf32, #tpu.memory_space<vmem>>[vector<16xi32>, vector<16xi32>], vector<16xf32>,
      %mul3A_1374 = arith.mulf %gather3A_1371, %gather3A_1371 : vector<16xf32>
      %add3A_1375 = arith.addf %add3A_1354, %mul3A_1374 : vector<16xf32>
      %mul3A_1376 = arith.mulf %gather3A_1372, %gather3A_1372 : vector<16xf32>
      %add3A_1377 = arith.addf %add3A_1356, %mul3A_1376 : vector<16xf32>
      %mul3A_1378 = arith.mulf %gather3A_1373, %gather3A_1373 : vector<16xf32>
      %add3A_1379 = arith.addf %add3A_1358, %mul3A_1378 : vector<16xf32>
      %mul3A_1380 = arith.mulf %gather3A_1371, %gather3A_1373 : vector<16xf32>
      %add3A_1381 = arith.addf %add3A_1360, %mul3A_1380 : vector<16xf32>
      %mul3A_1382 = arith.mulf %gather3A_1371, %gather3A_1372 : vector<16xf32>
      %add3A_1383 = arith.addf %add3A_1362, %mul3A_1382 : vector<16xf32>
      %mul3A_1384 = arith.mulf %gather3A_1373, %gather3A_1372 : vector<16xf32>
      %add3A_1385 = arith.addf %add3A_1364, %mul3A_1384 : vector<16xf32>
      %add3A_1386 = arith.constant 54 : i32
      %add3A_1387 = vector.broadcast %add3A_1386 : i32 to vector<16xi32>
      %add3A_1388 = arith.addi %iota3A, %add3A_1387 : vector<16xi32>
      %and3A_1389 = arith.constant 63 : i32
      %and3A_1390 = vector.broadcast %and3A_1389 : i32 to vector<16xi32>
      %and3A_1391 = arith.andi %add3A_1388, %and3A_1390 : vector<16xi32>
      %gather3A_1392 = tpu.vector_load_idx %arg11[%add3A_253, %and3A_1391] : memref<512x64xf32, #tpu.memory_space<vmem>>[vector<16xi32>, vector<16xi32>], vector<16xf32>,
      %gather3A_1393 = tpu.vector_load_idx %arg12[%add3A_253, %and3A_1391] : memref<512x64xf32, #tpu.memory_space<vmem>>[vector<16xi32>, vector<16xi32>], vector<16xf32>,
      %gather3A_1394 = tpu.vector_load_idx %arg13[%add3A_253, %and3A_1391] : memref<512x64xf32, #tpu.memory_space<vmem>>[vector<16xi32>, vector<16xi32>], vector<16xf32>,
      %mul3A_1395 = arith.mulf %gather3A_1392, %gather3A_1392 : vector<16xf32>
      %add3A_1396 = arith.addf %add3A_1375, %mul3A_1395 : vector<16xf32>
      %mul3A_1397 = arith.mulf %gather3A_1393, %gather3A_1393 : vector<16xf32>
      %add3A_1398 = arith.addf %add3A_1377, %mul3A_1397 : vector<16xf32>
      %mul3A_1399 = arith.mulf %gather3A_1394, %gather3A_1394 : vector<16xf32>
      %add3A_1400 = arith.addf %add3A_1379, %mul3A_1399 : vector<16xf32>
      %mul3A_1401 = arith.mulf %gather3A_1392, %gather3A_1394 : vector<16xf32>
      %add3A_1402 = arith.addf %add3A_1381, %mul3A_1401 : vector<16xf32>
      %mul3A_1403 = arith.mulf %gather3A_1392, %gather3A_1393 : vector<16xf32>
      %add3A_1404 = arith.addf %add3A_1383, %mul3A_1403 : vector<16xf32>
      %mul3A_1405 = arith.mulf %gather3A_1394, %gather3A_1393 : vector<16xf32>
      %add3A_1406 = arith.addf %add3A_1385, %mul3A_1405 : vector<16xf32>
      %add3A_1407 = arith.constant 55 : i32
      %add3A_1408 = vector.broadcast %add3A_1407 : i32 to vector<16xi32>
      %add3A_1409 = arith.addi %iota3A, %add3A_1408 : vector<16xi32>
      %and3A_1410 = arith.constant 63 : i32
      %and3A_1411 = vector.broadcast %and3A_1410 : i32 to vector<16xi32>
      %and3A_1412 = arith.andi %add3A_1409, %and3A_1411 : vector<16xi32>
      %gather3A_1413 = tpu.vector_load_idx %arg11[%add3A_253, %and3A_1412] : memref<512x64xf32, #tpu.memory_space<vmem>>[vector<16xi32>, vector<16xi32>], vector<16xf32>,
      %gather3A_1414 = tpu.vector_load_idx %arg12[%add3A_253, %and3A_1412] : memref<512x64xf32, #tpu.memory_space<vmem>>[vector<16xi32>, vector<16xi32>], vector<16xf32>,
      %gather3A_1415 = tpu.vector_load_idx %arg13[%add3A_253, %and3A_1412] : memref<512x64xf32, #tpu.memory_space<vmem>>[vector<16xi32>, vector<16xi32>], vector<16xf32>,
      %mul3A_1416 = arith.mulf %gather3A_1413, %gather3A_1413 : vector<16xf32>
      %add3A_1417 = arith.addf %add3A_1396, %mul3A_1416 : vector<16xf32>
      %mul3A_1418 = arith.mulf %gather3A_1414, %gather3A_1414 : vector<16xf32>
      %add3A_1419 = arith.addf %add3A_1398, %mul3A_1418 : vector<16xf32>
      %mul3A_1420 = arith.mulf %gather3A_1415, %gather3A_1415 : vector<16xf32>
      %add3A_1421 = arith.addf %add3A_1400, %mul3A_1420 : vector<16xf32>
      %mul3A_1422 = arith.mulf %gather3A_1413, %gather3A_1415 : vector<16xf32>
      %add3A_1423 = arith.addf %add3A_1402, %mul3A_1422 : vector<16xf32>
      %mul3A_1424 = arith.mulf %gather3A_1413, %gather3A_1414 : vector<16xf32>
      %add3A_1425 = arith.addf %add3A_1404, %mul3A_1424 : vector<16xf32>
      %mul3A_1426 = arith.mulf %gather3A_1415, %gather3A_1414 : vector<16xf32>
      %add3A_1427 = arith.addf %add3A_1406, %mul3A_1426 : vector<16xf32>
      %add3A_1428 = arith.constant 56 : i32
      %add3A_1429 = vector.broadcast %add3A_1428 : i32 to vector<16xi32>
      %add3A_1430 = arith.addi %iota3A, %add3A_1429 : vector<16xi32>
      %and3A_1431 = arith.constant 63 : i32
      %and3A_1432 = vector.broadcast %and3A_1431 : i32 to vector<16xi32>
      %and3A_1433 = arith.andi %add3A_1430, %and3A_1432 : vector<16xi32>
      %gather3A_1434 = tpu.vector_load_idx %arg11[%add3A_253, %and3A_1433] : memref<512x64xf32, #tpu.memory_space<vmem>>[vector<16xi32>, vector<16xi32>], vector<16xf32>,
      %gather3A_1435 = tpu.vector_load_idx %arg12[%add3A_253, %and3A_1433] : memref<512x64xf32, #tpu.memory_space<vmem>>[vector<16xi32>, vector<16xi32>], vector<16xf32>,
      %gather3A_1436 = tpu.vector_load_idx %arg13[%add3A_253, %and3A_1433] : memref<512x64xf32, #tpu.memory_space<vmem>>[vector<16xi32>, vector<16xi32>], vector<16xf32>,
      %mul3A_1437 = arith.mulf %gather3A_1434, %gather3A_1434 : vector<16xf32>
      %add3A_1438 = arith.addf %add3A_1417, %mul3A_1437 : vector<16xf32>
      %mul3A_1439 = arith.mulf %gather3A_1435, %gather3A_1435 : vector<16xf32>
      %add3A_1440 = arith.addf %add3A_1419, %mul3A_1439 : vector<16xf32>
      %mul3A_1441 = arith.mulf %gather3A_1436, %gather3A_1436 : vector<16xf32>
      %add3A_1442 = arith.addf %add3A_1421, %mul3A_1441 : vector<16xf32>
      %mul3A_1443 = arith.mulf %gather3A_1434, %gather3A_1436 : vector<16xf32>
      %add3A_1444 = arith.addf %add3A_1423, %mul3A_1443 : vector<16xf32>
      %mul3A_1445 = arith.mulf %gather3A_1434, %gather3A_1435 : vector<16xf32>
      %add3A_1446 = arith.addf %add3A_1425, %mul3A_1445 : vector<16xf32>
      %mul3A_1447 = arith.mulf %gather3A_1436, %gather3A_1435 : vector<16xf32>
      %add3A_1448 = arith.addf %add3A_1427, %mul3A_1447 : vector<16xf32>
      %add3A_1449 = arith.constant 57 : i32
      %add3A_1450 = vector.broadcast %add3A_1449 : i32 to vector<16xi32>
      %add3A_1451 = arith.addi %iota3A, %add3A_1450 : vector<16xi32>
      %and3A_1452 = arith.constant 63 : i32
      %and3A_1453 = vector.broadcast %and3A_1452 : i32 to vector<16xi32>
      %and3A_1454 = arith.andi %add3A_1451, %and3A_1453 : vector<16xi32>
      %gather3A_1455 = tpu.vector_load_idx %arg11[%add3A_253, %and3A_1454] : memref<512x64xf32, #tpu.memory_space<vmem>>[vector<16xi32>, vector<16xi32>], vector<16xf32>,
      %gather3A_1456 = tpu.vector_load_idx %arg12[%add3A_253, %and3A_1454] : memref<512x64xf32, #tpu.memory_space<vmem>>[vector<16xi32>, vector<16xi32>], vector<16xf32>,
      %gather3A_1457 = tpu.vector_load_idx %arg13[%add3A_253, %and3A_1454] : memref<512x64xf32, #tpu.memory_space<vmem>>[vector<16xi32>, vector<16xi32>], vector<16xf32>,
      %mul3A_1458 = arith.mulf %gather3A_1455, %gather3A_1455 : vector<16xf32>
      %add3A_1459 = arith.addf %add3A_1438, %mul3A_1458 : vector<16xf32>
      %mul3A_1460 = arith.mulf %gather3A_1456, %gather3A_1456 : vector<16xf32>
      %add3A_1461 = arith.addf %add3A_1440, %mul3A_1460 : vector<16xf32>
      %mul3A_1462 = arith.mulf %gather3A_1457, %gather3A_1457 : vector<16xf32>
      %add3A_1463 = arith.addf %add3A_1442, %mul3A_1462 : vector<16xf32>
      %mul3A_1464 = arith.mulf %gather3A_1455, %gather3A_1457 : vector<16xf32>
      %add3A_1465 = arith.addf %add3A_1444, %mul3A_1464 : vector<16xf32>
      %mul3A_1466 = arith.mulf %gather3A_1455, %gather3A_1456 : vector<16xf32>
      %add3A_1467 = arith.addf %add3A_1446, %mul3A_1466 : vector<16xf32>
      %mul3A_1468 = arith.mulf %gather3A_1457, %gather3A_1456 : vector<16xf32>
      %add3A_1469 = arith.addf %add3A_1448, %mul3A_1468 : vector<16xf32>
      %add3A_1470 = arith.constant 58 : i32
      %add3A_1471 = vector.broadcast %add3A_1470 : i32 to vector<16xi32>
      %add3A_1472 = arith.addi %iota3A, %add3A_1471 : vector<16xi32>
      %and3A_1473 = arith.constant 63 : i32
      %and3A_1474 = vector.broadcast %and3A_1473 : i32 to vector<16xi32>
      %and3A_1475 = arith.andi %add3A_1472, %and3A_1474 : vector<16xi32>
      %gather3A_1476 = tpu.vector_load_idx %arg11[%add3A_253, %and3A_1475] : memref<512x64xf32, #tpu.memory_space<vmem>>[vector<16xi32>, vector<16xi32>], vector<16xf32>,
      %gather3A_1477 = tpu.vector_load_idx %arg12[%add3A_253, %and3A_1475] : memref<512x64xf32, #tpu.memory_space<vmem>>[vector<16xi32>, vector<16xi32>], vector<16xf32>,
      %gather3A_1478 = tpu.vector_load_idx %arg13[%add3A_253, %and3A_1475] : memref<512x64xf32, #tpu.memory_space<vmem>>[vector<16xi32>, vector<16xi32>], vector<16xf32>,
      %mul3A_1479 = arith.mulf %gather3A_1476, %gather3A_1476 : vector<16xf32>
      %add3A_1480 = arith.addf %add3A_1459, %mul3A_1479 : vector<16xf32>
      %mul3A_1481 = arith.mulf %gather3A_1477, %gather3A_1477 : vector<16xf32>
      %add3A_1482 = arith.addf %add3A_1461, %mul3A_1481 : vector<16xf32>
      %mul3A_1483 = arith.mulf %gather3A_1478, %gather3A_1478 : vector<16xf32>
      %add3A_1484 = arith.addf %add3A_1463, %mul3A_1483 : vector<16xf32>
      %mul3A_1485 = arith.mulf %gather3A_1476, %gather3A_1478 : vector<16xf32>
      %add3A_1486 = arith.addf %add3A_1465, %mul3A_1485 : vector<16xf32>
      %mul3A_1487 = arith.mulf %gather3A_1476, %gather3A_1477 : vector<16xf32>
      %add3A_1488 = arith.addf %add3A_1467, %mul3A_1487 : vector<16xf32>
      %mul3A_1489 = arith.mulf %gather3A_1478, %gather3A_1477 : vector<16xf32>
      %add3A_1490 = arith.addf %add3A_1469, %mul3A_1489 : vector<16xf32>
      %add3A_1491 = arith.constant 59 : i32
      %add3A_1492 = vector.broadcast %add3A_1491 : i32 to vector<16xi32>
      %add3A_1493 = arith.addi %iota3A, %add3A_1492 : vector<16xi32>
      %and3A_1494 = arith.constant 63 : i32
      %and3A_1495 = vector.broadcast %and3A_1494 : i32 to vector<16xi32>
      %and3A_1496 = arith.andi %add3A_1493, %and3A_1495 : vector<16xi32>
      %gather3A_1497 = tpu.vector_load_idx %arg11[%add3A_253, %and3A_1496] : memref<512x64xf32, #tpu.memory_space<vmem>>[vector<16xi32>, vector<16xi32>], vector<16xf32>,
      %gather3A_1498 = tpu.vector_load_idx %arg12[%add3A_253, %and3A_1496] : memref<512x64xf32, #tpu.memory_space<vmem>>[vector<16xi32>, vector<16xi32>], vector<16xf32>,
      %gather3A_1499 = tpu.vector_load_idx %arg13[%add3A_253, %and3A_1496] : memref<512x64xf32, #tpu.memory_space<vmem>>[vector<16xi32>, vector<16xi32>], vector<16xf32>,
      %mul3A_1500 = arith.mulf %gather3A_1497, %gather3A_1497 : vector<16xf32>
      %add3A_1501 = arith.addf %add3A_1480, %mul3A_1500 : vector<16xf32>
      %mul3A_1502 = arith.mulf %gather3A_1498, %gather3A_1498 : vector<16xf32>
      %add3A_1503 = arith.addf %add3A_1482, %mul3A_1502 : vector<16xf32>
      %mul3A_1504 = arith.mulf %gather3A_1499, %gather3A_1499 : vector<16xf32>
      %add3A_1505 = arith.addf %add3A_1484, %mul3A_1504 : vector<16xf32>
      %mul3A_1506 = arith.mulf %gather3A_1497, %gather3A_1499 : vector<16xf32>
      %add3A_1507 = arith.addf %add3A_1486, %mul3A_1506 : vector<16xf32>
      %mul3A_1508 = arith.mulf %gather3A_1497, %gather3A_1498 : vector<16xf32>
      %add3A_1509 = arith.addf %add3A_1488, %mul3A_1508 : vector<16xf32>
      %mul3A_1510 = arith.mulf %gather3A_1499, %gather3A_1498 : vector<16xf32>
      %add3A_1511 = arith.addf %add3A_1490, %mul3A_1510 : vector<16xf32>
      %add3A_1512 = arith.constant 60 : i32
      %add3A_1513 = vector.broadcast %add3A_1512 : i32 to vector<16xi32>
      %add3A_1514 = arith.addi %iota3A, %add3A_1513 : vector<16xi32>
      %and3A_1515 = arith.constant 63 : i32
      %and3A_1516 = vector.broadcast %and3A_1515 : i32 to vector<16xi32>
      %and3A_1517 = arith.andi %add3A_1514, %and3A_1516 : vector<16xi32>
      %gather3A_1518 = tpu.vector_load_idx %arg11[%add3A_253, %and3A_1517] : memref<512x64xf32, #tpu.memory_space<vmem>>[vector<16xi32>, vector<16xi32>], vector<16xf32>,
      %gather3A_1519 = tpu.vector_load_idx %arg12[%add3A_253, %and3A_1517] : memref<512x64xf32, #tpu.memory_space<vmem>>[vector<16xi32>, vector<16xi32>], vector<16xf32>,
      %gather3A_1520 = tpu.vector_load_idx %arg13[%add3A_253, %and3A_1517] : memref<512x64xf32, #tpu.memory_space<vmem>>[vector<16xi32>, vector<16xi32>], vector<16xf32>,
      %mul3A_1521 = arith.mulf %gather3A_1518, %gather3A_1518 : vector<16xf32>
      %add3A_1522 = arith.addf %add3A_1501, %mul3A_1521 : vector<16xf32>
      %mul3A_1523 = arith.mulf %gather3A_1519, %gather3A_1519 : vector<16xf32>
      %add3A_1524 = arith.addf %add3A_1503, %mul3A_1523 : vector<16xf32>
      %mul3A_1525 = arith.mulf %gather3A_1520, %gather3A_1520 : vector<16xf32>
      %add3A_1526 = arith.addf %add3A_1505, %mul3A_1525 : vector<16xf32>
      %mul3A_1527 = arith.mulf %gather3A_1518, %gather3A_1520 : vector<16xf32>
      %add3A_1528 = arith.addf %add3A_1507, %mul3A_1527 : vector<16xf32>
      %mul3A_1529 = arith.mulf %gather3A_1518, %gather3A_1519 : vector<16xf32>
      %add3A_1530 = arith.addf %add3A_1509, %mul3A_1529 : vector<16xf32>
      %mul3A_1531 = arith.mulf %gather3A_1520, %gather3A_1519 : vector<16xf32>
      %add3A_1532 = arith.addf %add3A_1511, %mul3A_1531 : vector<16xf32>
      %add3A_1533 = arith.constant 61 : i32
      %add3A_1534 = vector.broadcast %add3A_1533 : i32 to vector<16xi32>
      %add3A_1535 = arith.addi %iota3A, %add3A_1534 : vector<16xi32>
      %and3A_1536 = arith.constant 63 : i32
      %and3A_1537 = vector.broadcast %and3A_1536 : i32 to vector<16xi32>
      %and3A_1538 = arith.andi %add3A_1535, %and3A_1537 : vector<16xi32>
      %gather3A_1539 = tpu.vector_load_idx %arg11[%add3A_253, %and3A_1538] : memref<512x64xf32, #tpu.memory_space<vmem>>[vector<16xi32>, vector<16xi32>], vector<16xf32>,
      %gather3A_1540 = tpu.vector_load_idx %arg12[%add3A_253, %and3A_1538] : memref<512x64xf32, #tpu.memory_space<vmem>>[vector<16xi32>, vector<16xi32>], vector<16xf32>,
      %gather3A_1541 = tpu.vector_load_idx %arg13[%add3A_253, %and3A_1538] : memref<512x64xf32, #tpu.memory_space<vmem>>[vector<16xi32>, vector<16xi32>], vector<16xf32>,
      %mul3A_1542 = arith.mulf %gather3A_1539, %gather3A_1539 : vector<16xf32>
      %add3A_1543 = arith.addf %add3A_1522, %mul3A_1542 : vector<16xf32>
      %mul3A_1544 = arith.mulf %gather3A_1540, %gather3A_1540 : vector<16xf32>
      %add3A_1545 = arith.addf %add3A_1524, %mul3A_1544 : vector<16xf32>
      %mul3A_1546 = arith.mulf %gather3A_1541, %gather3A_1541 : vector<16xf32>
      %add3A_1547 = arith.addf %add3A_1526, %mul3A_1546 : vector<16xf32>
      %mul3A_1548 = arith.mulf %gather3A_1539, %gather3A_1541 : vector<16xf32>
      %add3A_1549 = arith.addf %add3A_1528, %mul3A_1548 : vector<16xf32>
      %mul3A_1550 = arith.mulf %gather3A_1539, %gather3A_1540 : vector<16xf32>
      %add3A_1551 = arith.addf %add3A_1530, %mul3A_1550 : vector<16xf32>
      %mul3A_1552 = arith.mulf %gather3A_1541, %gather3A_1540 : vector<16xf32>
      %add3A_1553 = arith.addf %add3A_1532, %mul3A_1552 : vector<16xf32>
      %add3A_1554 = arith.constant 62 : i32
      %add3A_1555 = vector.broadcast %add3A_1554 : i32 to vector<16xi32>
      %add3A_1556 = arith.addi %iota3A, %add3A_1555 : vector<16xi32>
      %and3A_1557 = arith.constant 63 : i32
      %and3A_1558 = vector.broadcast %and3A_1557 : i32 to vector<16xi32>
      %and3A_1559 = arith.andi %add3A_1556, %and3A_1558 : vector<16xi32>
      %gather3A_1560 = tpu.vector_load_idx %arg11[%add3A_253, %and3A_1559] : memref<512x64xf32, #tpu.memory_space<vmem>>[vector<16xi32>, vector<16xi32>], vector<16xf32>,
      %gather3A_1561 = tpu.vector_load_idx %arg12[%add3A_253, %and3A_1559] : memref<512x64xf32, #tpu.memory_space<vmem>>[vector<16xi32>, vector<16xi32>], vector<16xf32>,
      %gather3A_1562 = tpu.vector_load_idx %arg13[%add3A_253, %and3A_1559] : memref<512x64xf32, #tpu.memory_space<vmem>>[vector<16xi32>, vector<16xi32>], vector<16xf32>,
      %mul3A_1563 = arith.mulf %gather3A_1560, %gather3A_1560 : vector<16xf32>
      %add3A_1564 = arith.addf %add3A_1543, %mul3A_1563 : vector<16xf32>
      %mul3A_1565 = arith.mulf %gather3A_1561, %gather3A_1561 : vector<16xf32>
      %add3A_1566 = arith.addf %add3A_1545, %mul3A_1565 : vector<16xf32>
      %mul3A_1567 = arith.mulf %gather3A_1562, %gather3A_1562 : vector<16xf32>
      %add3A_1568 = arith.addf %add3A_1547, %mul3A_1567 : vector<16xf32>
      %mul3A_1569 = arith.mulf %gather3A_1560, %gather3A_1562 : vector<16xf32>
      %add3A_1570 = arith.addf %add3A_1549, %mul3A_1569 : vector<16xf32>
      %mul3A_1571 = arith.mulf %gather3A_1560, %gather3A_1561 : vector<16xf32>
      %add3A_1572 = arith.addf %add3A_1551, %mul3A_1571 : vector<16xf32>
      %mul3A_1573 = arith.mulf %gather3A_1562, %gather3A_1561 : vector<16xf32>
      %add3A_1574 = arith.addf %add3A_1553, %mul3A_1573 : vector<16xf32>
      %add3A_1575 = arith.constant 63 : i32
      %add3A_1576 = vector.broadcast %add3A_1575 : i32 to vector<16xi32>
      %add3A_1577 = arith.addi %iota3A, %add3A_1576 : vector<16xi32>
      %and3A_1578 = arith.constant 63 : i32
      %and3A_1579 = vector.broadcast %and3A_1578 : i32 to vector<16xi32>
      %and3A_1580 = arith.andi %add3A_1577, %and3A_1579 : vector<16xi32>
      %gather3A_1581 = tpu.vector_load_idx %arg11[%add3A_253, %and3A_1580] : memref<512x64xf32, #tpu.memory_space<vmem>>[vector<16xi32>, vector<16xi32>], vector<16xf32>,
      %gather3A_1582 = tpu.vector_load_idx %arg12[%add3A_253, %and3A_1580] : memref<512x64xf32, #tpu.memory_space<vmem>>[vector<16xi32>, vector<16xi32>], vector<16xf32>,
      %gather3A_1583 = tpu.vector_load_idx %arg13[%add3A_253, %and3A_1580] : memref<512x64xf32, #tpu.memory_space<vmem>>[vector<16xi32>, vector<16xi32>], vector<16xf32>,
      %mul3A_1584 = arith.mulf %gather3A_1581, %gather3A_1581 : vector<16xf32>
      %add3A_1585 = arith.addf %add3A_1564, %mul3A_1584 : vector<16xf32>
      %mul3A_1586 = arith.mulf %gather3A_1582, %gather3A_1582 : vector<16xf32>
      %add3A_1587 = arith.addf %add3A_1566, %mul3A_1586 : vector<16xf32>
      %mul3A_1588 = arith.mulf %gather3A_1583, %gather3A_1583 : vector<16xf32>
      %add3A_1589 = arith.addf %add3A_1568, %mul3A_1588 : vector<16xf32>
      %mul3A_1590 = arith.mulf %gather3A_1581, %gather3A_1583 : vector<16xf32>
      %add3A_1591 = arith.addf %add3A_1570, %mul3A_1590 : vector<16xf32>
      %mul3A_1592 = arith.mulf %gather3A_1581, %gather3A_1582 : vector<16xf32>
      %add3A_1593 = arith.addf %add3A_1572, %mul3A_1592 : vector<16xf32>
      %mul3A_1594 = arith.mulf %gather3A_1583, %gather3A_1582 : vector<16xf32>
      %add3A_1595 = arith.addf %add3A_1574, %mul3A_1594 : vector<16xf32>
      %bitcast_convert_type3A = tpu.bitcast %add3A_1585 : vector<16xf32> -> vector<16xi32>
      %shift_right_arithmetic3A = arith.constant 1 : i32
      %shift_right_arithmetic3A_1596 = vector.broadcast %shift_right_arithmetic3A : i32 to vector<16xi32>
      %shift_right_arithmetic3A_1597 = arith.shrsi %bitcast_convert_type3A, %shift_right_arithmetic3A_1596 : vector<16xi32>
      %sub3A = arith.constant 1597463007 : i32
      %sub3A_1598 = vector.broadcast %sub3A : i32 to vector<16xi32>
      %sub3A_1599 = arith.subi %sub3A_1598, %shift_right_arithmetic3A_1597 : vector<16xi32>
      %bitcast_convert_type3A_1600 = tpu.bitcast %sub3A_1599 : vector<16xi32> -> vector<16xf32>
      %mul3A_1601 = arith.constant 5.000000e-01 : f32
      %mul3A_1602 = vector.broadcast %mul3A_1601 : f32 to vector<16xf32>
      %mul3A_1603 = arith.mulf %mul3A_1602, %add3A_1585 : vector<16xf32>
      %mul3A_1604 = arith.mulf %mul3A_1603, %bitcast_convert_type3A_1600 : vector<16xf32>
      %mul3A_1605 = arith.mulf %mul3A_1604, %bitcast_convert_type3A_1600 : vector<16xf32>
      %sub3A_1606 = arith.constant 1.500000e+00 : f32
      %sub3A_1607 = vector.broadcast %sub3A_1606 : f32 to vector<16xf32>
      %sub3A_1608 = arith.subf %sub3A_1607, %mul3A_1605 : vector<16xf32>
      %mul3A_1609 = arith.mulf %bitcast_convert_type3A_1600, %sub3A_1608 : vector<16xf32>
      %mul3A_1610 = arith.mulf %mul3A_1603, %mul3A_1609 : vector<16xf32>
      %mul3A_1611 = arith.mulf %mul3A_1610, %mul3A_1609 : vector<16xf32>
      %sub3A_1612 = arith.constant 1.500000e+00 : f32
      %sub3A_1613 = vector.broadcast %sub3A_1612 : f32 to vector<16xf32>
      %sub3A_1614 = arith.subf %sub3A_1613, %mul3A_1611 : vector<16xf32>
      %mul3A_1615 = arith.mulf %mul3A_1609, %sub3A_1614 : vector<16xf32>
      %mul3A_1616 = arith.mulf %mul3A_1603, %mul3A_1615 : vector<16xf32>
      %mul3A_1617 = arith.mulf %mul3A_1616, %mul3A_1615 : vector<16xf32>
      %sub3A_1618 = arith.constant 1.500000e+00 : f32
      %sub3A_1619 = vector.broadcast %sub3A_1618 : f32 to vector<16xf32>
      %sub3A_1620 = arith.subf %sub3A_1619, %mul3A_1617 : vector<16xf32>
      %mul3A_1621 = arith.mulf %mul3A_1615, %sub3A_1620 : vector<16xf32>
      %mul3A_1622 = arith.mulf %add3A_1585, %mul3A_1621 : vector<16xf32>
      %max3A = arith.constant 9.99999996E-13 : f32
      %max3A_1623 = vector.broadcast %max3A : f32 to vector<16xf32>
      %max3A_1624 = arith.maximumf %mul3A_1622, %max3A_1623 : vector<16xf32>
      %div3A = arith.constant 1.000000e+00 : f32
      %div3A_1625 = vector.broadcast %div3A : f32 to vector<16xf32>
      %div3A_1626 = arith.divf %div3A_1625, %max3A_1624 : vector<16xf32>
      %bitcast_convert_type3A_1627 = tpu.bitcast %add3A_1587 : vector<16xf32> -> vector<16xi32>
      %shift_right_arithmetic3A_1628 = arith.constant 1 : i32
      %shift_right_arithmetic3A_1629 = vector.broadcast %shift_right_arithmetic3A_1628 : i32 to vector<16xi32>
      %shift_right_arithmetic3A_1630 = arith.shrsi %bitcast_convert_type3A_1627, %shift_right_arithmetic3A_1629 : vector<16xi32>
      %sub3A_1631 = arith.constant 1597463007 : i32
      %sub3A_1632 = vector.broadcast %sub3A_1631 : i32 to vector<16xi32>
      %sub3A_1633 = arith.subi %sub3A_1632, %shift_right_arithmetic3A_1630 : vector<16xi32>
      %bitcast_convert_type3A_1634 = tpu.bitcast %sub3A_1633 : vector<16xi32> -> vector<16xf32>
      %mul3A_1635 = arith.constant 5.000000e-01 : f32
      %mul3A_1636 = vector.broadcast %mul3A_1635 : f32 to vector<16xf32>
      %mul3A_1637 = arith.mulf %mul3A_1636, %add3A_1587 : vector<16xf32>
      %mul3A_1638 = arith.mulf %mul3A_1637, %bitcast_convert_type3A_1634 : vector<16xf32>
      %mul3A_1639 = arith.mulf %mul3A_1638, %bitcast_convert_type3A_1634 : vector<16xf32>
      %sub3A_1640 = arith.constant 1.500000e+00 : f32
      %sub3A_1641 = vector.broadcast %sub3A_1640 : f32 to vector<16xf32>
      %sub3A_1642 = arith.subf %sub3A_1641, %mul3A_1639 : vector<16xf32>
      %mul3A_1643 = arith.mulf %bitcast_convert_type3A_1634, %sub3A_1642 : vector<16xf32>
      %mul3A_1644 = arith.mulf %mul3A_1637, %mul3A_1643 : vector<16xf32>
      %mul3A_1645 = arith.mulf %mul3A_1644, %mul3A_1643 : vector<16xf32>
      %sub3A_1646 = arith.constant 1.500000e+00 : f32
      %sub3A_1647 = vector.broadcast %sub3A_1646 : f32 to vector<16xf32>
      %sub3A_1648 = arith.subf %sub3A_1647, %mul3A_1645 : vector<16xf32>
      %mul3A_1649 = arith.mulf %mul3A_1643, %sub3A_1648 : vector<16xf32>
      %mul3A_1650 = arith.mulf %mul3A_1637, %mul3A_1649 : vector<16xf32>
      %mul3A_1651 = arith.mulf %mul3A_1650, %mul3A_1649 : vector<16xf32>
      %sub3A_1652 = arith.constant 1.500000e+00 : f32
      %sub3A_1653 = vector.broadcast %sub3A_1652 : f32 to vector<16xf32>
      %sub3A_1654 = arith.subf %sub3A_1653, %mul3A_1651 : vector<16xf32>
      %mul3A_1655 = arith.mulf %mul3A_1649, %sub3A_1654 : vector<16xf32>
      %mul3A_1656 = arith.mulf %add3A_1587, %mul3A_1655 : vector<16xf32>
      %max3A_1657 = arith.constant 9.99999996E-13 : f32
      %max3A_1658 = vector.broadcast %max3A_1657 : f32 to vector<16xf32>
      %max3A_1659 = arith.maximumf %mul3A_1656, %max3A_1658 : vector<16xf32>
      %div3A_1660 = arith.constant 1.000000e+00 : f32
      %div3A_1661 = vector.broadcast %div3A_1660 : f32 to vector<16xf32>
      %div3A_1662 = arith.divf %div3A_1661, %max3A_1659 : vector<16xf32>
      %bitcast_convert_type3A_1663 = tpu.bitcast %add3A_1589 : vector<16xf32> -> vector<16xi32>
      %shift_right_arithmetic3A_1664 = arith.constant 1 : i32
      %shift_right_arithmetic3A_1665 = vector.broadcast %shift_right_arithmetic3A_1664 : i32 to vector<16xi32>
      %shift_right_arithmetic3A_1666 = arith.shrsi %bitcast_convert_type3A_1663, %shift_right_arithmetic3A_1665 : vector<16xi32>
      %sub3A_1667 = arith.constant 1597463007 : i32
      %sub3A_1668 = vector.broadcast %sub3A_1667 : i32 to vector<16xi32>
      %sub3A_1669 = arith.subi %sub3A_1668, %shift_right_arithmetic3A_1666 : vector<16xi32>
      %bitcast_convert_type3A_1670 = tpu.bitcast %sub3A_1669 : vector<16xi32> -> vector<16xf32>
      %mul3A_1671 = arith.constant 5.000000e-01 : f32
      %mul3A_1672 = vector.broadcast %mul3A_1671 : f32 to vector<16xf32>
      %mul3A_1673 = arith.mulf %mul3A_1672, %add3A_1589 : vector<16xf32>
      %mul3A_1674 = arith.mulf %mul3A_1673, %bitcast_convert_type3A_1670 : vector<16xf32>
      %mul3A_1675 = arith.mulf %mul3A_1674, %bitcast_convert_type3A_1670 : vector<16xf32>
      %sub3A_1676 = arith.constant 1.500000e+00 : f32
      %sub3A_1677 = vector.broadcast %sub3A_1676 : f32 to vector<16xf32>
      %sub3A_1678 = arith.subf %sub3A_1677, %mul3A_1675 : vector<16xf32>
      %mul3A_1679 = arith.mulf %bitcast_convert_type3A_1670, %sub3A_1678 : vector<16xf32>
      %mul3A_1680 = arith.mulf %mul3A_1673, %mul3A_1679 : vector<16xf32>
      %mul3A_1681 = arith.mulf %mul3A_1680, %mul3A_1679 : vector<16xf32>
      %sub3A_1682 = arith.constant 1.500000e+00 : f32
      %sub3A_1683 = vector.broadcast %sub3A_1682 : f32 to vector<16xf32>
      %sub3A_1684 = arith.subf %sub3A_1683, %mul3A_1681 : vector<16xf32>
      %mul3A_1685 = arith.mulf %mul3A_1679, %sub3A_1684 : vector<16xf32>
      %mul3A_1686 = arith.mulf %mul3A_1673, %mul3A_1685 : vector<16xf32>
      %mul3A_1687 = arith.mulf %mul3A_1686, %mul3A_1685 : vector<16xf32>
      %sub3A_1688 = arith.constant 1.500000e+00 : f32
      %sub3A_1689 = vector.broadcast %sub3A_1688 : f32 to vector<16xf32>
      %sub3A_1690 = arith.subf %sub3A_1689, %mul3A_1687 : vector<16xf32>
      %mul3A_1691 = arith.mulf %mul3A_1685, %sub3A_1690 : vector<16xf32>
      %mul3A_1692 = arith.mulf %add3A_1589, %mul3A_1691 : vector<16xf32>
      %max3A_1693 = arith.constant 9.99999996E-13 : f32
      %max3A_1694 = vector.broadcast %max3A_1693 : f32 to vector<16xf32>
      %max3A_1695 = arith.maximumf %mul3A_1692, %max3A_1694 : vector<16xf32>
      %div3A_1696 = arith.constant 1.000000e+00 : f32
      %div3A_1697 = vector.broadcast %div3A_1696 : f32 to vector<16xf32>
      %div3A_1698 = arith.divf %div3A_1697, %max3A_1695 : vector<16xf32>
      %mul3A_1699 = arith.mulf %add3A_1585, %div3A_1626 : vector<16xf32>
      %mul3A_1700 = arith.mulf %mul3A_1699, %div3A_1626 : vector<16xf32>
      %mul3A_1701 = arith.mulf %add3A_1589, %div3A_1698 : vector<16xf32>
      %mul3A_1702 = arith.mulf %mul3A_1701, %div3A_1698 : vector<16xf32>
      %add3A_1703 = arith.addf %mul3A_1700, %mul3A_1702 : vector<16xf32>
      %mul3A_1704 = arith.mulf %add3A_1587, %div3A_1662 : vector<16xf32>
      %mul3A_1705 = arith.mulf %mul3A_1704, %div3A_1662 : vector<16xf32>
      %add3A_1706 = arith.addf %add3A_1703, %mul3A_1705 : vector<16xf32>
      %mul3A_1707 = arith.mulf %div3A_1626, %div3A_1698 : vector<16xf32>
      %mul3A_1708 = arith.mulf %add3A_1591, %mul3A_1707 : vector<16xf32>
      %mul3A_1709 = arith.mulf %div3A_1626, %div3A_1662 : vector<16xf32>
      %mul3A_1710 = arith.mulf %add3A_1593, %mul3A_1709 : vector<16xf32>
      %sub3A_1711 = arith.subf %mul3A_1708, %mul3A_1710 : vector<16xf32>
      %mul3A_1712 = arith.mulf %div3A_1698, %div3A_1662 : vector<16xf32>
      %mul3A_1713 = arith.mulf %add3A_1595, %mul3A_1712 : vector<16xf32>
      %sub3A_1714 = arith.subf %sub3A_1711, %mul3A_1713 : vector<16xf32>
      %mul3A_1715 = arith.constant 2.000000e+00 : f32
      %mul3A_1716 = vector.broadcast %mul3A_1715 : f32 to vector<16xf32>
      %mul3A_1717 = arith.mulf %mul3A_1716, %sub3A_1714 : vector<16xf32>
      %add3A_1718 = arith.addf %add3A_1706, %mul3A_1717 : vector<16xf32>
      %max3A_1719 = arith.constant 0.000000e+00 : f32
      %max3A_1720 = vector.broadcast %max3A_1719 : f32 to vector<16xf32>
      %max3A_1721 = arith.maximumf %add3A_1718, %max3A_1720 : vector<16xf32>
      %bitcast_convert_type3A_1722 = tpu.bitcast %max3A_1721 : vector<16xf32> -> vector<16xi32>
      %shift_right_arithmetic3A_1723 = arith.constant 1 : i32
      %shift_right_arithmetic3A_1724 = vector.broadcast %shift_right_arithmetic3A_1723 : i32 to vector<16xi32>
      %shift_right_arithmetic3A_1725 = arith.shrsi %bitcast_convert_type3A_1722, %shift_right_arithmetic3A_1724 : vector<16xi32>
      %sub3A_1726 = arith.constant 1597463007 : i32
      %sub3A_1727 = vector.broadcast %sub3A_1726 : i32 to vector<16xi32>
      %sub3A_1728 = arith.subi %sub3A_1727, %shift_right_arithmetic3A_1725 : vector<16xi32>
      %bitcast_convert_type3A_1729 = tpu.bitcast %sub3A_1728 : vector<16xi32> -> vector<16xf32>
      %mul3A_1730 = arith.constant 5.000000e-01 : f32
      %mul3A_1731 = vector.broadcast %mul3A_1730 : f32 to vector<16xf32>
      %mul3A_1732 = arith.mulf %mul3A_1731, %max3A_1721 : vector<16xf32>
      %mul3A_1733 = arith.mulf %mul3A_1732, %bitcast_convert_type3A_1729 : vector<16xf32>
      %mul3A_1734 = arith.mulf %mul3A_1733, %bitcast_convert_type3A_1729 : vector<16xf32>
      %sub3A_1735 = arith.constant 1.500000e+00 : f32
      %sub3A_1736 = vector.broadcast %sub3A_1735 : f32 to vector<16xf32>
      %sub3A_1737 = arith.subf %sub3A_1736, %mul3A_1734 : vector<16xf32>
      %mul3A_1738 = arith.mulf %bitcast_convert_type3A_1729, %sub3A_1737 : vector<16xf32>
      %mul3A_1739 = arith.mulf %mul3A_1732, %mul3A_1738 : vector<16xf32>
      %mul3A_1740 = arith.mulf %mul3A_1739, %mul3A_1738 : vector<16xf32>
      %sub3A_1741 = arith.constant 1.500000e+00 : f32
      %sub3A_1742 = vector.broadcast %sub3A_1741 : f32 to vector<16xf32>
      %sub3A_1743 = arith.subf %sub3A_1742, %mul3A_1740 : vector<16xf32>
      %mul3A_1744 = arith.mulf %mul3A_1738, %sub3A_1743 : vector<16xf32>
      %mul3A_1745 = arith.mulf %mul3A_1732, %mul3A_1744 : vector<16xf32>
      %mul3A_1746 = arith.mulf %mul3A_1745, %mul3A_1744 : vector<16xf32>
      %sub3A_1747 = arith.constant 1.500000e+00 : f32
      %sub3A_1748 = vector.broadcast %sub3A_1747 : f32 to vector<16xf32>
      %sub3A_1749 = arith.subf %sub3A_1748, %mul3A_1746 : vector<16xf32>
      %mul3A_1750 = arith.mulf %mul3A_1744, %sub3A_1749 : vector<16xf32>
      %mul3A_1751 = arith.mulf %max3A_1721, %mul3A_1750 : vector<16xf32>
      %neg3A = arith.constant 0.000000e+00 : f32
      %neg3A_1752 = vector.broadcast %neg3A : f32 to vector<16xf32>
      %neg3A_1753 = arith.subf %neg3A_1752, %mul3A_1751 : vector<16xf32>
      %mul3A_1754 = arith.constant 16 : i32
      %mul3A_1755 = arith.muli %scan3A_249, %mul3A_1754 : i32
      %swap3A = arith.index_cast %mul3A_1755 : i32 to index
      %swap3A_1756 = tpu.vector_load %arg14[%swap3A] {strides = array<i32>} : memref<512xf32, #tpu.memory_space<vmem>>, vector<16xf32>,
      tpu.vector_store %arg14[%swap3A], %neg3A_1753 {strides = array<i32>} : memref<512xf32, #tpu.memory_space<vmem>>, vector<16xf32>,
    }
    %scan3A_246 = arith.constant 32 : i32
    %mul3A_247 = arith.constant 512 : i32
    %mul3A_248 = arith.muli %add3A, %mul3A_247 : i32
    "tpu.region"() ({
      %run_scoped3A = tpu.sem_alloc : memref<!tpu.dma_semaphore, #tpu.memory_space<semaphore_mem>>
      %dma_start3A_249 = tpu.memref_slice %arg7[%mul3A_248] : memref<16384xf32, #tpu.memory_space<hbm>> -> memref<512xf32, #tpu.memory_space<hbm>>
      %dma_start3A_250 = tpu.memref_slice %arg7[%mul3A_248] : memref<16384xf32, #tpu.memory_space<hbm>> -> memref<512xf32, #tpu.memory_space<hbm>>
      tpu.enqueue_dma source(%arg14 : memref<512xf32, #tpu.memory_space<vmem>>) target(%dma_start3A_250 : memref<512xf32, #tpu.memory_space<hbm>>) target_semaphore(%run_scoped3A : memref<!tpu.dma_semaphore, #tpu.memory_space<semaphore_mem>>)
      %dma_wait3A_251 = tpu.memref_slice %arg7[%mul3A_248] : memref<16384xf32, #tpu.memory_space<hbm>> -> memref<512xf32, #tpu.memory_space<hbm>>
      %dma_wait3A_252 = tpu.memref_slice %arg7[%mul3A_248] : memref<16384xf32, #tpu.memory_space<hbm>> -> memref<512xf32, #tpu.memory_space<hbm>>
      tpu.wait_dma2 semaphore(%run_scoped3A : memref<!tpu.dma_semaphore, #tpu.memory_space<semaphore_mem>>) src(%arg14 : memref<512xf32, #tpu.memory_space<vmem>>) dst(%dma_wait3A_252 : memref<512xf32, #tpu.memory_space<hbm>>)
      tpu.yield
    }) : () -> ()
    return
  }
}

</mosaic_0001>

<sc_bundles>
// kernel: _transe_sc.3.cloned.1.call-start
scs
__scs_entry_jumppad:
0x0: {  	(pc) =	sbr.rel $0x88, $3  }
0x1: {  	(tag) =	ssettag $0x0;
	lr =	simm.s32 $0x1  }
0x2: {  	[smem:$0x3F9C] =	sst lr;
	_ =	strace $0xD0000000  }
0x3: {  	_ = 	snop  }
0x4: {  	_ = 	snop  }
0x5: {  	_ = 	snop  }
0x6: {  	_ = 	snop  }
0x7: {  	_ = 	snop  }
__scs_overlays_trampoline_lowered:
0x8: {  	[smem:$0x3FAB] =	sst s0  }
0x9: {  	[smem:$0x3FAC] =	sst s1  }
0xa: {  	[smem:$0x3FAD] =	sst s2  }
0xb: {  	[smem:$0x3FAE] =	sst s3  }
0xc: {  	[smem:$0x3FAF] =	sst s4  }
0xd: {  	[smem:$0x3FB0] =	sst s5  }
0xe: {  	[smem:$0x3FB1] =	sst s6  }
0xf: {  	[smem:$0x3FB2] =	sst s7  }
0x10: {  	[smem:$0x3FB3] =	sst s8  }
0x11: {  	[smem:$0x3FB4] =	sst s9;
	s0 =	simm.s32 @!p0 $0x0  }
0x12: {  	s1 =	sld [smem:$0x3F9A];
	s0 =	simm.s32 @p0 $0x1  }
0x13: {  	[smem:$0x3FB5] =	sst s0;
	s0 =	simm.s32 @!p1 $0x0  }
0x14: {  	s2 =	sld [smem:$0x3F99];
	s0 =	simm.s32 @p1 $0x1  }
0x15: {  	[smem:$0x3FB6] =	sst s0;
	s0 =	simm.s32 @!p2 $0x0  }
0x16: {  	s3 =	sld [smem:$0x3FDB];
	s0 =	simm.s32 @p2 $0x1  }
0x17: {  	s4 =	simm.s32 $0x1BF5;
	[smem:$0x3FB8] =	sst s0  }
0x18: {  	s0 =	sld [smem:$0x3F9B];
	_ =	swait.ge [sflag:s4], $0x0  }
0x19: {  	s7 =	sld [smem:$0x3F9C]  }
0x1a: {  	s8 =	sadd.s32 $0xFFFFE003, lr  }
0x1b: {  	s9 =	sadd.s32 $0xFFFFFEF7, lr;
	s5 =	simm.s32 $0xFFFFFFFF;
	p2 =	slt.u32 s8, $0xFFFFF086  }
0x1c: {  	p1 =	slt.u32 s9, $0xF7A;
	s5 =	simm.s32 @!p2 $0x0  }
0x1d: {  	s5 =	simm.s32 @p1 $0x1;
	p0 =	seq.s32 s7, s2  }
0x1e: {  	s7 =	smul.u32 @!p0 $0xF7A, s2;
	p2 =	seq.s32 @!p0 s5, $0x0  }
0x1f: {  	s9 =	smul.u32 $0xF7A, s1;
	s8 =	simm.s32 @!p0 $0x1BF5;
	p2 =	por !p2, p0  }
0x20: {  	[sflag:s8] =	ssyncset.s32 @!p0 $0xFFFFF086;
	s6 =	sadd.s32 @!p0 s3, s7;
	s7 =	simm.s32 @!p0 $0x108  }
0x21: {  	s3 =	sadd.s32 s3, s9;
	s6 =	sadd.s32 @!p0 $0x88, s6;
	s7 =	simm.s32 @p2 $0x1082  }
0x22: {  	[simem:s7], [sflag:s8] =	dma.local @!p0 [hbm:s6], $0xF7A  }
0x23: {  	s9 =	sor.u32 $0xD0000000, s2;
	s6 =	simm.s32 $0x108;
	_ =	swait.ge @!p0 [sflag:s8], $0x0  }
0x24: {  	s3 =	sadd.s32 $0x88, s3;
	s6 =	simm.s32 @!p1 $0x1082;
	[sflag:s4] =	ssyncset.s32 $0xFFFFF086  }
0x25: {  	[simem:s6], [sflag:s4] =	dma.local [hbm:s3], $0xF7A  }
0x26: {  	[smem:$0x3F9C] =	sst s1;
	(tag) =	ssettag s2;
	_ =	strace s9  }
0x27: {  	s1 =	sld [smem:$0x3FAC]  }
0x28: {  	s2 =	sld [smem:$0x3FAD]  }
0x29: {  	s4 =	sld [smem:$0x3FAF]  }
0x2a: {  	p0 =	seq.s32 s5, $0x0;
	s5 =	sld [smem:$0x3FB0]  }
0x2b: {  	s6 =	sld [smem:$0x3FB1]  }
0x2c: {  	s7 =	sld [smem:$0x3FB2]  }
0x2d: {  	s3 =	simm.s32 $0x108;
	s8 =	sld [smem:$0x3FB3]  }
0x2e: {  	s3 =	simm.s32 @!p0 $0x1082;
	s9 =	sld [smem:$0x3FB4]  }
0x2f: {  	lr =	sadd.s32 s0, s3;
	s0 =	sld [smem:$0x3FAB]  }
0x30: {  	s3 =	sld [smem:$0x3FAE]  }
0x31: {  	[smem:$0x3FB7] =	sst s10  }
0x32: {  	s10 =	sld [smem:$0x3FB5];
	_ =	sdelay $0x3  }
0x33: {  	p0 =	seq.s32 s10, $0x1;
	s10 =	sld [smem:$0x3FB7];
	_ =	sdelay $0x3  }
0x34: {  	[smem:$0x3FB7] =	sst s10  }
0x35: {  	s10 =	sld [smem:$0x3FB6];
	_ =	sdelay $0x3  }
0x36: {  	p1 =	seq.s32 s10, $0x1;
	s10 =	sld [smem:$0x3FB7];
	_ =	sdelay $0x3  }
0x37: {  	[smem:$0x3FB7] =	sst s10  }
0x38: {  	s10 =	sld [smem:$0x3FB8]  }
0x39: {  	_ = 	snop;
	(pc) =	sbr.ind lr, $3  }
0x3a: {  	_ = 	snop  }
0x3b: {  	_ = 	snop  }
0x3c: {  	p2 =	seq.s32 s10, $0x1;
	s10 =	sld [smem:$0x3FB7]  }
0x3d: {  	_ =	shalt  }
0x3e: {  	_ =	shalt  }
0x3f: {  	_ =	shalt  }
0x40: {  	_ =	shalt  }
0x41: {  	_ =	shalt  }
0x42: {  	_ =	shalt  }
0x43: {  	_ =	shalt  }
0x44: {  	_ =	shalt  }
0x45: {  	_ =	shalt  }
0x46: {  	_ =	shalt  }
0x47: {  	_ =	shalt  }
0x48: {  	_ =	shalt  }
0x49: {  	_ =	shalt  }
0x4a: {  	_ =	shalt  }
0x4b: {  	_ =	shalt  }
0x4c: {  	_ =	shalt  }
0x4d: {  	_ =	shalt  }
0x4e: {  	_ =	shalt  }
0x4f: {  	_ =	shalt  }
0x50: {  	_ =	shalt  }
0x51: {  	_ =	shalt  }
0x52: {  	_ =	shalt  }
0x53: {  	_ =	shalt  }
0x54: {  	_ =	shalt  }
0x55: {  	_ =	shalt  }
0x56: {  	_ =	shalt  }
0x57: {  	_ =	shalt  }
0x58: {  	_ =	shalt  }
0x59: {  	_ =	shalt  }
0x5a: {  	_ =	shalt  }
0x5b: {  	_ =	shalt  }
0x5c: {  	_ =	shalt  }
0x5d: {  	_ =	shalt  }
0x5e: {  	_ =	shalt  }
0x5f: {  	_ =	shalt  }
0x60: {  	_ =	shalt  }
0x61: {  	_ =	shalt  }
0x62: {  	_ =	shalt  }
0x63: {  	_ =	shalt  }
0x64: {  	_ =	shalt  }
0x65: {  	_ =	shalt  }
0x66: {  	_ =	shalt  }
0x67: {  	_ =	shalt  }
0x68: {  	_ =	shalt  }
0x69: {  	_ =	shalt  }
0x6a: {  	_ =	shalt  }
0x6b: {  	_ =	shalt  }
0x6c: {  	_ =	shalt  }
0x6d: {  	_ =	shalt  }
0x6e: {  	_ =	shalt  }
0x6f: {  	_ =	shalt  }
0x70: {  	_ =	shalt  }
0x71: {  	_ =	shalt  }
0x72: {  	_ =	shalt  }
0x73: {  	_ =	shalt  }
0x74: {  	_ =	shalt  }
0x75: {  	_ =	shalt  }
0x76: {  	_ =	shalt  }
0x77: {  	_ =	shalt  }
0x78: {  	_ =	shalt  }
0x79: {  	_ =	shalt  }
0x7a: {  	_ =	shalt  }
0x7b: {  	_ =	shalt  }
0x7c: {  	_ =	shalt  }
0x7d: {  	_ =	shalt  }
0x7e: {  	_ =	shalt  }
0x7f: {  	_ =	shalt  }
0x80: {  	_ =	shalt  }
0x81: {  	_ =	shalt  }
0x82: {  	_ =	shalt  }
0x83: {  	_ =	shalt  }
0x84: {  	_ =	shalt  }
0x85: {  	_ =	shalt  }
0x86: {  	_ =	shalt  }
0x87: {  	_ =	shalt  }
.Lfunc_end0:
.L_simem_size_0:
called_computation_lowered:
.L_overlay_start_0:
0x88: {  	s2 =	sld [smem:$0x3FD9]  }
0x89: {  	s3 =	sld [smem:$0x3FFE];
	_ =	sdelay $0x1  }
0x8a: {  	s1 =	srdreg.scid  }
0x8b: {  	s0 =	sand.u32 $0x1, s1  }
0x8c: {  	s17 =	sshll.u32 s0, $0xA;
	s2 =	sadd.s32 s3, s2  }
0x8d: {  	s2 =	sadd.s32 s2, s17  }
0x8e: {  	[smem:$0x3FC3] =	sst s2  }
0x8f: {  	_ = 	snop  }
0x90: {  	s2 =	sld [smem:$0x3FC9]  }
0x91: {  	s18 =	sld [smem:$0x3FC8]  }
0x92: {  	s4 =	sld [smem:$0x3FC7]  }
0x93: {  	s5 =	sld [smem:$0x3FD0];
	(tm) =	ssettm $0x1  }
0x94: {  	s6 =	sld [smem:$0x3FFB];
	_ =	sdelay $0x3  }
0x95: {  	_ =	strace s6  }
0x96: {  	s6 =	sld [smem:$0x3FFC];
	_ =	sdelay $0x3  }
0x97: {  	_ =	strace s6  }
0x98: {  	s6 =	sld [smem:$0x3FFD];
	_ =	sdelay $0x3  }
0x99: {  	_ =	strace s6  }
0x9a: {  	_ =	strace $0x8FFFFFFF  }
0x9b: {  	s19 =	sld [smem:$0x3FDB];
	_ =	sdelay $0x1  }
0x9c: {  	s7 =	simm.s32 $_scs_section_size  }
0x9d: {  	s8 =	simm.s32 $_size__tile_overlayer_lowered;
	s9 =	simm.s32 $_tile_overlayer_lowered  }
0x9e: {  	s22 =	simm.s32 $0x1BFF;
	s21 =	sshll.u32 s9, $0x1;
	s6 =	sadd.s32 s7, s19  }
0x9f: {  	s10 =	simm.s32 $0x0;
	s20 =	sshll.u32 s8, $0x1;
	s8 =	sadd.s32 s21, s6  }
0xa0: {  	[timem:s10], [sflag:s22] =	dma.local [hbm:s8], s20  }
0xa1: {  	_ =	swait.ge [sflag:s22], s20  }
0xa2: {  	s7 =	ssub.s32 $0x0, s20;
	[sflag:s22] =	ssyncset.done $0x0  }
0xa3: {  	[sflag:s22] =	ssyncadd.s32 s7;
	_ =	sdelay $0x1  }
0xa4: {  	s23 =	simm.s32 $0x1B8B  }
0xa5: {  	_ =	swait.ge [sflag:s23], $0x1  }
0xa6: {  	[sflag:s23] =	ssyncset.done $0x0  }
0xa7: {  	s25 =	simm.s32 $0x1B8E;
	s24 =	sld [smem:$0x3FFE];
	[sflag:s23] =	ssyncadd.s32 $0xFFFFFFFF  }
0xa8: {  	s26 =	simm.s32 $execute0_lowered;
	[smem:$0x3FD2] =	sst s25  }
0xa9: {  	s8 =	sshll.u32 s26, $0x1;
	_ =	strace $0x80000046;
	[dreg:$0x1] =	wrdreg $0xFFFFFFFF  }
0xaa: {  	s28 =	simm.s32 $_size_execute0_lowered;
	s6 =	sadd.s32 s6, s8;
	[dreg:$0x0] =	wrdreg $0x0  }
0xab: {  	s8 =	sshll.u32 s28, $0x1;
	[dreg:$0x2] =	wrdreg s6  }
0xac: {  	[dreg:$0x3] =	wrdreg s8  }
0xad: {  	[dreg:$0x4] =	wrdreg $0xC0  }
0xae: {  	_ =	task [dreg:s10], $0x5FFFF  }
0xaf: {  	[dreg:$0x1] =	wrdreg $0xFFFFFFFF  }
0xb0: {  	[dreg:$0x0] =	wrdreg $0x60  }
0xb1: {  	[dreg:$0x2] =	wrdreg s2  }
0xb2: {  	[dreg:$0x3] =	wrdreg s18  }
0xb3: {  	[dreg:$0x4] =	wrdreg s4  }
0xb4: {  	[dreg:$0x5] =	wrdreg s24  }
0xb5: {  	[dreg:$0x6] =	wrdreg s5  }
0xb6: {  	[dreg:$0x7] =	wrdreg $0x9  }
0xb7: {  	_ =	task.clear_ibuf [dreg:s10], $0x8FFFF;
	_ =	strace $0x90000046  }
0xb8: {  	s29 =	simm.s32 $0x9;
	_ =	strace $0x80000048  }
0xb9: {  	_ =	swait.ge [sflag:s29], $0x1  }
0xba: {  	[sflag:s29] =	ssyncadd.s32 $0xFFFFFFFF  }
0xbb: {  	_ =	strace $0x90000048  }
0xbc: {  	_ =	sfence  }
0xbd: {  	s30 =	sld [smem:$0x0];
	_ =	sdelay $0x2  }
0xbe: {  	s31 =	sshll.u32 s1, $0xD;
	s1 =	sshrl.u32 s1, $0x2  }
0xbf: {  	s3 =	sand.u32 $0x4000, s31;
	s1 =	sadd.s32 s1, s30  }
0xc0: {  	s0 =	sor.u32 s3, s0;
	s1 =	sshll.u32 s1, $0x11  }
0xc1: {  	s0 =	sor.u32 s1, s0  }
0xc2: {  	s0 =	sadd.s32 $0x8F2B, s0  }
0xc3: {  	[sflag:s0] =	ssyncadd.remote.s32 $0x1  }
0xc4: {  	_ =	sfence.sel $0xFFFF  }
0xc5: {  	[dreg:$0x0] =	wrdreg $0xFFFFFFFF;
	(pc) =	sbr.abs _section_cstart, $3  }
0xc6: {  	[dreg:$0x1] =	wrdreg $0xFFFFFFFF  }
0xc7: {  	_ =	task.clear_ibuf [dreg:s10], $0x2FFFF;
	_ =	strace $0x9FFFFFFF  }
0xc8: {  	(tm) =	ssettm $0x7FFFFFFF  }
0xc9: {  	_ =	shalt  }
tec
execute0_lowered:
.L_overlay_start_1:
0x0: {  	(tag) =	ssettag $0x1  }
0x1: {  	v11 =	vlaneseq.u32;
	v0 =	vimm.s32 $0x34333231;
	v1 =	vimm.s32 $0x38373635  }
0x2: {  	v2 =	vimm.s32 $0x3C3B3A39;
	v3 =	vimm.s32 $0x3F3E3D;
	vm0 =	vcmask $0x1F10  }
0x3: {  	v5 =	vimm.s32 $0x3D3C3B3A;
	v6 =	vimm.s32 $0x1003F3E;
	v15 =	vimm.s32 $0x3F3E3D3C  }
0x4: {  	v10 =	vimm.s32 $0x3B3A3938;
	v0 =	vunpack.c.0.s8.s32 v0;
	v4 =	vunpack.c.0.s8.s32 v1  }
0x5: {  	v62 =	vunpack.c.0.s8.s32 v2;
	v1 =	vunpack.c.0.s8.s32 v3;
	v2 =	vimm.s32 $0x35343332  }
0x6: {  	v7 =	vunpack.c.0.s8.s32 v5;
	v14 =	vunpack.c.0.s8.s32 v6;
	v5 =	vadd.s32 $0x25, v11  }
0x7: {  	v8 =	vmovc v4;
	v0 =	vsel vm0, v4, v0;
	v3 =	vsel vm0, v1, v62;
	v4 =	vimm.s32 $0x39383736  }
0x8: {  	v2 =	vunpack.c.0.s8.s32 v2;
	v4 =	vunpack.c.0.s8.s32 v4;
	v0 =	vcombine.low v0, v3  }
0x9: {  	v9 =	vimm.s32 $0x37363534;
	v6 =	vimm.s32 $0x3A393837;
	v63 =	vunpack.c.0.s8.s32 v10;
	[tilespmem:$0x1FC20] =	vst v5  }
0xa: {  	v5 =	vadd.s32 $0x26, v11;
	[tilespmem:$0x1FC40] =	vst v0;
	v0 =	vsel vm0, v4, v2;
	v2 =	vsel vm0, v14, v7  }
0xb: {  	v10 =	vunpack.c.0.s8.s32 v6;
	v6 =	vimm.s32 $0x87654321;
	v0 =	vcombine.low v0, v2  }
0xc: {  	v15 =	vunpack.c.0.s8.s32 v15;
	[tilespmem:$0x1FC30] =	vst v5;
	v5 =	vimm.s32 $0x36353433;
	v6 =	vunpack.c.l.s4.s8 v6  }
0xd: {  	v9 =	vunpack.c.0.s8.s32 v9;
	[tilespmem:$0x1FC60] =	vst v0;
	v0 =	vunpack.c.0.s8.s32 v5;
	v5 =	vimm.s32 $0x3020100  }
0xe: {  	[tilespmem:$0x1FC50] =	vst v7;
	v6 =	vunpack.c.0.s8.s32 v6;
	v7 =	vimm.s32 $0x201003F;
	v5 =	vunpack.c.0.s8.s32 v5  }
0xf: {  	v17 =	vunpack.c.0.s8.s32 v7;
	v7 =	vsel vm0, v63, v9  }
0x10: {  	v9 =	vimm.s32 $0x5040302;
	v6 =	vand.u32 $0xF, v6;
	v5 =	vsel vm0, v5, v15  }
0x11: {  	v18 =	vunpack.c.0.s8.s32 v9;
	v9 =	vimm.s32 $0x98765432;
	v5 =	vcombine.low v7, v5  }
0x12: {  	v3 =	vcombine.low v3, v6;
	v9 =	vunpack.c.l.s4.s8 v9  }
0x13: {  	[tilespmem:$0x1FC70] =	vst v5;
	v5 =	vimm.s32 $0x4030201  }
0x14: {  	s0 =	rddreg [dreg:$0x0];
	[tilespmem:$0x1FCA0] =	vst v3;
	v3 =	vunpack.c.0.s8.s32 v9;
	v5 =	vunpack.c.0.s8.s32 v5  }
0x15: {  	s3 =	rddreg [dreg:$0x1]  }
0x16: {  	s7 =	rddreg [dreg:$0x2];
	v3 =	vand.u32 $0xF, v3;
	v5 =	vsel vm0, v5, v1  }
0x17: {  	s4 =	rddreg [dreg:$0x3];
	s1 =	simm.s32 $0x0;
	v2 =	vcombine.low v2, v3;
	[tilespmem:$0x1FC80] =	vst v5;
	v5 =	vsel vm0, v18, v14  }
0x18: {  	v12 =	vmul.u32 $0x40, v11;
	[smem:$0x7FF] =	sst s1;
	[tilespmem:$0x1FC90] =	vst v5  }
0x19: {  	s8 =	rddreg [dreg:$0x4];
	_ =	strace $0x80000047;
	[tilespmem:$0x1FCB0] =	vst v2  }
0x1a: {  	v13 =	vadd.s32 $0x1, v11;
	[tilespmem:$0x1FD90] =	vst v12  }
0x1b: {  	v27 =	vadd.s32 $0x4, v11;
	[tilespmem:$0x1FDA0] =	vst v13  }
0x1c: {  	v16 =	vadd.s32 $0x2, v11;
	[tilespmem:$0x1FDB0] =	vst v27  }
0x1d: {  	v23 =	vadd.s32 $0x3, v11;
	[tilespmem:$0x1FDC0] =	vst v16  }
0x1e: {  	v34 =	vadd.s32 $0xB, v11;
	[tilespmem:$0x1FDD0] =	vst v23  }
0x1f: {  	v31 =	vadd.s32 $0x8, v11;
	[tilespmem:$0x1FDE0] =	vst v34  }
0x20: {  	v38 =	vadd.s32 $0xF, v11;
	[tilespmem:$0x1FDF0] =	vst v31  }
0x21: {  	v39 =	vor.u32 $0x10, v11;
	[tilespmem:$0x1FE00] =	vst v38  }
0x22: {  	v43 =	vadd.s32 $0x14, v11;
	[tilespmem:$0x1FE10] =	vst v39  }
0x23: {  	v33 =	vadd.s32 $0xA, v11;
	[tilespmem:$0x1FE20] =	vst v43  }
0x24: {  	v28 =	vadd.s32 $0x5, v11;
	[tilespmem:$0x1FE30] =	vst v33  }
0x25: {  	v32 =	vadd.s32 $0x9, v11;
	[tilespmem:$0x1FE40] =	vst v28  }
0x26: {  	v44 =	vadd.s32 $0x15, v11;
	[tilespmem:$0x1FE50] =	vst v32  }
0x27: {  	v37 =	vadd.s32 $0xE, v11;
	[tilespmem:$0x1FE60] =	vst v44  }
0x28: {  	v40 =	vadd.s32 $0x11, v11;
	[tilespmem:$0x1FE70] =	vst v37  }
0x29: {  	v46 =	vadd.s32 $0x17, v11;
	[tilespmem:$0x1FE80] =	vst v40  }
0x2a: {  	v45 =	vadd.s32 $0x16, v11;
	[tilespmem:$0x1FE90] =	vst v46  }
0x2b: {  	v41 =	vadd.s32 $0x12, v11;
	[tilespmem:$0x1FEA0] =	vst v45  }
0x2c: {  	v47 =	vadd.s32 $0x18, v11;
	[tilespmem:$0x1FEB0] =	vst v41  }
0x2d: {  	v49 =	vadd.s32 $0x1A, v11;
	[tilespmem:$0x1FEC0] =	vst v47  }
0x2e: {  	v48 =	vadd.s32 $0x19, v11;
	v7 =	vimm.s32 $0x32107654;
	[tilespmem:$0x1FED0] =	vst v49  }
0x2f: {  	v29 =	vadd.s32 $0x6, v11;
	v7 =	vunpack.c.l.s4.s8 v7;
	[tilespmem:$0x1FEE0] =	vst v48  }
0x30: {  	v42 =	vadd.s32 $0x13, v11;
	[tilespmem:$0x1FEF0] =	vst v29  }
0x31: {  	v35 =	vadd.s32 $0xC, v11;
	v7 =	vunpack.c.0.s8.s32 v7;
	[tilespmem:$0x1FF00] =	vst v42  }
0x32: {  	vm1 =	vcmask $0x2F10;
	vm2 =	vcmask $0x3F30;
	v30 =	vadd.s32 $0x7, v11;
	[tilespmem:$0x1FF10] =	vst v35  }
0x33: {  	v6 =	vimm.s32 $0x43218765;
	v9 =	vand.u32 $0xF, v7;
	v7 =	vimm.s32 $0xB0A0908;
	[tilespmem:$0x1FF20] =	vst v30  }
0x34: {  	v36 =	vadd.s32 $0xD, v11;
	v6 =	vunpack.c.l.s4.s8 v6;
	v7 =	vunpack.c.0.s8.s32 v7;
	[tilespmem:$0x1FF30] =	vst v62  }
0x35: {  	v50 =	vadd.s32 $0x1B, v11;
	v51 =	vadd.s32 $0x1C, v11;
	v9 =	vsel vm1, v9, v15;
	[tilespmem:$0x1FF40] =	vst v36  }
0x36: {  	v6 =	vunpack.c.0.s8.s32 v6;
	v2 =	vsel vm2, v7, v9;
	[tilespmem:$0x1FF50] =	vst v4;
	v5 =	vmovc v15;
	v15 =	vimm.s32 $0x54329876  }
0x37: {  	v52 =	vadd.s32 $0x1D, v11;
	v7 =	vimm.s32 $0xC0B0A09;
	[tilespmem:$0x1FCC0] =	vst v2;
	v2 =	vunpack.c.l.s4.s8 v15  }
0x38: {  	v3 =	vand.u32 $0xF, v6;
	v6 =	vimm.s32 $0x6543A987;
	[tilespmem:$0x1FF60] =	vst v50;
	v9 =	vunpack.c.0.s8.s32 v7  }
0x39: {  	v6 =	vunpack.c.l.s4.s8 v6;
	v1 =	vsel vm1, v3, v1;
	[tilespmem:$0x1FF70] =	vst v51;
	v2 =	vunpack.c.0.s8.s32 v2  }
0x3a: {  	v53 =	vadd.s32 $0x1E, v11;
	v54 =	vadd.s32 $0x1F, v11;
	[tilespmem:$0x1FF80] =	vst v63;
	v1 =	vsel vm2, v9, v1  }
0x3b: {  	v3 =	vimm.s32 $0xA9876543;
	[tilespmem:$0x1FCD0] =	vst v1;
	v1 =	vand.u32 $0xF, v2;
	v2 =	vunpack.c.0.s8.s32 v6  }
0x3c: {  	[tilespmem:$0x1FFA0] =	vst v54;
	v9 =	vimm.s32 $0xE0D0C0B;
	v6 =	vimm.s32 $0xD0C0B0A;
	v1 =	vsel vm1, v1, v14  }
0x3d: {  	[tilespmem:$0x1FFB0] =	vst v53;
	v14 =	vunpack.c.0.s8.s32 v6;
	v6 =	vunpack.c.0.s8.s32 v9;
	v2 =	vand.u32 $0xF, v2  }
0x3e: {  	v60 =	vsel vm0, v10, v0;
	v3 =	vunpack.c.l.s4.s8 v3;
	[tilespmem:$0x1FFC0] =	vst v52;
	v2 =	vsel vm1, v2, v17  }
0x3f: {  	[tilespmem:$0x1FFD0] =	vst v60;
	v9 =	vsel vm2, v6, v2;
	v2 =	vimm.s32 $0x3E3D3C3B  }
0x40: {  	v3 =	vunpack.c.0.s8.s32 v3;
	[tilespmem:$0x1FF90] =	vst v5;
	v0 =	vunpack.c.0.s8.s32 v2  }
0x41: {  	s5 =	srdreg.scid;
	[tilespmem:$0x1FFE0] =	vst v9  }
0x42: {  	s9 =	stileid.u32;
	s11 =	simm.s32 $0x200;
	s12 =	simm.s32 $0x400;
	[tilespmem:$0x1FCE0] =	vst v0;
	v0 =	vand.u32 $0xF, v3  }
0x43: {  	s13 =	simm.s32 $0x80;
	s14 =	simm.s32 $0x600;
	s15 =	simm.s32 $0x8600;
	v3 =	vadd.s32 $0x27, v11;
	[tilespmem:$0x1FCF0] =	vst v0  }
0x44: {  	s16 =	simm.s32 $0x10600;
	s23 =	simm.s32 $0x4600;
	s24 =	simm.s32 $0x300;
	v0 =	vadd.s32 $0x28, v11;
	[tilespmem:$0x1FFF0] =	vst v3  }
0x45: {  	s25 =	simm.s32 $0xC600;
	s26 =	simm.s32 $0x500;
	s28 =	simm.s32 $0x14600;
	[tilespmem:$0x1FD00] =	vst v0;
	v0 =	vadd.s32 $0x29, v11  }
0x46: {  	s29 =	simm.s32 $0x180;
	s30 =	simm.s32 $0x6600;
	s31 =	simm.s32 $0x380;
	[tilespmem:$0x1FD10] =	vst v0;
	v0 =	vadd.s32 $0x2A, v11  }
0x47: {  	s17 =	simm.s32 $0x16600;
	s18 =	simm.s32 $0x1;
	s19 =	simm.s32 $0x18600;
	[tilespmem:$0x1FD20] =	vst v0;
	v0 =	vadd.s32 $0x2B, v11  }
0x48: {  	s20 =	simm.s32 $0x0;
	v55 =	vor.u32 $0x20, v11;
	s2 =	sadd.s32 $0x188A00, s4;
	s5 =	sand.u32 $0x1, s5;
	[tilespmem:$0x1FD30] =	vst v0;
	v0 =	vadd.s32 $0x2C, v11  }
0x49: {  	v56 =	vadd.s32 $0x21, v11;
	s9 =	sshll.u32 s9, $0x7;
	s6 =	ssub.s32 $0x2, s5;
	s5 =	sshll.u32 s5, $0x6;
	v7 =	vimm.s32 $0x6050403;
	[tilespmem:$0x1FD40] =	vst v0;
	v0 =	vadd.s32 $0x2D, v11  }
0x4a: {  	s4 =	sadd.s32 $0x24C000, s4;
	s10 =	sshrl.u32 s6, $0x1;
	s9 =	sor.u32 s5, s9;
	v59 =	vsel vm2, v14, v1;
	v1 =	vimm.s32 $0x76543210;
	[tilespmem:$0x1FD50] =	vst v0;
	v0 =	vadd.s32 $0x2E, v11  }
0x4b: {  	s10 =	ssub.s32 s6, s10;
	s5 =	sadd.s32 s0, s9;
	s6 =	sadd.s32 s3, s9;
	v7 =	vunpack.c.0.s8.s32 v7;
	v1 =	vunpack.c.l.s4.s8 v1;
	[tilespmem:$0x1FD60] =	vst v0;
	v0 =	vadd.s32 $0x2F, v11  }
0x4c: {  	v57 =	vadd.s32 $0x22, v11;
	v58 =	vadd.s32 $0x23, v11;
	s7 =	sadd.s32 s7, s9;
	s8 =	sadd.s32 s8, s9;
	s0 =	simm.s32 $0xE600;
	[tilespmem:$0x1FD70] =	vst v0;
	v0 =	vor.u32 $0x30, v11  }
0x4d: {  	v61 =	vadd.s32 $0x24, v11;
	s3 =	simm.s32 $0x580;
	s9 =	smax.u32 s10, $0x1;
	s10 =	simm.s32 $0x2;
	v7 =	vsel vm0, v7, v17;
	v6 =	vmovc v10;
	v1 =	vunpack.c.0.s8.s32 v1;
	v2 =	vmovc v17;
	[tilespmem:$0x1FD80] =	vst v0  }
.LBB2_1:
0x4e: {  	[tilespmem:s1], [sflag:$0x2] =	stream.linear.gather [hbm4b:s5+s1], $0x200, $0x38;
	[tilespmem:$0x18800] =	vst v63  }
0x4f: {  	_ =	swait.ge [sflag:s10], $0x200  }
0x50: {  	[sflag:s10] =	ssyncset.done $0x0  }
0x51: {  	[sflag:s10] =	ssyncadd.s32 $0xFFFFFE00  }
0x52: {  	[tilespmem:s11], [sflag:$0x2] =	stream.linear.gather [hbm4b:s6+s1], $0x200, $0x38;
	[tilespmem:$0x18800] =	vst v63  }
0x53: {  	_ =	swait.ge [sflag:s10], $0x200  }
0x54: {  	[sflag:s10] =	ssyncset.done $0x0  }
0x55: {  	[sflag:s10] =	ssyncadd.s32 $0xFFFFFE00  }
0x56: {  	[tilespmem:s12], [sflag:$0x2] =	stream.linear.gather [hbm4b:s7+s1], $0x200, $0x38;
	[tilespmem:$0x18800] =	vst v63  }
0x57: {  	_ =	swait.ge [sflag:s10], $0x200  }
0x58: {  	[sflag:s10] =	ssyncset.done $0x0  }
0x59: {  	[sflag:s10] =	ssyncadd.s32 $0xFFFFFE00  }
0x5a: {  	[tilespmem:s14], [sflag:$0x1] =	stream.indirect.gather [hbm4b:s2+s13], $0x40, s1, s13, $0xb8;
	[tilespmem:$0x18800] =	vst v63  }
0x5b: {  	_ = 	snop  }
0x5c: {  	[tilespmem:s15], [sflag:$0x1] =	stream.indirect.gather [hbm4b:s2+s13], $0x40, s11, s13, $0xb8;
	[tilespmem:$0x18800] =	vst v63  }
0x5d: {  	_ = 	snop  }
0x5e: {  	[tilespmem:s16], [sflag:$0x1] =	stream.indirect.gather [hbm4b:s4+s13], $0x40, s12, s13, $0xb8;
	[tilespmem:$0x18800] =	vst v63  }
0x5f: {  	s21 =	simm.s32 $0x2600  }
0x60: {  	[tilespmem:s21], [sflag:$0x1] =	stream.indirect.gather [hbm4b:s2+s13], $0x40, s13, s13, $0xb8;
	[tilespmem:$0x18800] =	vst v63  }
0x61: {  	s22 =	simm.s32 $0xA600;
	s21 =	simm.s32 $0x280  }
0x62: {  	[tilespmem:s22], [sflag:$0x1] =	stream.indirect.gather [hbm4b:s2+s13], $0x40, s21, s13, $0xb8;
	[tilespmem:$0x18800] =	vst v63  }
0x63: {  	s21 =	simm.s32 $0x480;
	s22 =	simm.s32 $0x12600  }
0x64: {  	[tilespmem:s22], [sflag:$0x1] =	stream.indirect.gather [hbm4b:s4+s13], $0x40, s21, s13, $0xb8;
	[tilespmem:$0x18800] =	vst v63  }
0x65: {  	s22 =	simm.s32 $0x100  }
0x66: {  	[tilespmem:s23], [sflag:$0x1] =	stream.indirect.gather [hbm4b:s2+s13], $0x40, s22, s13, $0xb8;
	[tilespmem:$0x18800] =	vst v63  }
0x67: {  	_ = 	snop  }
0x68: {  	[tilespmem:s25], [sflag:$0x1] =	stream.indirect.gather [hbm4b:s2+s13], $0x40, s24, s13, $0xb8;
	[tilespmem:$0x18800] =	vst v63  }
0x69: {  	_ = 	snop  }
0x6a: {  	[tilespmem:s28], [sflag:$0x1] =	stream.indirect.gather [hbm4b:s4+s13], $0x40, s26, s13, $0xb8;
	[tilespmem:$0x18800] =	vst v63  }
0x6b: {  	_ = 	snop  }
0x6c: {  	[tilespmem:s30], [sflag:$0x1] =	stream.indirect.gather [hbm4b:s2+s13], $0x40, s29, s13, $0xb8;
	[tilespmem:$0x18800] =	vst v63  }
0x6d: {  	_ = 	snop  }
0x6e: {  	[tilespmem:s0], [sflag:$0x1] =	stream.indirect.gather [hbm4b:s2+s13], $0x40, s31, s13, $0xb8;
	[tilespmem:$0x18800] =	vst v63  }
0x6f: {  	_ = 	snop  }
0x70: {  	[tilespmem:s17], [sflag:$0x1] =	stream.indirect.gather [hbm4b:s4+s13], $0x40, s3, s13, $0xb8;
	[tilespmem:$0x18800] =	vst v63  }
0x71: {  	_ =	swait.ge [sflag:s18], $0x2000  }
0x72: {  	[sflag:s18] =	ssyncset.done $0x0  }
0x73: {  	[sflag:s18] =	ssyncadd.s32 $0xFFFFE000  }
0x74: {  	_ =	swait.ge [sflag:s18], $0x2000  }
0x75: {  	[sflag:s18] =	ssyncset.done $0x0  }
0x76: {  	[sflag:s18] =	ssyncadd.s32 $0xFFFFE000  }
0x77: {  	_ =	swait.ge [sflag:s18], $0x2000  }
0x78: {  	[sflag:s18] =	ssyncset.done $0x0  }
0x79: {  	[sflag:s18] =	ssyncadd.s32 $0xFFFFE000  }
0x7a: {  	_ =	swait.ge [sflag:s18], $0x2000  }
0x7b: {  	[sflag:s18] =	ssyncset.done $0x0  }
0x7c: {  	[sflag:s18] =	ssyncadd.s32 $0xFFFFE000  }
0x7d: {  	_ =	swait.ge [sflag:s18], $0x2000  }
0x7e: {  	[sflag:s18] =	ssyncset.done $0x0  }
0x7f: {  	[sflag:s18] =	ssyncadd.s32 $0xFFFFE000  }
0x80: {  	_ =	swait.ge [sflag:s18], $0x2000  }
0x81: {  	[sflag:s18] =	ssyncset.done $0x0  }
0x82: {  	[sflag:s18] =	ssyncadd.s32 $0xFFFFE000  }
0x83: {  	_ =	swait.ge [sflag:s18], $0x2000  }
0x84: {  	[sflag:s18] =	ssyncset.done $0x0  }
0x85: {  	[sflag:s18] =	ssyncadd.s32 $0xFFFFE000  }
0x86: {  	_ =	swait.ge [sflag:s18], $0x2000  }
0x87: {  	[sflag:s18] =	ssyncset.done $0x0  }
0x88: {  	[sflag:s18] =	ssyncadd.s32 $0xFFFFE000  }
0x89: {  	_ =	swait.ge [sflag:s18], $0x2000  }
0x8a: {  	[sflag:s18] =	ssyncset.done $0x0  }
0x8b: {  	[sflag:s18] =	ssyncadd.s32 $0xFFFFE000  }
0x8c: {  	_ =	swait.ge [sflag:s18], $0x2000  }
0x8d: {  	[sflag:s18] =	ssyncset.done $0x0  }
0x8e: {  	[sflag:s18] =	ssyncadd.s32 $0xFFFFE000  }
0x8f: {  	_ =	swait.ge [sflag:s18], $0x2000  }
0x90: {  	[sflag:s18] =	ssyncset.done $0x0  }
0x91: {  	[sflag:s18] =	ssyncadd.s32 $0xFFFFE000  }
0x92: {  	_ =	swait.ge [sflag:s18], $0x2000  }
0x93: {  	[sflag:s18] =	ssyncset.done $0x0  }
0x94: {  	s21 =	simm.s32 $0x18600;
	s22 =	simm.s32 $0x0;
	[sflag:s18] =	ssyncadd.s32 $0xFFFFE000  }
.LBB2_2:
0x95: {  	_ =	sdelay $0x1  }
0x96: {  	v10 =	vmov s22  }
0x97: {  	v10 =	vshll.u32 v10, $0x6  }
0x98: {  	v11 =	vlaneseq.u32;
	v0 =	vld [tilespmem:$0x1FDC0];
	v10 =	vor.u32 v12, v10  }
0x99: {  	v11 =	vor.u32 v11, v10;
	_ =	sdelay $0x2  }
0x9a: {  	v12 =	vor.u32 v13, v10  }
0x9b: {  	v16 =	vor.u32 v0, v10;
	v0 =	vld [tilespmem:$0x1FDD0]  }
0x9c: {  	v13 =	vld.idx.msk [tilespmem:v11+s14+$0x0], $0xffff  }
0x9d: {  	v14 =	vld.idx.msk [tilespmem:v11+s15+$0x0], $0xffff  }
0x9e: {  	v11 =	vld.idx.msk [tilespmem:v11+s16+$0x0], $0xffff  }
0x9f: {  	v15 =	vld.idx.msk [tilespmem:v12+s14+$0x0], $0xffff  }
0xa0: {  	v17 =	vld.idx.msk [tilespmem:v12+s15+$0x0], $0xffff  }
0xa1: {  	v12 =	vld.idx.msk [tilespmem:v12+s16+$0x0], $0xffff  }
0xa2: {  	v18 =	vmul.f32 v13, v13;
	v19 =	vmul.f32 v14, v14  }
0xa3: {  	v20 =	vmul.f32 v11, v13;
	v21 =	vmul.f32 v11, v11  }
0xa4: {  	v22 =	vld.idx.msk [tilespmem:v16+s14+$0x0], $0xffff;
	v23 =	vor.u32 v0, v10;
	v13 =	vmul.f32 v14, v13;
	v11 =	vmul.f32 v11, v14  }
0xa5: {  	v24 =	vld.idx.msk [tilespmem:v16+s15+$0x0], $0xffff;
	v14 =	vmul.f32 v15, v15;
	v25 =	vmul.f32 v17, v17  }
0xa6: {  	v26 =	vmul.f32 v12, v12;
	v20 =	vadd.f32 $0.0e+00, v20;
	v13 =	vadd.f32 $0.0e+00, v13  }
0xa7: {  	v16 =	vld.idx.msk [tilespmem:v16+s16+$0x0], $0xffff;
	v11 =	vadd.f32 $0.0e+00, v11;
	v14 =	vadd.f32 v14, v18  }
0xa8: {  	v18 =	vadd.f32 v25, v19;
	v19 =	vadd.f32 v26, v21;
	v21 =	vmul.f32 v12, v15  }
0xa9: {  	v15 =	vmul.f32 v17, v15;
	v12 =	vmul.f32 v12, v17;
	v17 =	vld.idx.msk [tilespmem:v23+s14+$0x0], $0xffff;
	v25 =	vor.u32 v27, v10  }
0xaa: {  	v26 =	vmul.f32 v24, v24;
	v20 =	vadd.f32 v21, v20;
	v21 =	vmul.f32 v22, v22  }
0xab: {  	v13 =	vadd.f32 v15, v13;
	v11 =	vadd.f32 v12, v11;
	v12 =	vld.idx.msk [tilespmem:v23+s15+$0x0], $0xffff  }
0xac: {  	v15 =	vadd.f32 v26, v18;
	v18 =	vmul.f32 v16, v16;
	v14 =	vadd.f32 v21, v14;
	v21 =	vld.idx.msk [tilespmem:v23+s16+$0x0], $0xffff  }
0xad: {  	v26 =	vor.u32 v28, v10;
	v23 =	vmul.f32 v16, v22;
	v22 =	vmul.f32 v24, v22  }
0xae: {  	v18 =	vadd.f32 v18, v19;
	v16 =	vmul.f32 v16, v24;
	v19 =	vmul.f32 v17, v17;
	v24 =	vld.idx.msk [tilespmem:v25+s14+$0x0], $0xffff  }
0xaf: {  	v27 =	vor.u32 v29, v10;
	v13 =	vadd.f32 v22, v13;
	v22 =	vld.idx.msk [tilespmem:v25+s15+$0x0], $0xffff  }
0xb0: {  	v11 =	vadd.f32 v16, v11;
	v14 =	vadd.f32 v19, v14;
	v16 =	vmul.f32 v12, v12;
	v19 =	vld.idx.msk [tilespmem:v25+s16+$0x0], $0xffff  }
0xb1: {  	v20 =	vadd.f32 v23, v20;
	v23 =	vmul.f32 v21, v21;
	v25 =	vmul.f32 v21, v17  }
0xb2: {  	v15 =	vadd.f32 v16, v15;
	v16 =	vmul.f32 v12, v17;
	v12 =	vmul.f32 v21, v12;
	v17 =	vld.idx.msk [tilespmem:v26+s14+$0x0], $0xffff  }
0xb3: {  	v21 =	vmul.f32 v24, v24;
	v18 =	vadd.f32 v23, v18;
	v20 =	vadd.f32 v25, v20;
	v23 =	vld.idx.msk [tilespmem:v26+s15+$0x0], $0xffff  }
0xb4: {  	v13 =	vadd.f32 v16, v13;
	v11 =	vadd.f32 v12, v11;
	v12 =	vmul.f32 v22, v22;
	v16 =	vld.idx.msk [tilespmem:v26+s16+$0x0], $0xffff  }
0xb5: {  	v25 =	vor.u32 v30, v10;
	v14 =	vadd.f32 v21, v14;
	v21 =	vmul.f32 v19, v19  }
0xb6: {  	v26 =	vld.idx.msk [tilespmem:v27+s14+$0x0], $0xffff;
	v12 =	vadd.f32 v12, v15;
	v15 =	vmul.f32 v19, v24;
	v24 =	vmul.f32 v22, v24  }
0xb7: {  	v19 =	vmul.f32 v19, v22;
	v22 =	vld.idx.msk [tilespmem:v27+s15+$0x0], $0xffff;
	v18 =	vadd.f32 v21, v18;
	v21 =	vmul.f32 v17, v17  }
0xb8: {  	v15 =	vadd.f32 v15, v20;
	v13 =	vadd.f32 v24, v13;
	v24 =	vld.idx.msk [tilespmem:v27+s16+$0x0], $0xffff;
	v20 =	vmul.f32 v23, v23  }
0xb9: {  	v11 =	vadd.f32 v19, v11;
	v27 =	vor.u32 v31, v10;
	v19 =	vmul.f32 v16, v16  }
0xba: {  	v14 =	vadd.f32 v21, v14;
	v21 =	vld.idx.msk [tilespmem:v25+s14+$0x0], $0xffff;
	v12 =	vadd.f32 v20, v12;
	v20 =	vmul.f32 v16, v17  }
0xbb: {  	v18 =	vadd.f32 v19, v18;
	v17 =	vmul.f32 v23, v17;
	v16 =	vmul.f32 v16, v23;
	v19 =	vld.idx.msk [tilespmem:v25+s15+$0x0], $0xffff  }
0xbc: {  	v23 =	vmul.f32 v22, v22;
	v25 =	vld.idx.msk [tilespmem:v25+s16+$0x0], $0xffff;
	v15 =	vadd.f32 v20, v15;
	v20 =	vmul.f32 v26, v26  }
0xbd: {  	v13 =	vadd.f32 v17, v13;
	v11 =	vadd.f32 v16, v11;
	v16 =	vmul.f32 v24, v24  }
0xbe: {  	v12 =	vadd.f32 v23, v12;
	v17 =	vmul.f32 v24, v26;
	v23 =	vor.u32 v32, v10  }
0xbf: {  	v14 =	vadd.f32 v20, v14;
	v16 =	vadd.f32 v16, v18;
	v18 =	vmul.f32 v22, v26;
	v20 =	vld.idx.msk [tilespmem:v27+s14+$0x0], $0xffff  }
0xc0: {  	v15 =	vadd.f32 v17, v15;
	v17 =	vmul.f32 v24, v22;
	v24 =	vld.idx.msk [tilespmem:v27+s15+$0x0], $0xffff;
	v32 =	vmul.f32 v19, v19  }
0xc1: {  	v22 =	vmul.f32 v21, v21;
	v26 =	vmul.f32 v25, v25  }
0xc2: {  	v11 =	vadd.f32 v17, v11;
	v17 =	vld.idx.msk [tilespmem:v27+s16+$0x0], $0xffff;
	v12 =	vadd.f32 v32, v12;
	v32 =	vmul.f32 v25, v21  }
0xc3: {  	v13 =	vadd.f32 v18, v13;
	v21 =	vmul.f32 v19, v21;
	v19 =	vmul.f32 v25, v19  }
0xc4: {  	v14 =	vadd.f32 v22, v14;
	v16 =	vadd.f32 v26, v16;
	v22 =	vld.idx.msk [tilespmem:v23+s14+$0x0], $0xffff;
	v25 =	vor.u32 v33, v10  }
0xc5: {  	v33 =	vmul.f32 v20, v20;
	v26 =	vmul.f32 v24, v24;
	v11 =	vadd.f32 v19, v11;
	v19 =	vld.idx.msk [tilespmem:v23+s15+$0x0], $0xffff  }
0xc6: {  	v27 =	vor.u32 v35, v10;
	v15 =	vadd.f32 v32, v15;
	v13 =	vadd.f32 v21, v13;
	v21 =	vld.idx.msk [tilespmem:v23+s16+$0x0], $0xffff  }
0xc7: {  	v14 =	vadd.f32 v33, v14;
	v12 =	vadd.f32 v26, v12;
	v32 =	vmul.f32 v17, v17  }
0xc8: {  	v33 =	vmul.f32 v17, v20;
	v20 =	vmul.f32 v24, v20;
	v26 =	vor.u32 v34, v10  }
0xc9: {  	v17 =	vmul.f32 v17, v24;
	v24 =	vld.idx.msk [tilespmem:v25+s14+$0x0], $0xffff;
	v16 =	vadd.f32 v32, v16;
	v32 =	vmul.f32 v22, v22  }
0xca: {  	v18 =	vld.idx.msk [tilespmem:v25+s16+$0x0], $0xffff;
	v15 =	vadd.f32 v33, v15;
	v13 =	vadd.f32 v20, v13;
	v33 =	vmul.f32 v19, v19  }
0xcb: {  	v20 =	vld.idx.msk [tilespmem:v25+s15+$0x0], $0xffff;
	v11 =	vadd.f32 v17, v11;
	v34 =	vmul.f32 v21, v21;
	v25 =	vmul.f32 v21, v22  }
0xcc: {  	v14 =	vadd.f32 v32, v14;
	v32 =	vmul.f32 v19, v22;
	v22 =	vld.idx.msk [tilespmem:v27+s15+$0x0], $0xffff;
	v12 =	vadd.f32 v33, v12  }
0xcd: {  	v19 =	vmul.f32 v21, v19;
	v21 =	vld.idx.msk [tilespmem:v26+s14+$0x0], $0xffff;
	v16 =	vadd.f32 v34, v16;
	v15 =	vadd.f32 v25, v15  }
0xce: {  	v23 =	vld.idx.msk [tilespmem:v26+s15+$0x0], $0xffff;
	v25 =	vor.u32 v36, v10;
	v33 =	vmul.f32 v24, v24;
	v13 =	vadd.f32 v32, v13  }
0xcf: {  	v11 =	vadd.f32 v19, v11;
	v19 =	vld.idx.msk [tilespmem:v26+s16+$0x0], $0xffff;
	v35 =	vmul.f32 v18, v18;
	v32 =	vmul.f32 v18, v24  }
0xd0: {  	v26 =	vld.idx.msk [tilespmem:v27+s14+$0x0], $0xffff;
	v34 =	vmul.f32 v20, v20;
	v24 =	vmul.f32 v20, v24;
	v14 =	vadd.f32 v33, v14  }
0xd1: {  	v18 =	vmul.f32 v18, v20;
	v16 =	vadd.f32 v35, v16;
	v15 =	vadd.f32 v32, v15  }
0xd2: {  	v12 =	vadd.f32 v34, v12;
	v13 =	vadd.f32 v24, v13;
	v33 =	vmul.f32 v21, v21  }
0xd3: {  	v24 =	vld.idx.msk [tilespmem:v27+s16+$0x0], $0xffff;
	v11 =	vadd.f32 v18, v11;
	v34 =	vmul.f32 v23, v23;
	v32 =	vmul.f32 v23, v21  }
0xd4: {  	v27 =	vor.u32 v37, v10;
	v35 =	vmul.f32 v19, v19;
	v36 =	vmul.f32 v19, v21  }
0xd5: {  	v20 =	vld.idx.msk [tilespmem:v25+s14+$0x0], $0xffff;
	v19 =	vmul.f32 v19, v23;
	v37 =	vmul.f32 v22, v26;
	v23 =	vor.u32 v38, v10  }
0xd6: {  	v21 =	vld.idx.msk [tilespmem:v25+s15+$0x0], $0xffff;
	v14 =	vadd.f32 v33, v14;
	v12 =	vadd.f32 v34, v12;
	v33 =	vmul.f32 v26, v26  }
0xd7: {  	v25 =	vld.idx.msk [tilespmem:v25+s16+$0x0], $0xffff;
	v34 =	vmul.f32 v22, v22;
	v13 =	vadd.f32 v32, v13;
	v16 =	vadd.f32 v35, v16  }
0xd8: {  	v15 =	vadd.f32 v36, v15;
	v11 =	vadd.f32 v19, v11;
	v35 =	vmul.f32 v24, v24  }
0xd9: {  	v14 =	vadd.f32 v33, v14;
	v12 =	vadd.f32 v34, v12;
	v36 =	vmul.f32 v24, v26;
	v19 =	vld.idx.msk [tilespmem:v27+s14+$0x0], $0xffff  }
0xda: {  	v38 =	vmul.f32 v24, v22;
	v24 =	vld.idx.msk [tilespmem:v27+s15+$0x0], $0xffff;
	v13 =	vadd.f32 v37, v13;
	v32 =	vmul.f32 v20, v20  }
0xdb: {  	v34 =	vld.idx.msk [tilespmem:v27+s16+$0x0], $0xffff;
	v16 =	vadd.f32 v35, v16;
	v15 =	vadd.f32 v36, v15;
	v33 =	vmul.f32 v21, v21  }
0xdc: {  	v26 =	vmul.f32 v25, v25;
	v11 =	vadd.f32 v38, v11;
	v35 =	vmul.f32 v25, v20  }
0xdd: {  	v20 =	vmul.f32 v21, v20;
	v21 =	vmul.f32 v25, v21;
	v25 =	vor.u32 v39, v10  }
0xde: {  	v27 =	vor.u32 v41, v10;
	v22 =	vld.idx.msk [tilespmem:v23+s14+$0x0], $0xffff;
	v14 =	vadd.f32 v32, v14;
	v12 =	vadd.f32 v33, v12  }
0xdf: {  	v38 =	vld.idx.msk [tilespmem:v23+s16+$0x0], $0xffff;
	v16 =	vadd.f32 v26, v16;
	v15 =	vadd.f32 v35, v15;
	v26 =	vmul.f32 v24, v24  }
0xe0: {  	v13 =	vadd.f32 v20, v13;
	v20 =	vld.idx.msk [tilespmem:v23+s15+$0x0], $0xffff;
	v36 =	vmul.f32 v19, v19;
	v37 =	vmul.f32 v34, v34  }
0xe1: {  	v39 =	vmul.f32 v34, v19;
	v12 =	vadd.f32 v26, v12;
	v26 =	vor.u32 v40, v10  }
0xe2: {  	v11 =	vadd.f32 v21, v11;
	v19 =	vmul.f32 v24, v19;
	v17 =	vmul.f32 v34, v24;
	v24 =	vld.idx.msk [tilespmem:v25+s14+$0x0], $0xffff  }
0xe3: {  	v14 =	vadd.f32 v36, v14;
	v16 =	vadd.f32 v37, v16;
	v32 =	vmul.f32 v22, v22;
	v33 =	vld.idx.msk [tilespmem:v25+s15+$0x0], $0xffff  }
0xe4: {  	v15 =	vadd.f32 v39, v15;
	v13 =	vadd.f32 v19, v13;
	v35 =	vld.idx.msk [tilespmem:v25+s16+$0x0], $0xffff;
	v36 =	vmul.f32 v38, v38  }
0xe5: {  	v11 =	vadd.f32 v17, v11;
	v25 =	vmul.f32 v38, v22;
	v34 =	vmul.f32 v20, v20  }
0xe6: {  	v14 =	vadd.f32 v32, v14;
	v37 =	vmul.f32 v20, v22;
	v20 =	vmul.f32 v38, v20;
	v21 =	vld.idx.msk [tilespmem:v26+s14+$0x0], $0xffff  }
0xe7: {  	v16 =	vadd.f32 v36, v16;
	v15 =	vadd.f32 v25, v15;
	v25 =	vor.u32 v42, v10;
	v23 =	vld.idx.msk [tilespmem:v26+s15+$0x0], $0xffff  }
0xe8: {  	v12 =	vadd.f32 v34, v12;
	v13 =	vadd.f32 v37, v13;
	v38 =	vmul.f32 v24, v24;
	v40 =	vld.idx.msk [tilespmem:v26+s16+$0x0], $0xffff  }
0xe9: {  	v11 =	vadd.f32 v20, v11;
	v39 =	vmul.f32 v33, v33;
	v41 =	vmul.f32 v35, v35  }
0xea: {  	v32 =	vmul.f32 v35, v24;
	v24 =	vmul.f32 v33, v24;
	v26 =	vld.idx.msk [tilespmem:v27+s14+$0x0], $0xffff;
	v14 =	vadd.f32 v38, v14  }
0xeb: {  	v34 =	vld.idx.msk [tilespmem:v27+s15+$0x0], $0xffff;
	v18 =	vmul.f32 v35, v33;
	v12 =	vadd.f32 v39, v12;
	v16 =	vadd.f32 v41, v16  }
0xec: {  	v15 =	vadd.f32 v32, v15;
	v13 =	vadd.f32 v24, v13;
	v33 =	vmul.f32 v21, v21  }
0xed: {  	v24 =	vld.idx.msk [tilespmem:v27+s16+$0x0], $0xffff;
	v11 =	vadd.f32 v18, v11;
	v35 =	vmul.f32 v23, v23;
	v36 =	vmul.f32 v40, v40  }
0xee: {  	v27 =	vor.u32 v43, v10;
	v37 =	vmul.f32 v40, v21;
	v38 =	vmul.f32 v23, v21  }
0xef: {  	v19 =	vld.idx.msk [tilespmem:v25+s14+$0x0], $0xffff;
	v20 =	vmul.f32 v40, v23;
	v39 =	vmul.f32 v26, v26;
	v14 =	vadd.f32 v33, v14  }
0xf0: {  	v21 =	vld.idx.msk [tilespmem:v25+s15+$0x0], $0xffff;
	v40 =	vmul.f32 v34, v34;
	v12 =	vadd.f32 v35, v12;
	v16 =	vadd.f32 v36, v16  }
0xf1: {  	v25 =	vld.idx.msk [tilespmem:v25+s16+$0x0], $0xffff;
	v43 =	vmul.f32 v34, v26;
	v15 =	vadd.f32 v37, v15;
	v13 =	vadd.f32 v38, v13  }
0xf2: {  	v11 =	vadd.f32 v20, v11;
	v41 =	vmul.f32 v24, v24;
	v42 =	vmul.f32 v24, v26  }
0xf3: {  	v32 =	vld.idx.msk [tilespmem:v27+s14+$0x0], $0xffff;
	v33 =	vor.u32 v44, v10;
	v34 =	vmul.f32 v24, v34;
	v14 =	vadd.f32 v39, v14  }
0xf4: {  	v35 =	vmul.f32 v19, v19;
	v24 =	vld.idx.msk [tilespmem:v27+s15+$0x0], $0xffff;
	v12 =	vadd.f32 v40, v12;
	v16 =	vadd.f32 v41, v16  }
0xf5: {  	v37 =	vld.idx.msk [tilespmem:v27+s16+$0x0], $0xffff;
	v15 =	vadd.f32 v42, v15;
	v13 =	vadd.f32 v43, v13;
	v36 =	vmul.f32 v21, v21  }
0xf6: {  	v11 =	vadd.f32 v34, v11;
	v26 =	vmul.f32 v25, v25;
	v38 =	vmul.f32 v25, v19  }
0xf7: {  	v19 =	vmul.f32 v21, v19;
	v21 =	vmul.f32 v25, v21;
	v25 =	vor.u32 v45, v10  }
0xf8: {  	v27 =	vor.u32 v47, v10;
	v14 =	vadd.f32 v35, v14;
	v12 =	vadd.f32 v36, v12;
	v39 =	vld.idx.msk [tilespmem:v33+s14+$0x0], $0xffff  }
0xf9: {  	v16 =	vadd.f32 v26, v16;
	v15 =	vadd.f32 v38, v15;
	v40 =	vmul.f32 v32, v32;
	v41 =	vld.idx.msk [tilespmem:v33+s15+$0x0], $0xffff  }
0xfa: {  	v26 =	vmul.f32 v24, v24;
	v13 =	vadd.f32 v19, v13;
	v42 =	vmul.f32 v37, v37;
	v43 =	vld.idx.msk [tilespmem:v33+s16+$0x0], $0xffff  }
0xfb: {  	v11 =	vadd.f32 v21, v11;
	v44 =	vmul.f32 v37, v32;
	v20 =	vmul.f32 v24, v32  }
0xfc: {  	v17 =	vmul.f32 v37, v24;
	v12 =	vadd.f32 v26, v12;
	v26 =	vor.u32 v46, v10;
	v24 =	vld.idx.msk [tilespmem:v25+s14+$0x0], $0xffff  }
0xfd: {  	v14 =	vadd.f32 v40, v14;
	v16 =	vadd.f32 v42, v16;
	v46 =	vld.idx.msk [tilespmem:v25+s15+$0x0], $0xffff  }
0xfe: {  	v15 =	vadd.f32 v44, v15;
	v13 =	vadd.f32 v20, v13;
	v33 =	vld.idx.msk [tilespmem:v25+s16+$0x0], $0xffff;
	v45 =	vmul.f32 v39, v39  }
0xff: {  	v11 =	vadd.f32 v17, v11;
	v32 =	vmul.f32 v41, v41;
	v34 =	vmul.f32 v43, v43  }
0x100: {  	v44 =	vld.idx.msk [tilespmem:v27+s15+$0x0], $0xffff;
	v25 =	vmul.f32 v43, v39;
	v35 =	vmul.f32 v41, v39;
	v14 =	vadd.f32 v45, v14  }
0x101: {  	v19 =	vmul.f32 v43, v41;
	v12 =	vadd.f32 v32, v12;
	v36 =	vld.idx.msk [tilespmem:v26+s14+$0x0], $0xffff;
	v16 =	vadd.f32 v34, v16  }
0x102: {  	v15 =	vadd.f32 v25, v15;
	v38 =	vld.idx.msk [tilespmem:v26+s15+$0x0], $0xffff;
	v13 =	vadd.f32 v35, v13;
	v37 =	vmul.f32 v24, v24  }
0x103: {  	v11 =	vadd.f32 v19, v11;
	v40 =	vld.idx.msk [tilespmem:v26+s16+$0x0], $0xffff;
	v39 =	vmul.f32 v46, v46;
	v41 =	vmul.f32 v33, v33  }
0x104: {  	v25 =	vor.u32 v48, v10;
	v42 =	vmul.f32 v33, v24;
	v24 =	vmul.f32 v46, v24  }
0x105: {  	v26 =	vld.idx.msk [tilespmem:v27+s14+$0x0], $0xffff;
	v35 =	vmul.f32 v44, v44;
	v14 =	vadd.f32 v37, v14;
	v12 =	vadd.f32 v39, v12  }
0x106: {  	v18 =	vmul.f32 v33, v46;
	v16 =	vadd.f32 v41, v16;
	v13 =	vadd.f32 v24, v13  }
0x107: {  	v24 =	vld.idx.msk [tilespmem:v27+s16+$0x0], $0xffff;
	v27 =	vor.u32 v49, v10;
	v43 =	vmul.f32 v36, v36;
	v45 =	vmul.f32 v38, v38  }
0x108: {  	v15 =	vadd.f32 v42, v15;
	v46 =	vmul.f32 v40, v40;
	v47 =	vmul.f32 v40, v36  }
0x109: {  	v11 =	vadd.f32 v18, v11;
	v48 =	vld.idx.msk [tilespmem:v25+s14+$0x0], $0xffff;
	v32 =	vmul.f32 v38, v36;
	v19 =	vmul.f32 v40, v38  }
0x10a: {  	v33 =	vld.idx.msk [tilespmem:v25+s15+$0x0], $0xffff;
	v34 =	vmul.f32 v26, v26;
	v38 =	vmul.f32 v44, v26;
	v14 =	vadd.f32 v43, v14  }
0x10b: {  	v25 =	vld.idx.msk [tilespmem:v25+s16+$0x0], $0xffff;
	v40 =	vor.u32 v50, v10;
	v12 =	vadd.f32 v45, v12;
	v16 =	vadd.f32 v46, v16  }
0x10c: {  	v15 =	vadd.f32 v47, v15;
	v13 =	vadd.f32 v32, v13;
	v36 =	vmul.f32 v24, v24;
	v39 =	vld.idx.msk [tilespmem:v27+s14+$0x0], $0xffff  }
0x10d: {  	v11 =	vadd.f32 v19, v11;
	v37 =	vmul.f32 v24, v26;
	v41 =	vmul.f32 v24, v44;
	v24 =	vld.idx.msk [tilespmem:v27+s15+$0x0], $0xffff  }
0x10e: {  	v44 =	vld.idx.msk [tilespmem:v27+s16+$0x0], $0xffff;
	v27 =	vor.u32 v53, v10;
	v14 =	vadd.f32 v34, v14;
	v12 =	vadd.f32 v35, v12  }
0x10f: {  	v13 =	vadd.f32 v38, v13;
	v16 =	vadd.f32 v36, v16;
	v42 =	vmul.f32 v48, v48  }
0x110: {  	v15 =	vadd.f32 v37, v15;
	v43 =	vmul.f32 v33, v33;
	v26 =	vmul.f32 v25, v25  }
0x111: {  	v45 =	vmul.f32 v25, v48;
	v21 =	vmul.f32 v25, v33;
	v25 =	vor.u32 v51, v10  }
0x112: {  	v11 =	vadd.f32 v41, v11;
	v20 =	vmul.f32 v33, v48;
	v46 =	vld.idx.msk [tilespmem:v40+s14+$0x0], $0xffff;
	v14 =	vadd.f32 v42, v14  }
0x113: {  	v48 =	vld.idx.msk [tilespmem:v40+s15+$0x0], $0xffff;
	v12 =	vadd.f32 v43, v12;
	v16 =	vadd.f32 v26, v16;
	v47 =	vmul.f32 v39, v39  }
0x114: {  	v50 =	vld.idx.msk [tilespmem:v40+s16+$0x0], $0xffff;
	v15 =	vadd.f32 v45, v15;
	v26 =	vmul.f32 v24, v24;
	v49 =	vmul.f32 v44, v44  }
0x115: {  	v13 =	vadd.f32 v20, v13;
	v51 =	vmul.f32 v44, v39;
	v19 =	vmul.f32 v24, v39  }
0x116: {  	v17 =	vmul.f32 v44, v24;
	v12 =	vadd.f32 v26, v12;
	v26 =	vor.u32 v52, v10;
	v24 =	vld.idx.msk [tilespmem:v25+s14+$0x0], $0xffff  }
0x117: {  	v11 =	vadd.f32 v21, v11;
	v14 =	vadd.f32 v47, v14;
	v32 =	vld.idx.msk [tilespmem:v25+s15+$0x0], $0xffff  }
0x118: {  	v16 =	vadd.f32 v49, v16;
	v52 =	vmul.f32 v46, v46;
	v15 =	vadd.f32 v51, v15;
	v34 =	vld.idx.msk [tilespmem:v25+s16+$0x0], $0xffff  }
0x119: {  	v13 =	vadd.f32 v19, v13;
	v33 =	vmul.f32 v48, v48;
	v25 =	vmul.f32 v50, v46  }
0x11a: {  	v45 =	vld.idx.msk [tilespmem:v27+s15+$0x0], $0xffff;
	v11 =	vadd.f32 v17, v11;
	v35 =	vmul.f32 v50, v50;
	v36 =	vmul.f32 v48, v46  }
0x11b: {  	v20 =	vmul.f32 v50, v48;
	v15 =	vadd.f32 v25, v15;
	v25 =	vor.u32 v54, v10;
	v37 =	vld.idx.msk [tilespmem:v26+s14+$0x0], $0xffff  }
0x11c: {  	v14 =	vadd.f32 v52, v14;
	v12 =	vadd.f32 v33, v12;
	v38 =	vmul.f32 v24, v24;
	v39 =	vld.idx.msk [tilespmem:v26+s15+$0x0], $0xffff  }
0x11d: {  	v13 =	vadd.f32 v36, v13;
	v41 =	vld.idx.msk [tilespmem:v26+s16+$0x0], $0xffff;
	v43 =	vmul.f32 v34, v24;
	v24 =	vmul.f32 v32, v24  }
0x11e: {  	v16 =	vadd.f32 v35, v16;
	v11 =	vadd.f32 v20, v11;
	v35 =	vor.u32 v56, v10;
	v26 =	vld.idx.msk [tilespmem:v27+s14+$0x0], $0xffff  }
0x11f: {  	v53 =	vmul.f32 v45, v45;
	v40 =	vmul.f32 v32, v32;
	v13 =	vadd.f32 v24, v13;
	v24 =	vld.idx.msk [tilespmem:v27+s16+$0x0], $0xffff  }
0x120: {  	v42 =	vmul.f32 v34, v34;
	v18 =	vmul.f32 v34, v32;
	v49 =	vld.idx.msk [tilespmem:v25+s14+$0x0], $0xffff;
	v27 =	vor.u32 v55, v10  }
0x121: {  	v14 =	vadd.f32 v38, v14;
	v12 =	vadd.f32 v40, v12;
	v51 =	vld.idx.msk [tilespmem:v25+s15+$0x0], $0xffff;
	v44 =	vmul.f32 v37, v37  }
0x122: {  	v16 =	vadd.f32 v42, v16;
	v25 =	vld.idx.msk [tilespmem:v25+s16+$0x0], $0xffff;
	v46 =	vmul.f32 v39, v39;
	v47 =	vmul.f32 v41, v41  }
0x123: {  	v15 =	vadd.f32 v43, v15;
	v48 =	vmul.f32 v41, v37;
	v50 =	vmul.f32 v39, v37  }
0x124: {  	v11 =	vadd.f32 v18, v11;
	v20 =	vmul.f32 v41, v39;
	v52 =	vmul.f32 v26, v26  }
0x125: {  	v33 =	vmul.f32 v45, v26;
	v12 =	vadd.f32 v46, v12;
	v54 =	vmul.f32 v24, v24;
	v34 =	vld.idx.msk [tilespmem:v27+s14+$0x0], $0xffff  }
0x126: {  	v16 =	vadd.f32 v47, v16;
	v32 =	vmul.f32 v24, v26;
	v36 =	vmul.f32 v24, v45;
	v24 =	vld.idx.msk [tilespmem:v27+s15+$0x0], $0xffff  }
0x127: {  	v15 =	vadd.f32 v48, v15;
	v13 =	vadd.f32 v50, v13;
	v26 =	vmul.f32 v25, v25;
	v39 =	vld.idx.msk [tilespmem:v27+s16+$0x0], $0xffff  }
0x128: {  	v40 =	vmul.f32 v25, v49;
	v21 =	vmul.f32 v25, v51;
	v25 =	vor.u32 v57, v10  }
0x129: {  	v41 =	vld.idx.msk [tilespmem:v35+s14+$0x0], $0xffff;
	v38 =	vmul.f32 v51, v51;
	v12 =	vadd.f32 v53, v12;
	v16 =	vadd.f32 v54, v16  }
0x12a: {  	v11 =	vadd.f32 v20, v11;
	v45 =	vld.idx.msk [tilespmem:v35+s16+$0x0], $0xffff;
	v27 =	vor.u32 v61, v10;
	v15 =	vadd.f32 v32, v15  }
0x12b: {  	v43 =	vld.idx.msk [tilespmem:v35+s15+$0x0], $0xffff;
	v12 =	vadd.f32 v38, v12;
	v16 =	vadd.f32 v26, v16;
	v26 =	vmul.f32 v24, v24  }
0x12c: {  	v0 =	vld [tilespmem:$0x1FC20];
	v15 =	vadd.f32 v40, v15;
	v46 =	vmul.f32 v39, v34;
	v20 =	vmul.f32 v24, v34  }
0x12d: {  	v17 =	vmul.f32 v39, v24;
	v24 =	vld.idx.msk [tilespmem:v25+s14+$0x0], $0xffff;
	v12 =	vadd.f32 v26, v12;
	v26 =	vor.u32 v58, v10  }
0x12e: {  	v14 =	vadd.f32 v44, v14;
	v19 =	vmul.f32 v51, v49;
	v13 =	vadd.f32 v33, v13;
	v48 =	vld.idx.msk [tilespmem:v25+s15+$0x0], $0xffff  }
0x12f: {  	v37 =	vmul.f32 v49, v49;
	v50 =	vld.idx.msk [tilespmem:v25+s16+$0x0], $0xffff;
	v25 =	vmul.f32 v45, v41;
	v15 =	vadd.f32 v46, v15  }
0x130: {  	v49 =	vmul.f32 v43, v43;
	v14 =	vadd.f32 v52, v14;
	v13 =	vadd.f32 v19, v13;
	v38 =	vld.idx.msk [tilespmem:v27+s15+$0x0], $0xffff  }
0x131: {  	v11 =	vadd.f32 v36, v11;
	v15 =	vadd.f32 v25, v15;
	v25 =	vor.u32 v0, v10;
	v0 =	vld [tilespmem:$0x1FC30]  }
0x132: {  	v52 =	vmul.f32 v43, v41;
	v42 =	vmul.f32 v34, v34;
	v13 =	vadd.f32 v20, v13;
	v53 =	vld.idx.msk [tilespmem:v26+s14+$0x0], $0xffff  }
0x133: {  	v14 =	vadd.f32 v37, v14;
	v44 =	vmul.f32 v39, v39;
	v54 =	vmul.f32 v24, v24;
	v32 =	vld.idx.msk [tilespmem:v26+s15+$0x0], $0xffff  }
0x134: {  	v13 =	vadd.f32 v52, v13;
	v36 =	vmul.f32 v50, v24;
	v24 =	vmul.f32 v48, v24;
	v34 =	vld.idx.msk [tilespmem:v26+s16+$0x0], $0xffff  }
0x135: {  	v47 =	vmul.f32 v41, v41;
	v11 =	vadd.f32 v21, v11;
	v14 =	vadd.f32 v42, v14;
	v26 =	vld.idx.msk [tilespmem:v27+s14+$0x0], $0xffff  }
0x136: {  	v51 =	vmul.f32 v45, v45;
	v16 =	vadd.f32 v44, v16;
	v13 =	vadd.f32 v24, v13;
	v24 =	vld.idx.msk [tilespmem:v27+s16+$0x0], $0xffff  }
0x137: {  	v19 =	vmul.f32 v45, v43;
	v11 =	vadd.f32 v17, v11;
	v14 =	vadd.f32 v47, v14;
	v42 =	vld.idx.msk [tilespmem:v25+s14+$0x0], $0xffff  }
0x138: {  	v12 =	vadd.f32 v49, v12;
	v33 =	vmul.f32 v48, v48;
	v27 =	vor.u32 v0, v10;
	v44 =	vld.idx.msk [tilespmem:v25+s15+$0x0], $0xffff  }
0x139: {  	v16 =	vadd.f32 v51, v16;
	v35 =	vmul.f32 v50, v50;
	v18 =	vmul.f32 v50, v48;
	v25 =	vld.idx.msk [tilespmem:v25+s16+$0x0], $0xffff  }
0x13a: {  	v51 =	vor.u32 v3, v10;
	v46 =	vmul.f32 v38, v38;
	v0 =	vld [tilespmem:$0x1FD00];
	v39 =	vmul.f32 v32, v32  }
0x13b: {  	v12 =	vadd.f32 v33, v12;
	v40 =	vmul.f32 v34, v34;
	v45 =	vmul.f32 v26, v26  }
0x13c: {  	v16 =	vadd.f32 v35, v16;
	v47 =	vmul.f32 v24, v24;
	v48 =	vmul.f32 v24, v26  }
0x13d: {  	v14 =	vadd.f32 v54, v14;
	v49 =	vmul.f32 v38, v26;
	v52 =	vmul.f32 v24, v38;
	v24 =	vld.idx.msk [tilespmem:v27+s15+$0x0], $0xffff  }
0x13e: {  	v12 =	vadd.f32 v39, v12;
	v16 =	vadd.f32 v40, v16;
	v26 =	vmul.f32 v25, v25  }
0x13f: {  	v33 =	vmul.f32 v25, v42;
	v21 =	vmul.f32 v25, v44;
	v25 =	vor.u32 v0, v10;
	v0 =	vld [tilespmem:$0x1FD10]  }
0x140: {  	v54 =	vmul.f32 v44, v44;
	v12 =	vadd.f32 v46, v12;
	v16 =	vadd.f32 v47, v16  }
0x141: {  	v11 =	vadd.f32 v19, v11  }
0x142: {  	v50 =	vld.idx.msk [tilespmem:v27+s14+$0x0], $0xffff;
	v12 =	vadd.f32 v54, v12;
	v16 =	vadd.f32 v26, v16;
	v26 =	vmul.f32 v24, v24  }
0x143: {  	v15 =	vadd.f32 v36, v15;
	v43 =	vmul.f32 v32, v53;
	v19 =	vmul.f32 v34, v32;
	v32 =	vld.idx.msk [tilespmem:v27+s16+$0x0], $0xffff  }
0x144: {  	v41 =	vmul.f32 v34, v53;
	v12 =	vadd.f32 v26, v12;
	v26 =	vor.u32 v0, v10;
	v0 =	vld [tilespmem:$0x1FD20]  }
0x145: {  	v11 =	vadd.f32 v18, v11;
	v36 =	vld.idx.msk [tilespmem:v51+s15+$0x0], $0xffff  }
0x146: {  	v34 =	vld.idx.msk [tilespmem:v51+s14+$0x0], $0xffff;
	v15 =	vadd.f32 v41, v15  }
0x147: {  	v38 =	vld.idx.msk [tilespmem:v51+s16+$0x0], $0xffff;
	v13 =	vadd.f32 v43, v13;
	v11 =	vadd.f32 v19, v11  }
0x148: {  	v15 =	vadd.f32 v48, v15;
	v19 =	vmul.f32 v24, v50;
	v17 =	vmul.f32 v32, v24;
	v24 =	vld.idx.msk [tilespmem:v25+s14+$0x0], $0xffff  }
0x149: {  	v37 =	vmul.f32 v53, v53;
	v20 =	vmul.f32 v44, v42;
	v27 =	vor.u32 v0, v10;
	v0 =	vld [tilespmem:$0x1FD30]  }
0x14a: {  	v13 =	vadd.f32 v49, v13;
	v15 =	vadd.f32 v33, v15;
	v39 =	vmul.f32 v32, v50;
	v41 =	vld.idx.msk [tilespmem:v25+s15+$0x0], $0xffff  }
0x14b: {  	v14 =	vadd.f32 v37, v14;
	v43 =	vld.idx.msk [tilespmem:v25+s16+$0x0], $0xffff  }
0x14c: {  	v13 =	vadd.f32 v20, v13;
	v25 =	vmul.f32 v38, v34;
	v15 =	vadd.f32 v39, v15;
	v46 =	vld.idx.msk [tilespmem:v26+s14+$0x0], $0xffff  }
0x14d: {  	v53 =	vmul.f32 v42, v42;
	v14 =	vadd.f32 v45, v14;
	v45 =	vmul.f32 v36, v34;
	v48 =	vld.idx.msk [tilespmem:v26+s15+$0x0], $0xffff  }
0x14e: {  	v13 =	vadd.f32 v19, v13;
	v15 =	vadd.f32 v25, v15;
	v25 =	vor.u32 v0, v10;
	v0 =	vld [tilespmem:$0x1FD40]  }
0x14f: {  	v11 =	vadd.f32 v52, v11;
	v35 =	vmul.f32 v50, v50;
	v47 =	vmul.f32 v24, v24;
	v50 =	vld.idx.msk [tilespmem:v26+s16+$0x0], $0xffff  }
0x150: {  	v13 =	vadd.f32 v45, v13;
	v52 =	vmul.f32 v43, v24;
	v24 =	vmul.f32 v41, v24;
	v26 =	vld.idx.msk [tilespmem:v27+s14+$0x0], $0xffff  }
0x151: {  	v54 =	vld.idx.msk [tilespmem:v27+s15+$0x0], $0xffff  }
0x152: {  	v42 =	vmul.f32 v36, v36;
	v14 =	vadd.f32 v53, v14;
	v13 =	vadd.f32 v24, v13;
	v24 =	vld.idx.msk [tilespmem:v27+s16+$0x0], $0xffff  }
0x153: {  	v11 =	vadd.f32 v21, v11;
	v37 =	vmul.f32 v32, v32;
	v27 =	vor.u32 v0, v10;
	v0 =	vld [tilespmem:$0x1FD50]  }
0x154: {  	v40 =	vmul.f32 v34, v34;
	v44 =	vmul.f32 v38, v38;
	v14 =	vadd.f32 v35, v14  }
0x155: {  	v20 =	vmul.f32 v38, v36;
	v16 =	vadd.f32 v37, v16;
	v11 =	vadd.f32 v17, v11  }
0x156: {  	v14 =	vadd.f32 v40, v14;
	v12 =	vadd.f32 v42, v12  }
0x157: {  	v16 =	vadd.f32 v44, v16;
	v11 =	vadd.f32 v20, v11;
	v35 =	vld.idx.msk [tilespmem:v25+s14+$0x0], $0xffff  }
0x158: {  	v49 =	vmul.f32 v41, v41;
	v18 =	vmul.f32 v43, v41;
	v44 =	vor.u32 v0, v10;
	v0 =	vld [tilespmem:$0x1FD60]  }
0x159: {  	v14 =	vadd.f32 v47, v14;
	v32 =	vmul.f32 v48, v48;
	v33 =	vmul.f32 v50, v50;
	v37 =	vld.idx.msk [tilespmem:v25+s15+$0x0], $0xffff  }
0x15a: {  	v12 =	vadd.f32 v49, v12;
	v34 =	vmul.f32 v50, v46;
	v25 =	vld.idx.msk [tilespmem:v25+s16+$0x0], $0xffff;
	v40 =	vmul.f32 v24, v24  }
0x15b: {  	v15 =	vadd.f32 v52, v15;
	v41 =	vmul.f32 v24, v26;
	v45 =	vmul.f32 v24, v54;
	v24 =	vld.idx.msk [tilespmem:v27+s15+$0x0], $0xffff  }
0x15c: {  	v36 =	vmul.f32 v48, v46;
	v12 =	vadd.f32 v32, v12;
	v39 =	vmul.f32 v54, v54  }
0x15d: {  	v20 =	vmul.f32 v50, v48;
	v38 =	vmul.f32 v26, v26;
	v52 =	vor.u32 v0, v10;
	v0 =	vld [tilespmem:$0x1FD70]  }
0x15e: {  	v42 =	vmul.f32 v54, v26;
	v12 =	vadd.f32 v39, v12;
	v47 =	vmul.f32 v37, v37  }
0x15f: {  	v26 =	vmul.f32 v25, v25;
	v48 =	vmul.f32 v25, v35  }
0x160: {  	v50 =	vmul.f32 v25, v37;
	v12 =	vadd.f32 v47, v12;
	v25 =	vmul.f32 v24, v24;
	_ =	sdelay $0x1  }
0x161: {  	v51 =	vmul.f32 v43, v43;
	v12 =	vadd.f32 v25, v12;
	v25 =	vor.u32 v0, v10;
	v0 =	vld [tilespmem:$0x1FD80];
	_ =	sdelay $0x1  }
0x162: {  	v29 =	vld [tilespmem:$0x1FCE0];
	v16 =	vadd.f32 v51, v16  }
0x163: {  	v15 =	vadd.f32 v34, v15;
	v43 =	vld.idx.msk [tilespmem:v27+s14+$0x0], $0xffff  }
0x164: {  	v16 =	vadd.f32 v33, v16;
	v27 =	vld.idx.msk [tilespmem:v27+s16+$0x0], $0xffff  }
0x165: {  	v15 =	vadd.f32 v41, v15;
	v41 =	vor.u32 v0, v10;
	v0 =	vld [tilespmem:$0x1FC40]  }
0x166: {  	v53 =	vmul.f32 v46, v46;
	v16 =	vadd.f32 v40, v16;
	v51 =	vld.idx.msk [tilespmem:v44+s14+$0x0], $0xffff  }
0x167: {  	v11 =	vadd.f32 v18, v11;
	v32 =	vld.idx.msk [tilespmem:v44+s16+$0x0], $0xffff  }
0x168: {  	v14 =	vadd.f32 v53, v14;
	v16 =	vadd.f32 v26, v16;
	v26 =	vld.idx.msk [tilespmem:v44+s15+$0x0], $0xffff  }
0x169: {  	v13 =	vadd.f32 v36, v13;
	v11 =	vadd.f32 v20, v11;
	v22 =	vld.idx.msk [tilespmem:v52+s16+$0x0], $0xffff  }
0x16a: {  	v46 =	vmul.f32 v35, v35;
	v54 =	vmul.f32 v27, v27;
	v28 =	vor.u32 v0, v10;
	v0 =	vld [tilespmem:$0x1FC60]  }
0x16b: {  	v14 =	vadd.f32 v38, v14;
	v49 =	vmul.f32 v37, v35;
	v34 =	vmul.f32 v24, v43  }
0x16c: {  	v35 =	vmul.f32 v27, v24;
	v16 =	vadd.f32 v54, v16;
	v39 =	vmul.f32 v32, v32  }
0x16d: {  	v13 =	vadd.f32 v42, v13;
	v24 =	vld.idx.msk [tilespmem:v52+s14+$0x0], $0xffff;
	v37 =	vmul.f32 v26, v26;
	v21 =	vmul.f32 v26, v51  }
0x16e: {  	v38 =	vld.idx.msk [tilespmem:v52+s15+$0x0], $0xffff;
	v19 =	vmul.f32 v32, v26;
	v16 =	vadd.f32 v39, v16;
	v26 =	vmul.f32 v22, v22  }
0x16f: {  	v31 =	vsel vm0, v2, v29;
	v13 =	vadd.f32 v49, v13;
	v47 =	vor.u32 v0, v10;
	v0 =	vld [tilespmem:$0x1FC70]  }
0x170: {  	v11 =	vadd.f32 v45, v11;
	v42 =	vld.idx.msk [tilespmem:v25+s14+$0x0], $0xffff;
	v16 =	vadd.f32 v26, v16;
	v26 =	vcombine.low v60, v31  }
0x171: {  	v15 =	vadd.f32 v48, v15;
	v33 =	vmul.f32 v27, v43;
	v13 =	vadd.f32 v34, v13;
	v45 =	vld.idx.msk [tilespmem:v25+s15+$0x0], $0xffff  }
0x172: {  	v14 =	vadd.f32 v46, v14;
	v53 =	vmul.f32 v43, v43;
	v25 =	vld.idx.msk [tilespmem:v25+s16+$0x0], $0xffff;
	v26 =	vor.u32 v26, v10  }
0x173: {  	v15 =	vadd.f32 v33, v15;
	v40 =	vmul.f32 v32, v51;
	v13 =	vadd.f32 v21, v13;
	v21 =	vld.idx.msk [tilespmem:v41+s14+$0x0], $0xffff  }
0x174: {  	v14 =	vadd.f32 v53, v14;
	v43 =	vmul.f32 v24, v24;
	v53 =	vor.u32 v0, v10;
	v0 =	vld [tilespmem:$0x1FC80]  }
0x175: {  	v15 =	vadd.f32 v40, v15;
	v27 =	vmul.f32 v22, v24;
	v46 =	vmul.f32 v38, v24;
	v24 =	vld.idx.msk [tilespmem:v41+s15+$0x0], $0xffff  }
0x176: {  	v11 =	vadd.f32 v50, v11;
	v36 =	vmul.f32 v51, v51;
	v44 =	vmul.f32 v38, v38;
	v20 =	vld.idx.msk [tilespmem:v41+s16+$0x0], $0xffff  }
0x177: {  	v18 =	vmul.f32 v22, v38;
	v15 =	vadd.f32 v27, v15;
	v27 =	vmul.f32 v25, v25;
	v34 =	vld.idx.msk [tilespmem:v26+s14+$0x0], $0xffff  }
0x178: {  	v50 =	vmul.f32 v25, v42;
	v51 =	vmul.f32 v25, v45;
	v25 =	vsel vm0, v62, v8;
	v38 =	vld.idx.msk [tilespmem:v26+s15+$0x0], $0xffff  }
0x179: {  	v54 =	vcombine.low v25, v0;
	v0 =	vld [tilespmem:$0x1FC50]  }
0x17a: {  	v11 =	vadd.f32 v35, v11;
	v48 =	vmul.f32 v42, v42;
	v17 =	vmul.f32 v45, v42;
	v42 =	vld.idx.msk [tilespmem:v26+s16+$0x0], $0xffff  }
0x17b: {  	v14 =	vadd.f32 v36, v14;
	v12 =	vadd.f32 v37, v12;
	v32 =	vld.idx.msk [tilespmem:v28+s14+$0x0], $0xffff  }
0x17c: {  	v11 =	vadd.f32 v19, v11;
	v33 =	vld.idx.msk [tilespmem:v28+s15+$0x0], $0xffff  }
0x17d: {  	v14 =	vadd.f32 v43, v14;
	v12 =	vadd.f32 v44, v12;
	v37 =	vld.idx.msk [tilespmem:v28+s16+$0x0], $0xffff  }
0x17e: {  	v13 =	vadd.f32 v46, v13;
	v49 =	vmul.f32 v45, v45;
	v25 =	vsel vm0, v0, v4;
	v0 =	vld [tilespmem:$0x1FC90]  }
0x17f: {  	v11 =	vadd.f32 v18, v11;
	v14 =	vadd.f32 v48, v14;
	v39 =	vld.idx.msk [tilespmem:v47+s14+$0x0], $0xffff  }
0x180: {  	v46 =	vsel vm0, v29, v6;
	v12 =	vadd.f32 v49, v12;
	v13 =	vadd.f32 v17, v13;
	v43 =	vld.idx.msk [tilespmem:v47+s15+$0x0], $0xffff  }
0x181: {  	v52 =	vmul.f32 v21, v21;
	v60 =	vmul.f32 v24, v24;
	v44 =	vld.idx.msk [tilespmem:v47+s16+$0x0], $0xffff;
	v17 =	vor.u32 v54, v10  }
0x182: {  	v16 =	vadd.f32 v27, v16;
	v15 =	vadd.f32 v50, v15;
	v35 =	vmul.f32 v20, v21;
	v18 =	vld.idx.msk [tilespmem:v53+s14+$0x0], $0xffff  }
0x183: {  	v14 =	vadd.f32 v52, v14;
	v27 =	vadd.f32 v60, v12;
	v12 =	vld.idx.msk [tilespmem:v53+s15+$0x0], $0xffff;
	v41 =	vcombine.low v25, v0  }
0x184: {  	v45 =	vmul.f32 v32, v32;
	v25 =	vadd.f32 v35, v15;
	v15 =	vmul.f32 v24, v21;
	v0 =	vld [tilespmem:$0x1FCA0]  }
0x185: {  	v62 =	vmul.f32 v20, v20;
	v26 =	vmul.f32 v33, v33;
	v22 =	vld.idx.msk [tilespmem:v53+s16+$0x0], $0xffff;
	v28 =	vor.u32 v41, v10  }
0x186: {  	v29 =	vld.idx.msk [tilespmem:v17+s14+$0x0], $0xffff;
	v40 =	vadd.f32 v15, v13;
	v13 =	vadd.f32 v45, v14;
	v14 =	vcombine.low v46, v7  }
0x187: {  	v20 =	vmul.f32 v20, v24;
	v16 =	vadd.f32 v62, v16;
	v30 =	vmul.f32 v38, v38;
	v23 =	vld.idx.msk [tilespmem:v17+s15+$0x0], $0xffff  }
0x188: {  	v47 =	vmul.f32 v37, v37;
	v35 =	vld.idx.msk [tilespmem:v17+s16+$0x0], $0xffff;
	v15 =	vadd.f32 v26, v27;
	v14 =	vor.u32 v14, v10  }
0x189: {  	v26 =	vmul.f32 v43, v43;
	v27 =	vsel vm0, v5, v63;
	v53 =	vor.u32 v0, v10;
	v0 =	vld [tilespmem:$0x1FCB0]  }
0x18a: {  	v11 =	vadd.f32 v51, v11;
	v48 =	vmul.f32 v39, v39;
	v49 =	vcombine.low v27, v1;
	v19 =	vld.idx.msk [tilespmem:v28+s14+$0x0], $0xffff  }
0x18b: {  	v16 =	vadd.f32 v47, v16;
	v24 =	vmul.f32 v44, v44;
	v50 =	vadd.f32 v26, v15;
	v15 =	vld.idx.msk [tilespmem:v28+s15+$0x0], $0xffff  }
0x18c: {  	v27 =	vmul.f32 v34, v34;
	v13 =	vadd.f32 v48, v13;
	v17 =	vor.u32 v49, v10;
	v26 =	vld.idx.msk [tilespmem:v28+s16+$0x0], $0xffff  }
0x18d: {  	v52 =	vmul.f32 v42, v42;
	v41 =	vadd.f32 v20, v11;
	v51 =	vadd.f32 v30, v50;
	v30 =	vld.idx.msk [tilespmem:v14+s14+$0x0], $0xffff  }
0x18e: {  	v11 =	vmul.f32 v37, v32;
	v16 =	vadd.f32 v24, v16;
	v13 =	vadd.f32 v27, v13;
	v27 =	vld.idx.msk [tilespmem:v14+s15+$0x0], $0xffff  }
0x18f: {  	v24 =	vmul.f32 v18, v18;
	v32 =	vmul.f32 v33, v32;
	v47 =	vor.u32 v0, v10;
	v0 =	vld [tilespmem:$0x1FCF0]  }
0x190: {  	v46 =	vadd.f32 v11, v25;
	v11 =	vadd.f32 v52, v16;
	v52 =	vmul.f32 v37, v33;
	v36 =	vld.idx.msk [tilespmem:v14+s16+$0x0], $0xffff  }
0x191: {  	v60 =	vmul.f32 v22, v22;
	v40 =	vadd.f32 v32, v40;
	v28 =	vmul.f32 v12, v12;
	v16 =	vld.idx.msk [tilespmem:v17+s14+$0x0], $0xffff  }
0x192: {  	v25 =	vmul.f32 v23, v23;
	v50 =	vadd.f32 v52, v41;
	v14 =	vadd.f32 v24, v13;
	v13 =	vld.idx.msk [tilespmem:v17+s15+$0x0], $0xffff  }
0x193: {  	v41 =	vmul.f32 v44, v39;
	v54 =	vadd.f32 v28, v51;
	v24 =	vmul.f32 v29, v29;
	v20 =	vld.idx.msk [tilespmem:v17+s16+$0x0], $0xffff  }
0x194: {  	v11 =	vadd.f32 v60, v11;
	v39 =	vmul.f32 v43, v39;
	v28 =	vld.idx.msk [tilespmem:v53+s14+$0x0], $0xffff;
	v62 =	vcombine.low v31, v0  }
0x195: {  	v14 =	vadd.f32 v24, v14;
	v21 =	vadd.f32 v25, v54;
	v25 =	vmul.f32 v35, v35;
	v0 =	vld [tilespmem:$0x1FCC0]  }
0x196: {  	v37 =	vld.idx.msk [tilespmem:v53+s16+$0x0], $0xffff;
	v63 =	vmul.f32 v15, v15;
	v31 =	vmul.f32 v19, v19;
	v49 =	vor.u32 v62, v10  }
0x197: {  	v51 =	vor.u32 v9, v10;
	v24 =	vld.idx.msk [tilespmem:v53+s15+$0x0], $0xffff;
	v53 =	vmul.f32 v26, v26;
	v25 =	vadd.f32 v25, v11  }
0x198: {  	v21 =	vadd.f32 v63, v21;
	v54 =	vmul.f32 v30, v30;
	v11 =	vld.idx.msk [tilespmem:v47+s14+$0x0], $0xffff;
	v31 =	vadd.f32 v31, v14  }
0x199: {  	v60 =	vmul.f32 v27, v27;
	v32 =	vadd.f32 v53, v25;
	v63 =	vmul.f32 v16, v16;
	v14 =	vld.idx.msk [tilespmem:v47+s15+$0x0], $0xffff  }
0x19a: {  	v62 =	vmul.f32 v36, v36;
	v31 =	vadd.f32 v54, v31;
	v48 =	vor.u32 v0, v10;
	v0 =	vld [tilespmem:$0x1FCD0]  }
0x19b: {  	v53 =	vadd.f32 v41, v46;
	v33 =	vadd.f32 v60, v21;
	v60 =	vmul.f32 v13, v13;
	v17 =	vld.idx.msk [tilespmem:v49+s14+$0x0], $0xffff  }
0x19c: {  	v62 =	vadd.f32 v62, v32;
	v45 =	vadd.f32 v63, v31;
	v63 =	vmul.f32 v20, v20;
	v21 =	vld.idx.msk [tilespmem:v49+s15+$0x0], $0xffff  }
0x19d: {  	v46 =	vadd.f32 v60, v33;
	v60 =	vmul.f32 v24, v24;
	v32 =	vld.idx.msk [tilespmem:v49+s16+$0x0], $0xffff;
	v49 =	vmul.f32 v28, v28  }
0x19e: {  	v54 =	vor.u32 v59, v10;
	v62 =	vadd.f32 v63, v62;
	v63 =	vmul.f32 v37, v37  }
0x19f: {  	v25 =	vld.idx.msk [tilespmem:v47+s16+$0x0], $0xffff;
	v46 =	vadd.f32 v60, v46;
	v60 =	vmul.f32 v11, v11;
	v45 =	vadd.f32 v49, v45  }
0x1a0: {  	v52 =	vor.u32 v0, v10;
	v31 =	vld.idx.msk [tilespmem:v48+s14+$0x0], $0xffff;
	v47 =	vadd.f32 v63, v62;
	v62 =	vmul.f32 v14, v14  }
0x1a1: {  	v3 =	vmovc v8;
	v8 =	vmov v55;
	v33 =	vld.idx.msk [tilespmem:v48+s15+$0x0], $0xffff;
	v45 =	vadd.f32 v60, v45;
	v60 =	vmul.f32 v17, v17  }
0x1a2: {  	v55 =	vadd.f32 v39, v40;
	v40 =	vld.idx.msk [tilespmem:v48+s16+$0x0], $0xffff;
	v46 =	vadd.f32 v62, v46;
	v62 =	vmul.f32 v21, v21  }
0x1a3: {  	v48 =	vadd.f32 v60, v45;
	v45 =	vld.idx.msk [tilespmem:v54+s16+$0x0], $0xffff  }
0x1a4: {  	v49 =	vadd.f32 v62, v46;
	v46 =	vld.idx.msk [tilespmem:v51+s14+$0x0], $0xffff  }
0x1a5: {  	v41 =	vld.idx.msk [tilespmem:v52+s14+$0x0], $0xffff  }
0x1a6: {  	v63 =	vmul.f32 v25, v25;
	v39 =	vld.idx.msk [tilespmem:v52+s15+$0x0], $0xffff  }
0x1a7: {  	v5 =	vmov v56;
	v10 =	vld.idx.msk [tilespmem:v52+s16+$0x0], $0xffff  }
0x1a8: {  	v47 =	vadd.f32 v63, v47;
	v56 =	vmul.f32 v32, v32;
	v52 =	vmul.f32 v44, v43;
	v44 =	vld.idx.msk [tilespmem:v54+s14+$0x0], $0xffff  }
0x1a9: {  	v4 =	vmov v57;
	v43 =	vld.idx.msk [tilespmem:v54+s15+$0x0], $0xffff;
	v57 =	vmul.f32 v31, v31  }
0x1aa: {  	v63 =	vmul.f32 v33, v33;
	v50 =	vadd.f32 v52, v50;
	v52 =	vadd.f32 v56, v47;
	v47 =	vld.idx.msk [tilespmem:v51+s15+$0x0], $0xffff  }
0x1ab: {  	v62 =	vmul.f32 v40, v40;
	v56 =	vadd.f32 v57, v48;
	v48 =	vld.idx.msk [tilespmem:v51+s16+$0x0], $0xffff;
	v51 =	vmul.f32 v42, v34  }
0x1ac: {  	v49 =	vadd.f32 v63, v49;
	v42 =	vmul.f32 v42, v38;
	v63 =	vmul.f32 v41, v41  }
0x1ad: {  	v52 =	vadd.f32 v62, v52;
	v54 =	vmul.f32 v39, v39;
	v62 =	vmul.f32 v10, v10  }
0x1ae: {  	v57 =	vmul.f32 v45, v45;
	v56 =	vadd.f32 v63, v56;
	v63 =	vmul.f32 v44, v44  }
0x1af: {  	v49 =	vadd.f32 v54, v49;
	v52 =	vadd.f32 v62, v52;
	v62 =	vmul.f32 v43, v43  }
0x1b0: {  	v51 =	vadd.f32 v51, v53;
	v56 =	vadd.f32 v63, v56;
	v63 =	vmul.f32 v46, v46  }
0x1b1: {  	v42 =	vadd.f32 v42, v50;
	v53 =	vadd.f32 v62, v49;
	v62 =	vmul.f32 v47, v47  }
0x1b2: {  	v52 =	vadd.f32 v57, v52;
	v49 =	vadd.f32 v63, v56;
	v63 =	vmul.f32 v48, v48  }
0x1b3: {  	v57 =	vmul.f32 v38, v34;
	v34 =	vadd.f32 v62, v53;
	v53 =	vmul.f32 v22, v18  }
0x1b4: {  	v38 =	vadd.f32 v63, v52;
	v62 =	vshra.s32 v49, $0x1;
	v54 =	vmul.f32 $5.000000000e-01, v49  }
0x1b5: {  	v9 =	vmovc v58;
	v0 =	vmovc v1;
	v56 =	vshra.s32 v34, $0x1;
	v58 =	vmul.f32 $5.000000000e-01, v34;
	v52 =	vsub.s32 $0x5F3759DF, v62  }
0x1b6: {  	v1 =	vmovc v3;
	v3 =	vmovc v2;
	v55 =	vadd.f32 v57, v55;
	v56 =	vsub.s32 $0x5F3759DF, v56;
	v62 =	vmul.f32 v52, v54  }
0x1b7: {  	v2 =	vmovc v61;
	v60 =	vmovc v59;
	v59 =	vshra.s32 v38, $0x1;
	v61 =	vmul.f32 $5.000000000e-01, v38;
	v57 =	vmul.f32 v56, v58  }
0x1b8: {  	v18 =	vmul.f32 v12, v18;
	v59 =	vsub.s32 $0x5F3759DF, v59;
	v50 =	vmul.f32 v52, v62  }
0x1b9: {  	v51 =	vadd.f32 v53, v51;
	v63 =	vmul.f32 v59, v61;
	v53 =	vmul.f32 v56, v57  }
0x1ba: {  	v12 =	vmul.f32 v22, v12;
	v62 =	vmul.f32 v35, v29;
	v50 =	vsub.f32 $1.500000000e+00, v50  }
0x1bb: {  	v29 =	vmul.f32 v23, v29;
	v63 =	vmul.f32 v59, v63;
	v53 =	vsub.f32 $1.500000000e+00, v53  }
0x1bc: {  	v12 =	vadd.f32 v12, v42;
	v23 =	vmul.f32 v35, v23;
	v35 =	vmul.f32 v52, v50  }
0x1bd: {  	v57 =	vsub.f32 $1.500000000e+00, v63;
	v42 =	vmul.f32 v56, v53;
	v63 =	vmul.f32 v26, v19  }
0x1be: {  	v18 =	vadd.f32 v18, v55;
	v19 =	vmul.f32 v15, v19;
	v15 =	vmul.f32 v26, v15  }
0x1bf: {  	v22 =	vadd.f32 v62, v51;
	v50 =	vmul.f32 v59, v57;
	v52 =	vmul.f32 v35, v54  }
0x1c0: {  	v18 =	vadd.f32 v29, v18;
	v26 =	vmul.f32 v36, v30;
	v29 =	vmul.f32 v42, v58  }
0x1c1: {  	v12 =	vadd.f32 v23, v12;
	v59 =	vmul.f32 v50, v61;
	v62 =	vmul.f32 v52, v35  }
0x1c2: {  	v30 =	vmul.f32 v27, v30;
	v22 =	vadd.f32 v63, v22;
	v29 =	vmul.f32 v29, v42  }
0x1c3: {  	v18 =	vadd.f32 v19, v18;
	v63 =	vmul.f32 v59, v50;
	v23 =	vsub.f32 $1.500000000e+00, v62  }
0x1c4: {  	v19 =	vmul.f32 v36, v27;
	v22 =	vadd.f32 v26, v22;
	v29 =	vsub.f32 $1.500000000e+00, v29  }
0x1c5: {  	v26 =	vmul.f32 v20, v16;
	v51 =	vsub.f32 $1.500000000e+00, v63;
	v23 =	vmul.f32 v23, v35  }
0x1c6: {  	v12 =	vadd.f32 v15, v12;
	v16 =	vmul.f32 v13, v16;
	v15 =	vmul.f32 v29, v42  }
0x1c7: {  	v27 =	vmul.f32 v51, v50;
	v29 =	vmul.f32 v23, v54  }
0x1c8: {  	v18 =	vadd.f32 v30, v18;
	v13 =	vmul.f32 v20, v13;
	v30 =	vmul.f32 v15, v58  }
0x1c9: {  	v12 =	vadd.f32 v19, v12;
	v35 =	vmul.f32 v27, v61;
	v19 =	vmul.f32 v29, v23  }
0x1ca: {  	v20 =	vmul.f32 v37, v28;
	v22 =	vadd.f32 v26, v22;
	v26 =	vmul.f32 v30, v15  }
0x1cb: {  	v28 =	vmul.f32 v24, v28;
	v29 =	vmul.f32 v35, v27;
	v19 =	vsub.f32 $1.500000000e+00, v19  }
0x1cc: {  	v16 =	vadd.f32 v16, v18;
	v18 =	vmul.f32 v37, v24;
	v26 =	vsub.f32 $1.500000000e+00, v26  }
0x1cd: {  	v12 =	vadd.f32 v13, v12;
	v29 =	vsub.f32 $1.500000000e+00, v29;
	v19 =	vmul.f32 v19, v23  }
0x1ce: {  	v20 =	vadd.f32 v20, v22;
	v22 =	vmul.f32 v25, v11;
	v13 =	vmul.f32 v26, v15  }
0x1cf: {  	v15 =	vmul.f32 v29, v27;
	v19 =	vmul.f32 v19, v49  }
0x1d0: {  	v16 =	vadd.f32 v28, v16;
	v12 =	vadd.f32 v18, v12;
	v13 =	vmul.f32 v13, v34  }
0x1d1: {  	v11 =	vmul.f32 v14, v11;
	v19 =	vmax.f32 v19, $9.999999960e-13;
	v15 =	vmul.f32 v15, v38  }
0x1d2: {  	v14 =	vmul.f32 v25, v14;
	v13 =	vmax.f32 v13, $9.999999960e-13;
	(erf) = vrcp.f32 v19  }
0x1d3: {  	v11 =	vadd.f32 v11, v16;
	(erf) = vrcp.f32 v13;
	v13 =	vmax.f32 v15, $9.999999960e-13  }
0x1d4: {  	v23 =	vadd.f32 v22, v20;
	(erf) = vrcp.f32 v13;
	v13 =	vmul.f32 v32, v17  }
0x1d5: {  	v12 =	vadd.f32 v14, v12;
	v14 =	vmul.f32 v21, v17;
	v15 =	vmul.f32 v32, v21  }
0x1d6: {  	v22 =	vmul.f32 v40, v31;
	v13 =	vadd.f32 v13, v23  }
0x1d7: {  	v11 =	vadd.f32 v14, v11;
	v14 =	vmul.f32 v33, v31;
	v12 =	vadd.f32 v15, v12  }
0x1d8: {  	v15 =	vmul.f32 v40, v33;
	v23 =	vmul.f32 v10, v41;
	v13 =	vadd.f32 v22, v13  }
0x1d9: {  	v11 =	vadd.f32 v14, v11;
	v14 =	vmul.f32 v39, v41  }
0x1da: {  	v12 =	vadd.f32 v15, v12;
	v15 =	vmul.f32 v45, v44;
	v13 =	vadd.f32 v23, v13  }
0x1db: {  	v11 =	vadd.f32 v14, v11;
	v10 =	vmul.f32 v10, v39  }
0x1dc: {  	v20 =	vmul.f32 v43, v44;
	v13 =	vadd.f32 v15, v13;
	v15 =	vmul.f32 v48, v46  }
0x1dd: {  	v10 =	vadd.f32 v10, v12;
	v12 =	vmul.f32 v45, v43;
	v14 =	vpop (erf)  }
0x1de: {  	v11 =	vadd.f32 v20, v11;
	v17 =	vpop (erf);
	v13 =	vadd.f32 v15, v13;
	v15 =	vmul.f32 v47, v46  }
0x1df: {  	v10 =	vadd.f32 v12, v10;
	v12 =	vmul.f32 v48, v47;
	v22 =	vmul.f32 v14, v49;
	v16 =	vpop (erf)  }
0x1e0: {  	v21 =	vmul.f32 v16, v14;
	v11 =	vadd.f32 v15, v11;
	v15 =	vmul.f32 v17, v14  }
0x1e1: {  	v10 =	vadd.f32 v12, v10;
	v23 =	vmul.f32 v16, v38;
	v12 =	vmul.f32 v16, v17  }
0x1e2: {  	v13 =	vmul.f32 v21, v13;
	v11 =	vmul.f32 v15, v11  }
0x1e3: {  	v14 =	vmul.f32 v22, v14;
	v10 =	vmul.f32 v12, v10  }
0x1e4: {  	v12 =	vmul.f32 v17, v34;
	v15 =	vmul.f32 v23, v16;
	v11 =	vsub.f32 v13, v11;
	_ =	sdelay $0x1  }
0x1e5: {  	v12 =	vmul.f32 v12, v17;
	v13 =	vadd.f32 v15, v14;
	v10 =	vsub.f32 v11, v10  }
0x1e6: {  	v53 =	vld [tilespmem:$0x1FFB0]  }
0x1e7: {  	v56 =	vmov v5;
	v5 =	vld [tilespmem:$0x1FF90];
	v11 =	vadd.f32 v13, v12;
	v10 =	vadd.f32 v10, v10  }
0x1e8: {  	v36 =	vld [tilespmem:$0x1FF40]  }
0x1e9: {  	v52 =	vld [tilespmem:$0x1FFC0];
	v10 =	vadd.f32 v10, v11  }
0x1ea: {  	v57 =	vmov v4;
	v4 =	vld [tilespmem:$0x1FF50]  }
0x1eb: {  	v62 =	vld [tilespmem:$0x1FF30];
	v10 =	vmax.f32 v10, $0.0e+00  }
0x1ec: {  	v37 =	vld [tilespmem:$0x1FE70];
	v11 =	vshra.s32 v10, $0x1;
	v12 =	vmul.f32 $5.000000000e-01, v10  }
0x1ed: {  	v42 =	vld [tilespmem:$0x1FF00];
	v11 =	vsub.s32 $0x5F3759DF, v11  }
0x1ee: {  	v63 =	vld [tilespmem:$0x1FF80];
	v13 =	vmul.f32 v11, v12  }
0x1ef: {  	v59 =	vmov v60;
	v60 =	vld [tilespmem:$0x1FFD0]  }
0x1f0: {  	v28 =	vld [tilespmem:$0x1FE40];
	v13 =	vmul.f32 v11, v13  }
0x1f1: {  	v51 =	vld [tilespmem:$0x1FF70]  }
0x1f2: {  	v50 =	vld [tilespmem:$0x1FF60];
	v13 =	vsub.f32 $1.500000000e+00, v13  }
0x1f3: {  	v54 =	vld [tilespmem:$0x1FFA0]  }
0x1f4: {  	v58 =	vmov v9;
	v9 =	vld [tilespmem:$0x1FFE0];
	v11 =	vmul.f32 v11, v13  }
0x1f5: {  	v61 =	vmov v2;
	v2 =	vmov v3;
	v3 =	vld [tilespmem:$0x1FFF0]  }
0x1f6: {  	v30 =	vld [tilespmem:$0x1FF20];
	v13 =	vmul.f32 v11, v12  }
0x1f7: {  	v35 =	vld [tilespmem:$0x1FF10]  }
0x1f8: {  	v31 =	vld [tilespmem:$0x1FDF0];
	v13 =	vmul.f32 v13, v11  }
0x1f9: {  	v29 =	vld [tilespmem:$0x1FEF0]  }
0x1fa: {  	v27 =	vld [tilespmem:$0x1FDB0];
	v13 =	vsub.f32 $1.500000000e+00, v13  }
0x1fb: {  	v32 =	vld [tilespmem:$0x1FE50]  }
0x1fc: {  	v40 =	vld [tilespmem:$0x1FE80];
	v11 =	vmul.f32 v13, v11  }
0x1fd: {  	v33 =	vld [tilespmem:$0x1FE30]  }
0x1fe: {  	v41 =	vld [tilespmem:$0x1FEB0];
	v12 =	vmul.f32 v11, v12  }
0x1ff: {  	v39 =	vld [tilespmem:$0x1FE10]  }
0x200: {  	v44 =	vld [tilespmem:$0x1FE60];
	v12 =	vmul.f32 v12, v11  }
0x201: {  	v45 =	vld [tilespmem:$0x1FEA0]  }
0x202: {  	v43 =	vld [tilespmem:$0x1FE20];
	v12 =	vsub.f32 $1.500000000e+00, v12  }
0x203: {  	v48 =	vld [tilespmem:$0x1FEE0]  }
0x204: {  	v49 =	vld [tilespmem:$0x1FED0];
	v11 =	vmul.f32 v12, v11  }
0x205: {  	p0 =	sne.s32 s22, $0x1F0;
	v46 =	vld [tilespmem:$0x1FE90]  }
.Ltmp0:
0x206: {  	v47 =	vld [tilespmem:$0x1FEC0];
	v10 =	vmul.f32 v11, v10;
	(pc) =	sbr.rel @p0 .LBB2_2-.Ltmp0, $4  }
0x207: {  	v38 =	vld [tilespmem:$0x1FE00]  }
0x208: {  	v34 =	vld [tilespmem:$0x1FDE0];
	v10 =	vsub.f32 $0.0e+00, v10  }
0x209: {  	v13 =	vld [tilespmem:$0x1FDA0]  }
0x20a: {  	s22 =	sadd.s32 $0x10, s22;
	v55 =	vmov v8;
	v8 =	vmov v1;
	v1 =	vmov v0;
	v12 =	vld [tilespmem:$0x1FD90];
	[tilespmem:s21+$0x0] =	vst v10;
	s21 =	sadd.s32 $0x10, s21  }
0x20b: {  	s20 =	sadd.s32 $0x1, s20  }
0x20c: {  	p0 =	sne.s32 s20, s9  }
.Ltmp1:
0x20d: {  	_ = 	snop;
	(pc) =	sbr.rel @p0 .LBB2_1-.Ltmp1, $4  }
0x20e: {  	[hbm4b:s8+s1] =	stream.linear.scatter [tilespmem:s19], [sflag:$0x2], $0x200, $0x38;
	[tilespmem:$0x18800] =	vst v63  }
0x20f: {  	_ =	swait.ge [sflag:s10], $0x200  }
0x210: {  	[sflag:s10] =	ssyncset.done $0x0  }
0x211: {  	[sflag:s10] =	ssyncadd.s32 $0xFFFFFE00  }
0x212: {  	_ =	sfence.sel $0x180000  }
0x213: {  	[bflag:$0x0] =	sbarrier.arrive $0xFFFF  }
0x214: {  	_ =	strace $0x90000047  }
0x215: {  	s0 =	stileid.u32;
	[bflag:$0x2] =	sbarrier.arrive $0xFFFF  }
0x216: {  	p0 =	sne.s32 s0, $0x0;
	s0 =	rddreg [dreg:$0x5]  }
0x217: {  	s0 =	sadd.s32 @!p0 $0x100000, s0  }
0x218: {  	[sflag:s0] =	ssyncadd.tile.s32 @!p0 $0x1;
	_ =	shalt  }
.Lfunc_end2:
_tile_overlayer_lowered:
.L_overlay_start_2:
0x219: {  	(tag) =	ssettag $0x2  }
0x21a: {  	s0 =	rddreg [dreg:$0x0];
	s2 =	stileid.u32  }
0x21b: {  	s1 =	rddreg [dreg:$0x1];
	p0 =	sne.s32 s2, $0x0  }
0x21c: {  	s3 =	rddreg [dreg:$0x2];
	[bflag:$0x3] =	sbarrier.arrive $0xFFFF;
	s2 =	simm.s32 @!p0 $0x1C02  }
0x21d: {  	[timem:s3], [sflag:s2] =	dma.local @!p0 [hbm:s0], s1  }
0x21e: {  	s0 =	simm.s32 @!p0 $0x2  }
0x21f: {  	_ =	swait.ge @!p0 [sflag:s0], s1  }
0x220: {  	s1 =	ssub.s32 @!p0 $0x0, s1;
	[sflag:s0] =	ssyncset.done @!p0 $0x0  }
0x221: {  	[sflag:s0] =	ssyncadd.s32 @!p0 s1  }
0x222: {  	[bflag:$0x3] =	sbarrier.arrive $0xFFFF  }
0x223: {  	_ =	shalt  }

</sc_bundles>
